<compile_context>
chip_gen: v7x
topology: tpu7x:2x2x1
jax: 0.10.2.dev20260603
libtpu: 0.0.44.dev20260713+nightly
codegen_flags: <defaults>
</compile_context>

<pallas_src>
import jax
import jax.numpy as jnp
from jax import lax
from jax.experimental import pallas as pl
from jax.experimental.pallas import tpu as pltpu
from jax.experimental.pallas import tpu_sc as plsc

N, C, H, W = 4, 96, 512, 512
HW = H * W
P = N * HW
L = 16
NC, NS = 2, 16
NW = NC * NS
PW = P // NW
CHUNK = 4096
NCHUNK = PW // CHUNK
GROUPS = CHUNK // L
ROW_T = HW // L
ROW_N = C * HW // L
IMGW = HW // PW


def _sc_body(pred_ref, tgt_ref, out_ref,
             t0, t1, idx0, idx1, rows0, rows1, acc_v,
             sem0, sem1, sem2, sem3, tsem0, tsem1):
    cid = lax.axis_index("c")
    sid = lax.axis_index("s")
    wid = sid * NC + cid
    n = wid // IMGW

    iota = lax.iota(jnp.int32, L)

    ebase = wid * PW + n * (C - 1) * HW

    ts = [t0, t1]
    tsems = [tsem0, tsem1]
    tcopies = {}

    def fire_t(c):
        tcopies[c] = pltpu.async_copy(
            tgt_ref.at[pl.ds(wid * PW + c * CHUNK, CHUNK)],
            ts[c % 2], tsems[c % 2])

    def build_idx(c, idx_ref):
        t_v = ts[c % 2]

        def g_body(j, _):
            for u in range(8):
                o = (j * 8 + u) * L
                tv = t_v[pl.ds(o, L)]
                elems = tv * HW + (ebase + c * CHUNK + o) + iota
                idx_ref[pl.ds(o, L)] = elems
            return 0
        lax.fori_loop(0, GROUPS // 8, g_body, 0)

    def extract(rows_ref, acc):
        def e_body(j, acc):
            for u in range(8):
                g = j * 8 + u
                acc = acc + rows_ref[pl.ds(g * L, L)]
            return acc
        return lax.fori_loop(0, GROUPS // 8, e_body, acc)

    idxs = [idx0, idx1]
    rows = [rows0, rows1]
    sems = [(sem0, sem1), (sem2, sem3)]
    copies = {}
    HC = CHUNK // 2

    def fire(c, b):
        sa, sb = sems[b]
        ca = pltpu.async_copy(
            pred_ref.at[idxs[b].at[pl.ds(0, HC)]],
            rows[b].at[pl.ds(0, HC)], sa)
        cb = pltpu.async_copy(
            pred_ref.at[idxs[b].at[pl.ds(HC, HC)]],
            rows[b].at[pl.ds(HC, HC)], sb)
        copies[c] = (ca, cb)

    fire_t(0)
    fire_t(1)
    tcopies[0].wait()
    build_idx(0, idxs[0])
    fire(0, 0)

    acc = jnp.zeros((L,), jnp.float32)
    for c in range(NCHUNK):
        cur = c % 2
        if c + 1 < NCHUNK:
            nxt = (c + 1) % 2
            tcopies[c + 1].wait()
            if c + 2 < NCHUNK:
                fire_t(c + 2)
            build_idx(c + 1, idxs[nxt])
            fire(c + 1, nxt)
        copies[c][0].wait()
        copies[c][1].wait()
        acc = extract(rows[cur], acc)

    acc_v[...] = acc
    pltpu.sync_copy(acc_v, out_ref.at[pl.ds(wid * L, L)])


@jax.jit
def _nll_sum(table, tgt):
    mesh = plsc.VectorSubcoreMesh(core_axis_name="c", subcore_axis_name="s")
    f = pl.kernel(
        _sc_body,
        out_type=jax.ShapeDtypeStruct((NW * L,), jnp.float32),
        mesh=mesh,
        scratch_types=[
            pltpu.VMEM((CHUNK,), jnp.int32),
            pltpu.VMEM((CHUNK,), jnp.int32),
            pltpu.VMEM((CHUNK,), jnp.int32),
            pltpu.VMEM((CHUNK,), jnp.int32),
            pltpu.VMEM((CHUNK,), jnp.float32),
            pltpu.VMEM((CHUNK,), jnp.float32),
            pltpu.VMEM((L,), jnp.float32),
            pltpu.SemaphoreType.DMA,
            pltpu.SemaphoreType.DMA,
            pltpu.SemaphoreType.DMA,
            pltpu.SemaphoreType.DMA,
            pltpu.SemaphoreType.DMA,
            pltpu.SemaphoreType.DMA,
        ],
    )
    return f(table, tgt)


def kernel(pred, target):
    table = (pred.reshape(N, C, H // 8, 8, W // 128, 128)
             .transpose(0, 1, 2, 4, 3, 5)
             .reshape(-1))
    tgt = (target.astype(jnp.int32)
           .reshape(N, H // 8, 8, W // 128, 128)
           .transpose(0, 1, 3, 2, 4)
           .reshape(-1))
    partials = _nll_sum(table, tgt)
    return -jnp.sum(partials) / P

# --- scband reference (transcript-rebuilt; emitter-appended) ---
"""Pipeline reference for scband-custom-nllloss2d-54107997995587 (READ-ONLY COPY).

The authoritative reference and input builder live on the scoring server;
editing this copy changes nothing except your own understanding.
"""

import jax, jax.numpy as jnp
import numpy as np

def setup_inputs(seed: int = 0) -> dict:
    key = jax.random.key(seed)
    k1, k2 = jax.random.split(key)
    pred = jax.random.normal(k1, (4, 96, 512, 512), dtype=jnp.float32)
    target = jax.random.randint(k2, (4, 512, 512), 0, 96, dtype=jnp.int64)
    return {"pred": pred, "target": target}

def reference(pred, target):
    N, C, H, W = pred.shape
    p = jnp.transpose(pred, (0, 2, 3, 1)).reshape(-1, C)
    t = target.reshape(-1)
    loss = -jnp.take_along_axis(p, t[:, None], axis=1)[:, 0]
    return loss.mean()

if __name__ == "__main__":
    import jax
    _d = setup_inputs()
    print(jax.jit(kernel)(*tuple(_d.values())))

</pallas_src>

<mosaic_0001>
#map = affine_map<(d0, d1) -> (0)>
module attributes {stable_mosaic.version = 14 : i64} {
  func.func @_sc_body(%arg0: i32, %arg1: i32, %arg2: memref<100663296xf32, #tpu.memory_space<hbm>>, %arg3: memref<1048576xi32, #tpu.memory_space<hbm>>, %arg4: memref<512xf32, #tpu.memory_space<hbm>>, %arg5: memref<4096xi32, #tpu.memory_space<vmem>>, %arg6: memref<4096xi32, #tpu.memory_space<vmem>>, %arg7: memref<4096xi32, #tpu.memory_space<vmem>>, %arg8: memref<4096xi32, #tpu.memory_space<vmem>>, %arg9: memref<4096xf32, #tpu.memory_space<vmem>>, %arg10: memref<4096xf32, #tpu.memory_space<vmem>>, %arg11: memref<16xf32, #tpu.memory_space<vmem>>, %arg12: memref<!tpu.dma_semaphore, #tpu.memory_space<semaphore_mem>>, %arg13: memref<!tpu.dma_semaphore, #tpu.memory_space<semaphore_mem>>, %arg14: memref<!tpu.dma_semaphore, #tpu.memory_space<semaphore_mem>>, %arg15: memref<!tpu.dma_semaphore, #tpu.memory_space<semaphore_mem>>, %arg16: memref<!tpu.dma_semaphore, #tpu.memory_space<semaphore_mem>>, %arg17: memref<!tpu.dma_semaphore, #tpu.memory_space<semaphore_mem>>) attributes {dimension_semantics = [#tpu.dimension_semantics<core_parallel>, #tpu.dimension_semantics<subcore_parallel>], iteration_bounds = array<i64: 2, 16>, scalar_prefetch = 0 : i64, scratch_operands = 13 : i64, tpu.core_type = #tpu.core_type<sc_vector_subcore>, window_params = [{transform_indices = #map}, {transform_indices = #map}, {transform_indices = #map}]} {
    %mul3A = arith.constant 2 : i32
    %mul3A_0 = arith.muli %arg1, %mul3A : i32
    %add3A = arith.addi %mul3A_0, %arg0 : i32
    %jit3A = arith.constant 8 : i32
    %div3A = arith.divsi %add3A, %jit3A : i32
    %sign3A = arith.constant 0 : i32
    %sign3A_1 = arith.cmpi sgt, %add3A, %sign3A : i32
    %sign3A_2 = arith.extui %sign3A_1 : i1 to i32
    %sign3A_3 = arith.constant 0 : i32
    %sign3A_4 = arith.cmpi slt, %add3A, %sign3A_3 : i32
    %sign3A_5 = arith.extui %sign3A_4 : i1 to i32
    %sign3A_6 = arith.subi %sign3A_2, %sign3A_5 : i32
    %sign3A_7 = arith.constant 0 : i32
    %sign3A_8 = arith.cmpi sgt, %jit3A, %sign3A_7 : i32
    %sign3A_9 = arith.extui %sign3A_8 : i1 to i32
    %sign3A_10 = arith.constant 0 : i32
    %sign3A_11 = arith.cmpi slt, %jit3A, %sign3A_10 : i32
    %sign3A_12 = arith.extui %sign3A_11 : i1 to i32
    %sign3A_13 = arith.subi %sign3A_9, %sign3A_12 : i32
    %ne3A = arith.cmpi ne, %sign3A_6, %sign3A_13 : i32
    %rem3A = arith.remsi %add3A, %jit3A : i32
    %ne3A_14 = arith.constant 0 : i32
    %ne3A_15 = arith.cmpi ne, %rem3A, %ne3A_14 : i32
    %and3A = arith.andi %ne3A, %ne3A_15 : i1
    %sub3A = arith.constant 1 : i32
    %sub3A_16 = arith.subi %div3A, %sub3A : i32
    %select_n3A = arith.select %and3A, %sub3A_16, %div3A : i32
    %iota3A = tpu.iota {dimensions = array<i32: 0>} : vector<16xi32>
    %mul3A_17 = arith.constant 32768 : i32
    %mul3A_18 = arith.muli %add3A, %mul3A_17 : i32
    %mul3A_19 = arith.constant 95 : i32
    %mul3A_20 = arith.muli %select_n3A, %mul3A_19 : i32
    %mul3A_21 = arith.constant 262144 : i32
    %mul3A_22 = arith.muli %mul3A_20, %mul3A_21 : i32
    %add3A_23 = arith.addi %mul3A_18, %mul3A_22 : i32
    %mul3A_24 = arith.constant 32768 : i32
    %mul3A_25 = arith.muli %add3A, %mul3A_24 : i32
    %add3A_26 = arith.constant 0 : i32
    %add3A_27 = arith.addi %mul3A_25, %add3A_26 : i32
    %dma_start3A = tpu.memref_slice %arg3[%add3A_27] : memref<1048576xi32, #tpu.memory_space<hbm>> -> memref<4096xi32, #tpu.memory_space<hbm>>
    %dma_start3A_28 = tpu.memref_slice %arg3[%add3A_27] : memref<1048576xi32, #tpu.memory_space<hbm>> -> memref<4096xi32, #tpu.memory_space<hbm>>
    tpu.enqueue_dma source(%dma_start3A_28 : memref<4096xi32, #tpu.memory_space<hbm>>) target(%arg5 : memref<4096xi32, #tpu.memory_space<vmem>>) target_semaphore(%arg16 : memref<!tpu.dma_semaphore, #tpu.memory_space<semaphore_mem>>)
    %mul3A_29 = arith.constant 32768 : i32
    %mul3A_30 = arith.muli %add3A, %mul3A_29 : i32
    %add3A_31 = arith.constant 4096 : i32
    %add3A_32 = arith.addi %mul3A_30, %add3A_31 : i32
    %dma_start3A_33 = tpu.memref_slice %arg3[%add3A_32] : memref<1048576xi32, #tpu.memory_space<hbm>> -> memref<4096xi32, #tpu.memory_space<hbm>>
    %dma_start3A_34 = tpu.memref_slice %arg3[%add3A_32] : memref<1048576xi32, #tpu.memory_space<hbm>> -> memref<4096xi32, #tpu.memory_space<hbm>>
    tpu.enqueue_dma source(%dma_start3A_34 : memref<4096xi32, #tpu.memory_space<hbm>>) target(%arg6 : memref<4096xi32, #tpu.memory_space<vmem>>) target_semaphore(%arg17 : memref<!tpu.dma_semaphore, #tpu.memory_space<semaphore_mem>>)
    %dma_wait3A = tpu.memref_slice %arg3[%add3A_27] : memref<1048576xi32, #tpu.memory_space<hbm>> -> memref<4096xi32, #tpu.memory_space<hbm>>
    %dma_wait3A_35 = tpu.memref_slice %arg3[%add3A_27] : memref<1048576xi32, #tpu.memory_space<hbm>> -> memref<4096xi32, #tpu.memory_space<hbm>>
    tpu.wait_dma2 semaphore(%arg16 : memref<!tpu.dma_semaphore, #tpu.memory_space<semaphore_mem>>) src(%dma_wait3A_35 : memref<4096xi32, #tpu.memory_space<hbm>>) dst(%arg5 : memref<4096xi32, #tpu.memory_space<vmem>>)
    %scan3A = arith.constant 0 : i32
    %scan3A_36 = arith.constant 0 : i32
    %scan3A_37 = arith.constant 32 : i32
    %scan3A_38 = arith.addi %scan3A_36, %scan3A_37 : i32
    %scan3A_39 = arith.constant 1 : i32
    %scan3A_40 = scf.for %scan3A_387 = %scan3A_36 to %scan3A_38 step %scan3A_39 iter_args(%scan3A_388 = %scan3A) -> (i32)  : i32 {
      %mul3A_389 = arith.constant 8 : i32
      %mul3A_390 = arith.muli %scan3A_387, %mul3A_389 : i32
      %add3A_391 = arith.constant 0 : i32
      %add3A_392 = arith.addi %mul3A_390, %add3A_391 : i32
      %mul3A_393 = arith.constant 16 : i32
      %mul3A_394 = arith.muli %add3A_392, %mul3A_393 : i32
      %get3A = arith.index_cast %mul3A_394 : i32 to index
      %get3A_395 = tpu.vector_load %arg5[%get3A] {strides = array<i32>} : memref<4096xi32, #tpu.memory_space<vmem>>, vector<16xi32>,
      %get3A_396 = vector.shape_cast %get3A_395 : vector<16xi32> to vector<16xi32>
      %mul3A_397 = arith.constant 262144 : i32
      %mul3A_398 = vector.broadcast %mul3A_397 : i32 to vector<16xi32>
      %mul3A_399 = arith.muli %get3A_396, %mul3A_398 : vector<16xi32>
      %add3A_400 = arith.constant 0 : i32
      %add3A_401 = arith.addi %add3A_23, %add3A_400 : i32
      %add3A_402 = arith.addi %add3A_401, %mul3A_394 : i32
      %add3A_403 = vector.broadcast %add3A_402 : i32 to vector<16xi32>
      %add3A_404 = arith.addi %mul3A_399, %add3A_403 : vector<16xi32>
      %add3A_405 = arith.addi %add3A_404, %iota3A : vector<16xi32>
      %swap3A_406 = arith.index_cast %mul3A_394 : i32 to index
      %swap3A_407 = tpu.vector_load %arg7[%swap3A_406] {strides = array<i32>} : memref<4096xi32, #tpu.memory_space<vmem>>, vector<16xi32>,
      %swap3A_408 = vector.shape_cast %swap3A_407 : vector<16xi32> to vector<16xi32>
      %swap3A_409 = vector.shape_cast %add3A_405 : vector<16xi32> to vector<16xi32>
      tpu.vector_store %arg7[%swap3A_406], %swap3A_409 {strides = array<i32>} : memref<4096xi32, #tpu.memory_space<vmem>>, vector<16xi32>,
      %mul3A_410 = arith.constant 8 : i32
      %mul3A_411 = arith.muli %scan3A_387, %mul3A_410 : i32
      %add3A_412 = arith.constant 1 : i32
      %add3A_413 = arith.addi %mul3A_411, %add3A_412 : i32
      %mul3A_414 = arith.constant 16 : i32
      %mul3A_415 = arith.muli %add3A_413, %mul3A_414 : i32
      %get3A_416 = arith.index_cast %mul3A_415 : i32 to index
      %get3A_417 = tpu.vector_load %arg5[%get3A_416] {strides = array<i32>} : memref<4096xi32, #tpu.memory_space<vmem>>, vector<16xi32>,
      %get3A_418 = vector.shape_cast %get3A_417 : vector<16xi32> to vector<16xi32>
      %mul3A_419 = arith.constant 262144 : i32
      %mul3A_420 = vector.broadcast %mul3A_419 : i32 to vector<16xi32>
      %mul3A_421 = arith.muli %get3A_418, %mul3A_420 : vector<16xi32>
      %add3A_422 = arith.constant 0 : i32
      %add3A_423 = arith.addi %add3A_23, %add3A_422 : i32
      %add3A_424 = arith.addi %add3A_423, %mul3A_415 : i32
      %add3A_425 = vector.broadcast %add3A_424 : i32 to vector<16xi32>
      %add3A_426 = arith.addi %mul3A_421, %add3A_425 : vector<16xi32>
      %add3A_427 = arith.addi %add3A_426, %iota3A : vector<16xi32>
      %swap3A_428 = arith.index_cast %mul3A_415 : i32 to index
      %swap3A_429 = tpu.vector_load %arg7[%swap3A_428] {strides = array<i32>} : memref<4096xi32, #tpu.memory_space<vmem>>, vector<16xi32>,
      %swap3A_430 = vector.shape_cast %swap3A_429 : vector<16xi32> to vector<16xi32>
      %swap3A_431 = vector.shape_cast %add3A_427 : vector<16xi32> to vector<16xi32>
      tpu.vector_store %arg7[%swap3A_428], %swap3A_431 {strides = array<i32>} : memref<4096xi32, #tpu.memory_space<vmem>>, vector<16xi32>,
      %mul3A_432 = arith.constant 8 : i32
      %mul3A_433 = arith.muli %scan3A_387, %mul3A_432 : i32
      %add3A_434 = arith.constant 2 : i32
      %add3A_435 = arith.addi %mul3A_433, %add3A_434 : i32
      %mul3A_436 = arith.constant 16 : i32
      %mul3A_437 = arith.muli %add3A_435, %mul3A_436 : i32
      %get3A_438 = arith.index_cast %mul3A_437 : i32 to index
      %get3A_439 = tpu.vector_load %arg5[%get3A_438] {strides = array<i32>} : memref<4096xi32, #tpu.memory_space<vmem>>, vector<16xi32>,
      %get3A_440 = vector.shape_cast %get3A_439 : vector<16xi32> to vector<16xi32>
      %mul3A_441 = arith.constant 262144 : i32
      %mul3A_442 = vector.broadcast %mul3A_441 : i32 to vector<16xi32>
      %mul3A_443 = arith.muli %get3A_440, %mul3A_442 : vector<16xi32>
      %add3A_444 = arith.constant 0 : i32
      %add3A_445 = arith.addi %add3A_23, %add3A_444 : i32
      %add3A_446 = arith.addi %add3A_445, %mul3A_437 : i32
      %add3A_447 = vector.broadcast %add3A_446 : i32 to vector<16xi32>
      %add3A_448 = arith.addi %mul3A_443, %add3A_447 : vector<16xi32>
      %add3A_449 = arith.addi %add3A_448, %iota3A : vector<16xi32>
      %swap3A_450 = arith.index_cast %mul3A_437 : i32 to index
      %swap3A_451 = tpu.vector_load %arg7[%swap3A_450] {strides = array<i32>} : memref<4096xi32, #tpu.memory_space<vmem>>, vector<16xi32>,
      %swap3A_452 = vector.shape_cast %swap3A_451 : vector<16xi32> to vector<16xi32>
      %swap3A_453 = vector.shape_cast %add3A_449 : vector<16xi32> to vector<16xi32>
      tpu.vector_store %arg7[%swap3A_450], %swap3A_453 {strides = array<i32>} : memref<4096xi32, #tpu.memory_space<vmem>>, vector<16xi32>,
      %mul3A_454 = arith.constant 8 : i32
      %mul3A_455 = arith.muli %scan3A_387, %mul3A_454 : i32
      %add3A_456 = arith.constant 3 : i32
      %add3A_457 = arith.addi %mul3A_455, %add3A_456 : i32
      %mul3A_458 = arith.constant 16 : i32
      %mul3A_459 = arith.muli %add3A_457, %mul3A_458 : i32
      %get3A_460 = arith.index_cast %mul3A_459 : i32 to index
      %get3A_461 = tpu.vector_load %arg5[%get3A_460] {strides = array<i32>} : memref<4096xi32, #tpu.memory_space<vmem>>, vector<16xi32>,
      %get3A_462 = vector.shape_cast %get3A_461 : vector<16xi32> to vector<16xi32>
      %mul3A_463 = arith.constant 262144 : i32
      %mul3A_464 = vector.broadcast %mul3A_463 : i32 to vector<16xi32>
      %mul3A_465 = arith.muli %get3A_462, %mul3A_464 : vector<16xi32>
      %add3A_466 = arith.constant 0 : i32
      %add3A_467 = arith.addi %add3A_23, %add3A_466 : i32
      %add3A_468 = arith.addi %add3A_467, %mul3A_459 : i32
      %add3A_469 = vector.broadcast %add3A_468 : i32 to vector<16xi32>
      %add3A_470 = arith.addi %mul3A_465, %add3A_469 : vector<16xi32>
      %add3A_471 = arith.addi %add3A_470, %iota3A : vector<16xi32>
      %swap3A_472 = arith.index_cast %mul3A_459 : i32 to index
      %swap3A_473 = tpu.vector_load %arg7[%swap3A_472] {strides = array<i32>} : memref<4096xi32, #tpu.memory_space<vmem>>, vector<16xi32>,
      %swap3A_474 = vector.shape_cast %swap3A_473 : vector<16xi32> to vector<16xi32>
      %swap3A_475 = vector.shape_cast %add3A_471 : vector<16xi32> to vector<16xi32>
      tpu.vector_store %arg7[%swap3A_472], %swap3A_475 {strides = array<i32>} : memref<4096xi32, #tpu.memory_space<vmem>>, vector<16xi32>,
      %mul3A_476 = arith.constant 8 : i32
      %mul3A_477 = arith.muli %scan3A_387, %mul3A_476 : i32
      %add3A_478 = arith.constant 4 : i32
      %add3A_479 = arith.addi %mul3A_477, %add3A_478 : i32
      %mul3A_480 = arith.constant 16 : i32
      %mul3A_481 = arith.muli %add3A_479, %mul3A_480 : i32
      %get3A_482 = arith.index_cast %mul3A_481 : i32 to index
      %get3A_483 = tpu.vector_load %arg5[%get3A_482] {strides = array<i32>} : memref<4096xi32, #tpu.memory_space<vmem>>, vector<16xi32>,
      %get3A_484 = vector.shape_cast %get3A_483 : vector<16xi32> to vector<16xi32>
      %mul3A_485 = arith.constant 262144 : i32
      %mul3A_486 = vector.broadcast %mul3A_485 : i32 to vector<16xi32>
      %mul3A_487 = arith.muli %get3A_484, %mul3A_486 : vector<16xi32>
      %add3A_488 = arith.constant 0 : i32
      %add3A_489 = arith.addi %add3A_23, %add3A_488 : i32
      %add3A_490 = arith.addi %add3A_489, %mul3A_481 : i32
      %add3A_491 = vector.broadcast %add3A_490 : i32 to vector<16xi32>
      %add3A_492 = arith.addi %mul3A_487, %add3A_491 : vector<16xi32>
      %add3A_493 = arith.addi %add3A_492, %iota3A : vector<16xi32>
      %swap3A_494 = arith.index_cast %mul3A_481 : i32 to index
      %swap3A_495 = tpu.vector_load %arg7[%swap3A_494] {strides = array<i32>} : memref<4096xi32, #tpu.memory_space<vmem>>, vector<16xi32>,
      %swap3A_496 = vector.shape_cast %swap3A_495 : vector<16xi32> to vector<16xi32>
      %swap3A_497 = vector.shape_cast %add3A_493 : vector<16xi32> to vector<16xi32>
      tpu.vector_store %arg7[%swap3A_494], %swap3A_497 {strides = array<i32>} : memref<4096xi32, #tpu.memory_space<vmem>>, vector<16xi32>,
      %mul3A_498 = arith.constant 8 : i32
      %mul3A_499 = arith.muli %scan3A_387, %mul3A_498 : i32
      %add3A_500 = arith.constant 5 : i32
      %add3A_501 = arith.addi %mul3A_499, %add3A_500 : i32
      %mul3A_502 = arith.constant 16 : i32
      %mul3A_503 = arith.muli %add3A_501, %mul3A_502 : i32
      %get3A_504 = arith.index_cast %mul3A_503 : i32 to index
      %get3A_505 = tpu.vector_load %arg5[%get3A_504] {strides = array<i32>} : memref<4096xi32, #tpu.memory_space<vmem>>, vector<16xi32>,
      %get3A_506 = vector.shape_cast %get3A_505 : vector<16xi32> to vector<16xi32>
      %mul3A_507 = arith.constant 262144 : i32
      %mul3A_508 = vector.broadcast %mul3A_507 : i32 to vector<16xi32>
      %mul3A_509 = arith.muli %get3A_506, %mul3A_508 : vector<16xi32>
      %add3A_510 = arith.constant 0 : i32
      %add3A_511 = arith.addi %add3A_23, %add3A_510 : i32
      %add3A_512 = arith.addi %add3A_511, %mul3A_503 : i32
      %add3A_513 = vector.broadcast %add3A_512 : i32 to vector<16xi32>
      %add3A_514 = arith.addi %mul3A_509, %add3A_513 : vector<16xi32>
      %add3A_515 = arith.addi %add3A_514, %iota3A : vector<16xi32>
      %swap3A_516 = arith.index_cast %mul3A_503 : i32 to index
      %swap3A_517 = tpu.vector_load %arg7[%swap3A_516] {strides = array<i32>} : memref<4096xi32, #tpu.memory_space<vmem>>, vector<16xi32>,
      %swap3A_518 = vector.shape_cast %swap3A_517 : vector<16xi32> to vector<16xi32>
      %swap3A_519 = vector.shape_cast %add3A_515 : vector<16xi32> to vector<16xi32>
      tpu.vector_store %arg7[%swap3A_516], %swap3A_519 {strides = array<i32>} : memref<4096xi32, #tpu.memory_space<vmem>>, vector<16xi32>,
      %mul3A_520 = arith.constant 8 : i32
      %mul3A_521 = arith.muli %scan3A_387, %mul3A_520 : i32
      %add3A_522 = arith.constant 6 : i32
      %add3A_523 = arith.addi %mul3A_521, %add3A_522 : i32
      %mul3A_524 = arith.constant 16 : i32
      %mul3A_525 = arith.muli %add3A_523, %mul3A_524 : i32
      %get3A_526 = arith.index_cast %mul3A_525 : i32 to index
      %get3A_527 = tpu.vector_load %arg5[%get3A_526] {strides = array<i32>} : memref<4096xi32, #tpu.memory_space<vmem>>, vector<16xi32>,
      %get3A_528 = vector.shape_cast %get3A_527 : vector<16xi32> to vector<16xi32>
      %mul3A_529 = arith.constant 262144 : i32
      %mul3A_530 = vector.broadcast %mul3A_529 : i32 to vector<16xi32>
      %mul3A_531 = arith.muli %get3A_528, %mul3A_530 : vector<16xi32>
      %add3A_532 = arith.constant 0 : i32
      %add3A_533 = arith.addi %add3A_23, %add3A_532 : i32
      %add3A_534 = arith.addi %add3A_533, %mul3A_525 : i32
      %add3A_535 = vector.broadcast %add3A_534 : i32 to vector<16xi32>
      %add3A_536 = arith.addi %mul3A_531, %add3A_535 : vector<16xi32>
      %add3A_537 = arith.addi %add3A_536, %iota3A : vector<16xi32>
      %swap3A_538 = arith.index_cast %mul3A_525 : i32 to index
      %swap3A_539 = tpu.vector_load %arg7[%swap3A_538] {strides = array<i32>} : memref<4096xi32, #tpu.memory_space<vmem>>, vector<16xi32>,
      %swap3A_540 = vector.shape_cast %swap3A_539 : vector<16xi32> to vector<16xi32>
      %swap3A_541 = vector.shape_cast %add3A_537 : vector<16xi32> to vector<16xi32>
      tpu.vector_store %arg7[%swap3A_538], %swap3A_541 {strides = array<i32>} : memref<4096xi32, #tpu.memory_space<vmem>>, vector<16xi32>,
      %mul3A_542 = arith.constant 8 : i32
      %mul3A_543 = arith.muli %scan3A_387, %mul3A_542 : i32
      %add3A_544 = arith.constant 7 : i32
      %add3A_545 = arith.addi %mul3A_543, %add3A_544 : i32
      %mul3A_546 = arith.constant 16 : i32
      %mul3A_547 = arith.muli %add3A_545, %mul3A_546 : i32
      %get3A_548 = arith.index_cast %mul3A_547 : i32 to index
      %get3A_549 = tpu.vector_load %arg5[%get3A_548] {strides = array<i32>} : memref<4096xi32, #tpu.memory_space<vmem>>, vector<16xi32>,
      %get3A_550 = vector.shape_cast %get3A_549 : vector<16xi32> to vector<16xi32>
      %mul3A_551 = arith.constant 262144 : i32
      %mul3A_552 = vector.broadcast %mul3A_551 : i32 to vector<16xi32>
      %mul3A_553 = arith.muli %get3A_550, %mul3A_552 : vector<16xi32>
      %add3A_554 = arith.constant 0 : i32
      %add3A_555 = arith.addi %add3A_23, %add3A_554 : i32
      %add3A_556 = arith.addi %add3A_555, %mul3A_547 : i32
      %add3A_557 = vector.broadcast %add3A_556 : i32 to vector<16xi32>
      %add3A_558 = arith.addi %mul3A_553, %add3A_557 : vector<16xi32>
      %add3A_559 = arith.addi %add3A_558, %iota3A : vector<16xi32>
      %swap3A_560 = arith.index_cast %mul3A_547 : i32 to index
      %swap3A_561 = tpu.vector_load %arg7[%swap3A_560] {strides = array<i32>} : memref<4096xi32, #tpu.memory_space<vmem>>, vector<16xi32>,
      %swap3A_562 = vector.shape_cast %swap3A_561 : vector<16xi32> to vector<16xi32>
      %swap3A_563 = vector.shape_cast %add3A_559 : vector<16xi32> to vector<16xi32>
      tpu.vector_store %arg7[%swap3A_560], %swap3A_563 {strides = array<i32>} : memref<4096xi32, #tpu.memory_space<vmem>>, vector<16xi32>,
      %scan3A_564 = arith.constant 0 : i32
      scf.yield %scan3A_564 : i32
    }
    %scan3A_41 = arith.constant 32 : i32
    %dma_start3A_42 = arith.constant 0 : i32
    %dma_start3A_43 = tpu.memref_slice %arg9[%dma_start3A_42] : memref<4096xf32, #tpu.memory_space<vmem>> -> memref<2048xf32, #tpu.memory_space<vmem>>
    %dma_start3A_44 = arith.constant 0 : i32
    %dma_start3A_45 = tpu.memref_slice %arg7[%dma_start3A_44] : memref<4096xi32, #tpu.memory_space<vmem>> -> memref<2048xi32, #tpu.memory_space<vmem>>
    %dma_start3A_46 = arith.constant 0 : i32
    %dma_start3A_47 = tpu.memref_slice %arg2[%dma_start3A_46] : memref<100663296xf32, #tpu.memory_space<hbm>> -> memref<100663296xf32, #tpu.memory_space<hbm>>
    tpu.enqueue_indirect_dma source(%dma_start3A_47 : memref<100663296xf32, #tpu.memory_space<hbm>>) target(%dma_start3A_43 : memref<2048xf32, #tpu.memory_space<vmem>>) offsets(%dma_start3A_45 : memref<2048xi32, #tpu.memory_space<vmem>>) semaphore(%arg12 : memref<!tpu.dma_semaphore, #tpu.memory_space<semaphore_mem>>)
    %dma_start3A_48 = arith.constant 2048 : i32
    %dma_start3A_49 = tpu.memref_slice %arg9[%dma_start3A_48] : memref<4096xf32, #tpu.memory_space<vmem>> -> memref<2048xf32, #tpu.memory_space<vmem>>
    %dma_start3A_50 = arith.constant 2048 : i32
    %dma_start3A_51 = tpu.memref_slice %arg7[%dma_start3A_50] : memref<4096xi32, #tpu.memory_space<vmem>> -> memref<2048xi32, #tpu.memory_space<vmem>>
    %dma_start3A_52 = arith.constant 0 : i32
    %dma_start3A_53 = tpu.memref_slice %arg2[%dma_start3A_52] : memref<100663296xf32, #tpu.memory_space<hbm>> -> memref<100663296xf32, #tpu.memory_space<hbm>>
    tpu.enqueue_indirect_dma source(%dma_start3A_53 : memref<100663296xf32, #tpu.memory_space<hbm>>) target(%dma_start3A_49 : memref<2048xf32, #tpu.memory_space<vmem>>) offsets(%dma_start3A_51 : memref<2048xi32, #tpu.memory_space<vmem>>) semaphore(%arg13 : memref<!tpu.dma_semaphore, #tpu.memory_space<semaphore_mem>>)
    %broadcast_in_dim3A = arith.constant 0.000000e+00 : f32
    %broadcast_in_dim3A_54 = vector.broadcast %broadcast_in_dim3A : f32 to vector<16xf32>
    %dma_wait3A_55 = tpu.memref_slice %arg3[%add3A_32] : memref<1048576xi32, #tpu.memory_space<hbm>> -> memref<4096xi32, #tpu.memory_space<hbm>>
    %dma_wait3A_56 = tpu.memref_slice %arg3[%add3A_32] : memref<1048576xi32, #tpu.memory_space<hbm>> -> memref<4096xi32, #tpu.memory_space<hbm>>
    tpu.wait_dma2 semaphore(%arg17 : memref<!tpu.dma_semaphore, #tpu.memory_space<semaphore_mem>>) src(%dma_wait3A_56 : memref<4096xi32, #tpu.memory_space<hbm>>) dst(%arg6 : memref<4096xi32, #tpu.memory_space<vmem>>)
    %mul3A_57 = arith.constant 32768 : i32
    %mul3A_58 = arith.muli %add3A, %mul3A_57 : i32
    %add3A_59 = arith.constant 8192 : i32
    %add3A_60 = arith.addi %mul3A_58, %add3A_59 : i32
    %dma_start3A_61 = tpu.memref_slice %arg3[%add3A_60] : memref<1048576xi32, #tpu.memory_space<hbm>> -> memref<4096xi32, #tpu.memory_space<hbm>>
    %dma_start3A_62 = tpu.memref_slice %arg3[%add3A_60] : memref<1048576xi32, #tpu.memory_space<hbm>> -> memref<4096xi32, #tpu.memory_space<hbm>>
    tpu.enqueue_dma source(%dma_start3A_62 : memref<4096xi32, #tpu.memory_space<hbm>>) target(%arg5 : memref<4096xi32, #tpu.memory_space<vmem>>) target_semaphore(%arg16 : memref<!tpu.dma_semaphore, #tpu.memory_space<semaphore_mem>>)
    %scan3A_63 = arith.constant 0 : i32
    %scan3A_64 = arith.constant 0 : i32
    %scan3A_65 = arith.constant 32 : i32
    %scan3A_66 = arith.addi %scan3A_64, %scan3A_65 : i32
    %scan3A_67 = arith.constant 1 : i32
    %scan3A_68 = scf.for %scan3A_387 = %scan3A_64 to %scan3A_66 step %scan3A_67 iter_args(%scan3A_388 = %scan3A_63) -> (i32)  : i32 {
      %mul3A_389 = arith.constant 8 : i32
      %mul3A_390 = arith.muli %scan3A_387, %mul3A_389 : i32
      %add3A_391 = arith.constant 0 : i32
      %add3A_392 = arith.addi %mul3A_390, %add3A_391 : i32
      %mul3A_393 = arith.constant 16 : i32
      %mul3A_394 = arith.muli %add3A_392, %mul3A_393 : i32
      %get3A = arith.index_cast %mul3A_394 : i32 to index
      %get3A_395 = tpu.vector_load %arg6[%get3A] {strides = array<i32>} : memref<4096xi32, #tpu.memory_space<vmem>>, vector<16xi32>,
      %get3A_396 = vector.shape_cast %get3A_395 : vector<16xi32> to vector<16xi32>
      %mul3A_397 = arith.constant 262144 : i32
      %mul3A_398 = vector.broadcast %mul3A_397 : i32 to vector<16xi32>
      %mul3A_399 = arith.muli %get3A_396, %mul3A_398 : vector<16xi32>
      %add3A_400 = arith.constant 4096 : i32
      %add3A_401 = arith.addi %add3A_23, %add3A_400 : i32
      %add3A_402 = arith.addi %add3A_401, %mul3A_394 : i32
      %add3A_403 = vector.broadcast %add3A_402 : i32 to vector<16xi32>
      %add3A_404 = arith.addi %mul3A_399, %add3A_403 : vector<16xi32>
      %add3A_405 = arith.addi %add3A_404, %iota3A : vector<16xi32>
      %swap3A_406 = arith.index_cast %mul3A_394 : i32 to index
      %swap3A_407 = tpu.vector_load %arg8[%swap3A_406] {strides = array<i32>} : memref<4096xi32, #tpu.memory_space<vmem>>, vector<16xi32>,
      %swap3A_408 = vector.shape_cast %swap3A_407 : vector<16xi32> to vector<16xi32>
      %swap3A_409 = vector.shape_cast %add3A_405 : vector<16xi32> to vector<16xi32>
      tpu.vector_store %arg8[%swap3A_406], %swap3A_409 {strides = array<i32>} : memref<4096xi32, #tpu.memory_space<vmem>>, vector<16xi32>,
      %mul3A_410 = arith.constant 8 : i32
      %mul3A_411 = arith.muli %scan3A_387, %mul3A_410 : i32
      %add3A_412 = arith.constant 1 : i32
      %add3A_413 = arith.addi %mul3A_411, %add3A_412 : i32
      %mul3A_414 = arith.constant 16 : i32
      %mul3A_415 = arith.muli %add3A_413, %mul3A_414 : i32
      %get3A_416 = arith.index_cast %mul3A_415 : i32 to index
      %get3A_417 = tpu.vector_load %arg6[%get3A_416] {strides = array<i32>} : memref<4096xi32, #tpu.memory_space<vmem>>, vector<16xi32>,
      %get3A_418 = vector.shape_cast %get3A_417 : vector<16xi32> to vector<16xi32>
      %mul3A_419 = arith.constant 262144 : i32
      %mul3A_420 = vector.broadcast %mul3A_419 : i32 to vector<16xi32>
      %mul3A_421 = arith.muli %get3A_418, %mul3A_420 : vector<16xi32>
      %add3A_422 = arith.constant 4096 : i32
      %add3A_423 = arith.addi %add3A_23, %add3A_422 : i32
      %add3A_424 = arith.addi %add3A_423, %mul3A_415 : i32
      %add3A_425 = vector.broadcast %add3A_424 : i32 to vector<16xi32>
      %add3A_426 = arith.addi %mul3A_421, %add3A_425 : vector<16xi32>
      %add3A_427 = arith.addi %add3A_426, %iota3A : vector<16xi32>
      %swap3A_428 = arith.index_cast %mul3A_415 : i32 to index
      %swap3A_429 = tpu.vector_load %arg8[%swap3A_428] {strides = array<i32>} : memref<4096xi32, #tpu.memory_space<vmem>>, vector<16xi32>,
      %swap3A_430 = vector.shape_cast %swap3A_429 : vector<16xi32> to vector<16xi32>
      %swap3A_431 = vector.shape_cast %add3A_427 : vector<16xi32> to vector<16xi32>
      tpu.vector_store %arg8[%swap3A_428], %swap3A_431 {strides = array<i32>} : memref<4096xi32, #tpu.memory_space<vmem>>, vector<16xi32>,
      %mul3A_432 = arith.constant 8 : i32
      %mul3A_433 = arith.muli %scan3A_387, %mul3A_432 : i32
      %add3A_434 = arith.constant 2 : i32
      %add3A_435 = arith.addi %mul3A_433, %add3A_434 : i32
      %mul3A_436 = arith.constant 16 : i32
      %mul3A_437 = arith.muli %add3A_435, %mul3A_436 : i32
      %get3A_438 = arith.index_cast %mul3A_437 : i32 to index
      %get3A_439 = tpu.vector_load %arg6[%get3A_438] {strides = array<i32>} : memref<4096xi32, #tpu.memory_space<vmem>>, vector<16xi32>,
      %get3A_440 = vector.shape_cast %get3A_439 : vector<16xi32> to vector<16xi32>
      %mul3A_441 = arith.constant 262144 : i32
      %mul3A_442 = vector.broadcast %mul3A_441 : i32 to vector<16xi32>
      %mul3A_443 = arith.muli %get3A_440, %mul3A_442 : vector<16xi32>
      %add3A_444 = arith.constant 4096 : i32
      %add3A_445 = arith.addi %add3A_23, %add3A_444 : i32
      %add3A_446 = arith.addi %add3A_445, %mul3A_437 : i32
      %add3A_447 = vector.broadcast %add3A_446 : i32 to vector<16xi32>
      %add3A_448 = arith.addi %mul3A_443, %add3A_447 : vector<16xi32>
      %add3A_449 = arith.addi %add3A_448, %iota3A : vector<16xi32>
      %swap3A_450 = arith.index_cast %mul3A_437 : i32 to index
      %swap3A_451 = tpu.vector_load %arg8[%swap3A_450] {strides = array<i32>} : memref<4096xi32, #tpu.memory_space<vmem>>, vector<16xi32>,
      %swap3A_452 = vector.shape_cast %swap3A_451 : vector<16xi32> to vector<16xi32>
      %swap3A_453 = vector.shape_cast %add3A_449 : vector<16xi32> to vector<16xi32>
      tpu.vector_store %arg8[%swap3A_450], %swap3A_453 {strides = array<i32>} : memref<4096xi32, #tpu.memory_space<vmem>>, vector<16xi32>,
      %mul3A_454 = arith.constant 8 : i32
      %mul3A_455 = arith.muli %scan3A_387, %mul3A_454 : i32
      %add3A_456 = arith.constant 3 : i32
      %add3A_457 = arith.addi %mul3A_455, %add3A_456 : i32
      %mul3A_458 = arith.constant 16 : i32
      %mul3A_459 = arith.muli %add3A_457, %mul3A_458 : i32
      %get3A_460 = arith.index_cast %mul3A_459 : i32 to index
      %get3A_461 = tpu.vector_load %arg6[%get3A_460] {strides = array<i32>} : memref<4096xi32, #tpu.memory_space<vmem>>, vector<16xi32>,
      %get3A_462 = vector.shape_cast %get3A_461 : vector<16xi32> to vector<16xi32>
      %mul3A_463 = arith.constant 262144 : i32
      %mul3A_464 = vector.broadcast %mul3A_463 : i32 to vector<16xi32>
      %mul3A_465 = arith.muli %get3A_462, %mul3A_464 : vector<16xi32>
      %add3A_466 = arith.constant 4096 : i32
      %add3A_467 = arith.addi %add3A_23, %add3A_466 : i32
      %add3A_468 = arith.addi %add3A_467, %mul3A_459 : i32
      %add3A_469 = vector.broadcast %add3A_468 : i32 to vector<16xi32>
      %add3A_470 = arith.addi %mul3A_465, %add3A_469 : vector<16xi32>
      %add3A_471 = arith.addi %add3A_470, %iota3A : vector<16xi32>
      %swap3A_472 = arith.index_cast %mul3A_459 : i32 to index
      %swap3A_473 = tpu.vector_load %arg8[%swap3A_472] {strides = array<i32>} : memref<4096xi32, #tpu.memory_space<vmem>>, vector<16xi32>,
      %swap3A_474 = vector.shape_cast %swap3A_473 : vector<16xi32> to vector<16xi32>
      %swap3A_475 = vector.shape_cast %add3A_471 : vector<16xi32> to vector<16xi32>
      tpu.vector_store %arg8[%swap3A_472], %swap3A_475 {strides = array<i32>} : memref<4096xi32, #tpu.memory_space<vmem>>, vector<16xi32>,
      %mul3A_476 = arith.constant 8 : i32
      %mul3A_477 = arith.muli %scan3A_387, %mul3A_476 : i32
      %add3A_478 = arith.constant 4 : i32
      %add3A_479 = arith.addi %mul3A_477, %add3A_478 : i32
      %mul3A_480 = arith.constant 16 : i32
      %mul3A_481 = arith.muli %add3A_479, %mul3A_480 : i32
      %get3A_482 = arith.index_cast %mul3A_481 : i32 to index
      %get3A_483 = tpu.vector_load %arg6[%get3A_482] {strides = array<i32>} : memref<4096xi32, #tpu.memory_space<vmem>>, vector<16xi32>,
      %get3A_484 = vector.shape_cast %get3A_483 : vector<16xi32> to vector<16xi32>
      %mul3A_485 = arith.constant 262144 : i32
      %mul3A_486 = vector.broadcast %mul3A_485 : i32 to vector<16xi32>
      %mul3A_487 = arith.muli %get3A_484, %mul3A_486 : vector<16xi32>
      %add3A_488 = arith.constant 4096 : i32
      %add3A_489 = arith.addi %add3A_23, %add3A_488 : i32
      %add3A_490 = arith.addi %add3A_489, %mul3A_481 : i32
      %add3A_491 = vector.broadcast %add3A_490 : i32 to vector<16xi32>
      %add3A_492 = arith.addi %mul3A_487, %add3A_491 : vector<16xi32>
      %add3A_493 = arith.addi %add3A_492, %iota3A : vector<16xi32>
      %swap3A_494 = arith.index_cast %mul3A_481 : i32 to index
      %swap3A_495 = tpu.vector_load %arg8[%swap3A_494] {strides = array<i32>} : memref<4096xi32, #tpu.memory_space<vmem>>, vector<16xi32>,
      %swap3A_496 = vector.shape_cast %swap3A_495 : vector<16xi32> to vector<16xi32>
      %swap3A_497 = vector.shape_cast %add3A_493 : vector<16xi32> to vector<16xi32>
      tpu.vector_store %arg8[%swap3A_494], %swap3A_497 {strides = array<i32>} : memref<4096xi32, #tpu.memory_space<vmem>>, vector<16xi32>,
      %mul3A_498 = arith.constant 8 : i32
      %mul3A_499 = arith.muli %scan3A_387, %mul3A_498 : i32
      %add3A_500 = arith.constant 5 : i32
      %add3A_501 = arith.addi %mul3A_499, %add3A_500 : i32
      %mul3A_502 = arith.constant 16 : i32
      %mul3A_503 = arith.muli %add3A_501, %mul3A_502 : i32
      %get3A_504 = arith.index_cast %mul3A_503 : i32 to index
      %get3A_505 = tpu.vector_load %arg6[%get3A_504] {strides = array<i32>} : memref<4096xi32, #tpu.memory_space<vmem>>, vector<16xi32>,
      %get3A_506 = vector.shape_cast %get3A_505 : vector<16xi32> to vector<16xi32>
      %mul3A_507 = arith.constant 262144 : i32
      %mul3A_508 = vector.broadcast %mul3A_507 : i32 to vector<16xi32>
      %mul3A_509 = arith.muli %get3A_506, %mul3A_508 : vector<16xi32>
      %add3A_510 = arith.constant 4096 : i32
      %add3A_511 = arith.addi %add3A_23, %add3A_510 : i32
      %add3A_512 = arith.addi %add3A_511, %mul3A_503 : i32
      %add3A_513 = vector.broadcast %add3A_512 : i32 to vector<16xi32>
      %add3A_514 = arith.addi %mul3A_509, %add3A_513 : vector<16xi32>
      %add3A_515 = arith.addi %add3A_514, %iota3A : vector<16xi32>
      %swap3A_516 = arith.index_cast %mul3A_503 : i32 to index
      %swap3A_517 = tpu.vector_load %arg8[%swap3A_516] {strides = array<i32>} : memref<4096xi32, #tpu.memory_space<vmem>>, vector<16xi32>,
      %swap3A_518 = vector.shape_cast %swap3A_517 : vector<16xi32> to vector<16xi32>
      %swap3A_519 = vector.shape_cast %add3A_515 : vector<16xi32> to vector<16xi32>
      tpu.vector_store %arg8[%swap3A_516], %swap3A_519 {strides = array<i32>} : memref<4096xi32, #tpu.memory_space<vmem>>, vector<16xi32>,
      %mul3A_520 = arith.constant 8 : i32
      %mul3A_521 = arith.muli %scan3A_387, %mul3A_520 : i32
      %add3A_522 = arith.constant 6 : i32
      %add3A_523 = arith.addi %mul3A_521, %add3A_522 : i32
      %mul3A_524 = arith.constant 16 : i32
      %mul3A_525 = arith.muli %add3A_523, %mul3A_524 : i32
      %get3A_526 = arith.index_cast %mul3A_525 : i32 to index
      %get3A_527 = tpu.vector_load %arg6[%get3A_526] {strides = array<i32>} : memref<4096xi32, #tpu.memory_space<vmem>>, vector<16xi32>,
      %get3A_528 = vector.shape_cast %get3A_527 : vector<16xi32> to vector<16xi32>
      %mul3A_529 = arith.constant 262144 : i32
      %mul3A_530 = vector.broadcast %mul3A_529 : i32 to vector<16xi32>
      %mul3A_531 = arith.muli %get3A_528, %mul3A_530 : vector<16xi32>
      %add3A_532 = arith.constant 4096 : i32
      %add3A_533 = arith.addi %add3A_23, %add3A_532 : i32
      %add3A_534 = arith.addi %add3A_533, %mul3A_525 : i32
      %add3A_535 = vector.broadcast %add3A_534 : i32 to vector<16xi32>
      %add3A_536 = arith.addi %mul3A_531, %add3A_535 : vector<16xi32>
      %add3A_537 = arith.addi %add3A_536, %iota3A : vector<16xi32>
      %swap3A_538 = arith.index_cast %mul3A_525 : i32 to index
      %swap3A_539 = tpu.vector_load %arg8[%swap3A_538] {strides = array<i32>} : memref<4096xi32, #tpu.memory_space<vmem>>, vector<16xi32>,
      %swap3A_540 = vector.shape_cast %swap3A_539 : vector<16xi32> to vector<16xi32>
      %swap3A_541 = vector.shape_cast %add3A_537 : vector<16xi32> to vector<16xi32>
      tpu.vector_store %arg8[%swap3A_538], %swap3A_541 {strides = array<i32>} : memref<4096xi32, #tpu.memory_space<vmem>>, vector<16xi32>,
      %mul3A_542 = arith.constant 8 : i32
      %mul3A_543 = arith.muli %scan3A_387, %mul3A_542 : i32
      %add3A_544 = arith.constant 7 : i32
      %add3A_545 = arith.addi %mul3A_543, %add3A_544 : i32
      %mul3A_546 = arith.constant 16 : i32
      %mul3A_547 = arith.muli %add3A_545, %mul3A_546 : i32
      %get3A_548 = arith.index_cast %mul3A_547 : i32 to index
      %get3A_549 = tpu.vector_load %arg6[%get3A_548] {strides = array<i32>} : memref<4096xi32, #tpu.memory_space<vmem>>, vector<16xi32>,
      %get3A_550 = vector.shape_cast %get3A_549 : vector<16xi32> to vector<16xi32>
      %mul3A_551 = arith.constant 262144 : i32
      %mul3A_552 = vector.broadcast %mul3A_551 : i32 to vector<16xi32>
      %mul3A_553 = arith.muli %get3A_550, %mul3A_552 : vector<16xi32>
      %add3A_554 = arith.constant 4096 : i32
      %add3A_555 = arith.addi %add3A_23, %add3A_554 : i32
      %add3A_556 = arith.addi %add3A_555, %mul3A_547 : i32
      %add3A_557 = vector.broadcast %add3A_556 : i32 to vector<16xi32>
      %add3A_558 = arith.addi %mul3A_553, %add3A_557 : vector<16xi32>
      %add3A_559 = arith.addi %add3A_558, %iota3A : vector<16xi32>
      %swap3A_560 = arith.index_cast %mul3A_547 : i32 to index
      %swap3A_561 = tpu.vector_load %arg8[%swap3A_560] {strides = array<i32>} : memref<4096xi32, #tpu.memory_space<vmem>>, vector<16xi32>,
      %swap3A_562 = vector.shape_cast %swap3A_561 : vector<16xi32> to vector<16xi32>
      %swap3A_563 = vector.shape_cast %add3A_559 : vector<16xi32> to vector<16xi32>
      tpu.vector_store %arg8[%swap3A_560], %swap3A_563 {strides = array<i32>} : memref<4096xi32, #tpu.memory_space<vmem>>, vector<16xi32>,
      %scan3A_564 = arith.constant 0 : i32
      scf.yield %scan3A_564 : i32
    }
    %scan3A_69 = arith.constant 32 : i32
    %dma_start3A_70 = arith.constant 0 : i32
    %dma_start3A_71 = tpu.memref_slice %arg10[%dma_start3A_70] : memref<4096xf32, #tpu.memory_space<vmem>> -> memref<2048xf32, #tpu.memory_space<vmem>>
    %dma_start3A_72 = arith.constant 0 : i32
    %dma_start3A_73 = tpu.memref_slice %arg8[%dma_start3A_72] : memref<4096xi32, #tpu.memory_space<vmem>> -> memref<2048xi32, #tpu.memory_space<vmem>>
    %dma_start3A_74 = arith.constant 0 : i32
    %dma_start3A_75 = tpu.memref_slice %arg2[%dma_start3A_74] : memref<100663296xf32, #tpu.memory_space<hbm>> -> memref<100663296xf32, #tpu.memory_space<hbm>>
    tpu.enqueue_indirect_dma source(%dma_start3A_75 : memref<100663296xf32, #tpu.memory_space<hbm>>) target(%dma_start3A_71 : memref<2048xf32, #tpu.memory_space<vmem>>) offsets(%dma_start3A_73 : memref<2048xi32, #tpu.memory_space<vmem>>) semaphore(%arg14 : memref<!tpu.dma_semaphore, #tpu.memory_space<semaphore_mem>>)
    %dma_start3A_76 = arith.constant 2048 : i32
    %dma_start3A_77 = tpu.memref_slice %arg10[%dma_start3A_76] : memref<4096xf32, #tpu.memory_space<vmem>> -> memref<2048xf32, #tpu.memory_space<vmem>>
    %dma_start3A_78 = arith.constant 2048 : i32
    %dma_start3A_79 = tpu.memref_slice %arg8[%dma_start3A_78] : memref<4096xi32, #tpu.memory_space<vmem>> -> memref<2048xi32, #tpu.memory_space<vmem>>
    %dma_start3A_80 = arith.constant 0 : i32
    %dma_start3A_81 = tpu.memref_slice %arg2[%dma_start3A_80] : memref<100663296xf32, #tpu.memory_space<hbm>> -> memref<100663296xf32, #tpu.memory_space<hbm>>
    tpu.enqueue_indirect_dma source(%dma_start3A_81 : memref<100663296xf32, #tpu.memory_space<hbm>>) target(%dma_start3A_77 : memref<2048xf32, #tpu.memory_space<vmem>>) offsets(%dma_start3A_79 : memref<2048xi32, #tpu.memory_space<vmem>>) semaphore(%arg15 : memref<!tpu.dma_semaphore, #tpu.memory_space<semaphore_mem>>)
    %dma_wait3A_82 = arith.constant 0 : i32
    %dma_wait3A_83 = tpu.memref_slice %arg9[%dma_wait3A_82] : memref<4096xf32, #tpu.memory_space<vmem>> -> memref<2048xf32, #tpu.memory_space<vmem>>
    %dma_wait3A_84 = arith.constant 0 : i32
    %dma_wait3A_85 = tpu.memref_slice %arg7[%dma_wait3A_84] : memref<4096xi32, #tpu.memory_space<vmem>> -> memref<2048xi32, #tpu.memory_space<vmem>>
    %dma_wait3A_86 = arith.constant 0 : i32
    %dma_wait3A_87 = tpu.memref_slice %arg2[%dma_wait3A_86] : memref<100663296xf32, #tpu.memory_space<hbm>> -> memref<100663296xf32, #tpu.memory_space<hbm>>
    tpu.wait_indirect_dma semaphore(%arg12 : memref<!tpu.dma_semaphore, #tpu.memory_space<semaphore_mem>>) src(%dma_wait3A_87 : memref<100663296xf32, #tpu.memory_space<hbm>>) dst(%dma_wait3A_83 : memref<2048xf32, #tpu.memory_space<vmem>>)
    %dma_wait3A_88 = arith.constant 2048 : i32
    %dma_wait3A_89 = tpu.memref_slice %arg9[%dma_wait3A_88] : memref<4096xf32, #tpu.memory_space<vmem>> -> memref<2048xf32, #tpu.memory_space<vmem>>
    %dma_wait3A_90 = arith.constant 2048 : i32
    %dma_wait3A_91 = tpu.memref_slice %arg7[%dma_wait3A_90] : memref<4096xi32, #tpu.memory_space<vmem>> -> memref<2048xi32, #tpu.memory_space<vmem>>
    %dma_wait3A_92 = arith.constant 0 : i32
    %dma_wait3A_93 = tpu.memref_slice %arg2[%dma_wait3A_92] : memref<100663296xf32, #tpu.memory_space<hbm>> -> memref<100663296xf32, #tpu.memory_space<hbm>>
    tpu.wait_indirect_dma semaphore(%arg13 : memref<!tpu.dma_semaphore, #tpu.memory_space<semaphore_mem>>) src(%dma_wait3A_93 : memref<100663296xf32, #tpu.memory_space<hbm>>) dst(%dma_wait3A_89 : memref<2048xf32, #tpu.memory_space<vmem>>)
    %scan3A_94 = arith.constant 0 : i32
    %scan3A_95 = arith.constant 32 : i32
    %scan3A_96 = arith.addi %scan3A_94, %scan3A_95 : i32
    %scan3A_97 = arith.constant 1 : i32
    %scan3A_98 = scf.for %scan3A_387 = %scan3A_94 to %scan3A_96 step %scan3A_97 iter_args(%scan3A_388 = %broadcast_in_dim3A_54) -> (vector<16xf32>)  : i32 {
      %mul3A_389 = arith.constant 8 : i32
      %mul3A_390 = arith.muli %scan3A_387, %mul3A_389 : i32
      %add3A_391 = arith.constant 0 : i32
      %add3A_392 = arith.addi %mul3A_390, %add3A_391 : i32
      %mul3A_393 = arith.constant 16 : i32
      %mul3A_394 = arith.muli %add3A_392, %mul3A_393 : i32
      %get3A = arith.index_cast %mul3A_394 : i32 to index
      %get3A_395 = tpu.vector_load %arg9[%get3A] {strides = array<i32>} : memref<4096xf32, #tpu.memory_space<vmem>>, vector<16xf32>,
      %get3A_396 = vector.shape_cast %get3A_395 : vector<16xf32> to vector<16xf32>
      %add3A_397 = arith.addf %scan3A_388, %get3A_396 : vector<16xf32>
      %mul3A_398 = arith.constant 8 : i32
      %mul3A_399 = arith.muli %scan3A_387, %mul3A_398 : i32
      %add3A_400 = arith.constant 1 : i32
      %add3A_401 = arith.addi %mul3A_399, %add3A_400 : i32
      %mul3A_402 = arith.constant 16 : i32
      %mul3A_403 = arith.muli %add3A_401, %mul3A_402 : i32
      %get3A_404 = arith.index_cast %mul3A_403 : i32 to index
      %get3A_405 = tpu.vector_load %arg9[%get3A_404] {strides = array<i32>} : memref<4096xf32, #tpu.memory_space<vmem>>, vector<16xf32>,
      %get3A_406 = vector.shape_cast %get3A_405 : vector<16xf32> to vector<16xf32>
      %add3A_407 = arith.addf %add3A_397, %get3A_406 : vector<16xf32>
      %mul3A_408 = arith.constant 8 : i32
      %mul3A_409 = arith.muli %scan3A_387, %mul3A_408 : i32
      %add3A_410 = arith.constant 2 : i32
      %add3A_411 = arith.addi %mul3A_409, %add3A_410 : i32
      %mul3A_412 = arith.constant 16 : i32
      %mul3A_413 = arith.muli %add3A_411, %mul3A_412 : i32
      %get3A_414 = arith.index_cast %mul3A_413 : i32 to index
      %get3A_415 = tpu.vector_load %arg9[%get3A_414] {strides = array<i32>} : memref<4096xf32, #tpu.memory_space<vmem>>, vector<16xf32>,
      %get3A_416 = vector.shape_cast %get3A_415 : vector<16xf32> to vector<16xf32>
      %add3A_417 = arith.addf %add3A_407, %get3A_416 : vector<16xf32>
      %mul3A_418 = arith.constant 8 : i32
      %mul3A_419 = arith.muli %scan3A_387, %mul3A_418 : i32
      %add3A_420 = arith.constant 3 : i32
      %add3A_421 = arith.addi %mul3A_419, %add3A_420 : i32
      %mul3A_422 = arith.constant 16 : i32
      %mul3A_423 = arith.muli %add3A_421, %mul3A_422 : i32
      %get3A_424 = arith.index_cast %mul3A_423 : i32 to index
      %get3A_425 = tpu.vector_load %arg9[%get3A_424] {strides = array<i32>} : memref<4096xf32, #tpu.memory_space<vmem>>, vector<16xf32>,
      %get3A_426 = vector.shape_cast %get3A_425 : vector<16xf32> to vector<16xf32>
      %add3A_427 = arith.addf %add3A_417, %get3A_426 : vector<16xf32>
      %mul3A_428 = arith.constant 8 : i32
      %mul3A_429 = arith.muli %scan3A_387, %mul3A_428 : i32
      %add3A_430 = arith.constant 4 : i32
      %add3A_431 = arith.addi %mul3A_429, %add3A_430 : i32
      %mul3A_432 = arith.constant 16 : i32
      %mul3A_433 = arith.muli %add3A_431, %mul3A_432 : i32
      %get3A_434 = arith.index_cast %mul3A_433 : i32 to index
      %get3A_435 = tpu.vector_load %arg9[%get3A_434] {strides = array<i32>} : memref<4096xf32, #tpu.memory_space<vmem>>, vector<16xf32>,
      %get3A_436 = vector.shape_cast %get3A_435 : vector<16xf32> to vector<16xf32>
      %add3A_437 = arith.addf %add3A_427, %get3A_436 : vector<16xf32>
      %mul3A_438 = arith.constant 8 : i32
      %mul3A_439 = arith.muli %scan3A_387, %mul3A_438 : i32
      %add3A_440 = arith.constant 5 : i32
      %add3A_441 = arith.addi %mul3A_439, %add3A_440 : i32
      %mul3A_442 = arith.constant 16 : i32
      %mul3A_443 = arith.muli %add3A_441, %mul3A_442 : i32
      %get3A_444 = arith.index_cast %mul3A_443 : i32 to index
      %get3A_445 = tpu.vector_load %arg9[%get3A_444] {strides = array<i32>} : memref<4096xf32, #tpu.memory_space<vmem>>, vector<16xf32>,
      %get3A_446 = vector.shape_cast %get3A_445 : vector<16xf32> to vector<16xf32>
      %add3A_447 = arith.addf %add3A_437, %get3A_446 : vector<16xf32>
      %mul3A_448 = arith.constant 8 : i32
      %mul3A_449 = arith.muli %scan3A_387, %mul3A_448 : i32
      %add3A_450 = arith.constant 6 : i32
      %add3A_451 = arith.addi %mul3A_449, %add3A_450 : i32
      %mul3A_452 = arith.constant 16 : i32
      %mul3A_453 = arith.muli %add3A_451, %mul3A_452 : i32
      %get3A_454 = arith.index_cast %mul3A_453 : i32 to index
      %get3A_455 = tpu.vector_load %arg9[%get3A_454] {strides = array<i32>} : memref<4096xf32, #tpu.memory_space<vmem>>, vector<16xf32>,
      %get3A_456 = vector.shape_cast %get3A_455 : vector<16xf32> to vector<16xf32>
      %add3A_457 = arith.addf %add3A_447, %get3A_456 : vector<16xf32>
      %mul3A_458 = arith.constant 8 : i32
      %mul3A_459 = arith.muli %scan3A_387, %mul3A_458 : i32
      %add3A_460 = arith.constant 7 : i32
      %add3A_461 = arith.addi %mul3A_459, %add3A_460 : i32
      %mul3A_462 = arith.constant 16 : i32
      %mul3A_463 = arith.muli %add3A_461, %mul3A_462 : i32
      %get3A_464 = arith.index_cast %mul3A_463 : i32 to index
      %get3A_465 = tpu.vector_load %arg9[%get3A_464] {strides = array<i32>} : memref<4096xf32, #tpu.memory_space<vmem>>, vector<16xf32>,
      %get3A_466 = vector.shape_cast %get3A_465 : vector<16xf32> to vector<16xf32>
      %add3A_467 = arith.addf %add3A_457, %get3A_466 : vector<16xf32>
      scf.yield %add3A_467 : vector<16xf32>
    }
    %scan3A_99 = arith.constant 32 : i32
    %dma_wait3A_100 = tpu.memref_slice %arg3[%add3A_60] : memref<1048576xi32, #tpu.memory_space<hbm>> -> memref<4096xi32, #tpu.memory_space<hbm>>
    %dma_wait3A_101 = tpu.memref_slice %arg3[%add3A_60] : memref<1048576xi32, #tpu.memory_space<hbm>> -> memref<4096xi32, #tpu.memory_space<hbm>>
    tpu.wait_dma2 semaphore(%arg16 : memref<!tpu.dma_semaphore, #tpu.memory_space<semaphore_mem>>) src(%dma_wait3A_101 : memref<4096xi32, #tpu.memory_space<hbm>>) dst(%arg5 : memref<4096xi32, #tpu.memory_space<vmem>>)
    %mul3A_102 = arith.constant 32768 : i32
    %mul3A_103 = arith.muli %add3A, %mul3A_102 : i32
    %add3A_104 = arith.constant 12288 : i32
    %add3A_105 = arith.addi %mul3A_103, %add3A_104 : i32
    %dma_start3A_106 = tpu.memref_slice %arg3[%add3A_105] : memref<1048576xi32, #tpu.memory_space<hbm>> -> memref<4096xi32, #tpu.memory_space<hbm>>
    %dma_start3A_107 = tpu.memref_slice %arg3[%add3A_105] : memref<1048576xi32, #tpu.memory_space<hbm>> -> memref<4096xi32, #tpu.memory_space<hbm>>
    tpu.enqueue_dma source(%dma_start3A_107 : memref<4096xi32, #tpu.memory_space<hbm>>) target(%arg6 : memref<4096xi32, #tpu.memory_space<vmem>>) target_semaphore(%arg17 : memref<!tpu.dma_semaphore, #tpu.memory_space<semaphore_mem>>)
    %scan3A_108 = arith.constant 0 : i32
    %scan3A_109 = arith.constant 0 : i32
    %scan3A_110 = arith.constant 32 : i32
    %scan3A_111 = arith.addi %scan3A_109, %scan3A_110 : i32
    %scan3A_112 = arith.constant 1 : i32
    %scan3A_113 = scf.for %scan3A_387 = %scan3A_109 to %scan3A_111 step %scan3A_112 iter_args(%scan3A_388 = %scan3A_108) -> (i32)  : i32 {
      %mul3A_389 = arith.constant 8 : i32
      %mul3A_390 = arith.muli %scan3A_387, %mul3A_389 : i32
      %add3A_391 = arith.constant 0 : i32
      %add3A_392 = arith.addi %mul3A_390, %add3A_391 : i32
      %mul3A_393 = arith.constant 16 : i32
      %mul3A_394 = arith.muli %add3A_392, %mul3A_393 : i32
      %get3A = arith.index_cast %mul3A_394 : i32 to index
      %get3A_395 = tpu.vector_load %arg5[%get3A] {strides = array<i32>} : memref<4096xi32, #tpu.memory_space<vmem>>, vector<16xi32>,
      %get3A_396 = vector.shape_cast %get3A_395 : vector<16xi32> to vector<16xi32>
      %mul3A_397 = arith.constant 262144 : i32
      %mul3A_398 = vector.broadcast %mul3A_397 : i32 to vector<16xi32>
      %mul3A_399 = arith.muli %get3A_396, %mul3A_398 : vector<16xi32>
      %add3A_400 = arith.constant 8192 : i32
      %add3A_401 = arith.addi %add3A_23, %add3A_400 : i32
      %add3A_402 = arith.addi %add3A_401, %mul3A_394 : i32
      %add3A_403 = vector.broadcast %add3A_402 : i32 to vector<16xi32>
      %add3A_404 = arith.addi %mul3A_399, %add3A_403 : vector<16xi32>
      %add3A_405 = arith.addi %add3A_404, %iota3A : vector<16xi32>
      %swap3A_406 = arith.index_cast %mul3A_394 : i32 to index
      %swap3A_407 = tpu.vector_load %arg7[%swap3A_406] {strides = array<i32>} : memref<4096xi32, #tpu.memory_space<vmem>>, vector<16xi32>,
      %swap3A_408 = vector.shape_cast %swap3A_407 : vector<16xi32> to vector<16xi32>
      %swap3A_409 = vector.shape_cast %add3A_405 : vector<16xi32> to vector<16xi32>
      tpu.vector_store %arg7[%swap3A_406], %swap3A_409 {strides = array<i32>} : memref<4096xi32, #tpu.memory_space<vmem>>, vector<16xi32>,
      %mul3A_410 = arith.constant 8 : i32
      %mul3A_411 = arith.muli %scan3A_387, %mul3A_410 : i32
      %add3A_412 = arith.constant 1 : i32
      %add3A_413 = arith.addi %mul3A_411, %add3A_412 : i32
      %mul3A_414 = arith.constant 16 : i32
      %mul3A_415 = arith.muli %add3A_413, %mul3A_414 : i32
      %get3A_416 = arith.index_cast %mul3A_415 : i32 to index
      %get3A_417 = tpu.vector_load %arg5[%get3A_416] {strides = array<i32>} : memref<4096xi32, #tpu.memory_space<vmem>>, vector<16xi32>,
      %get3A_418 = vector.shape_cast %get3A_417 : vector<16xi32> to vector<16xi32>
      %mul3A_419 = arith.constant 262144 : i32
      %mul3A_420 = vector.broadcast %mul3A_419 : i32 to vector<16xi32>
      %mul3A_421 = arith.muli %get3A_418, %mul3A_420 : vector<16xi32>
      %add3A_422 = arith.constant 8192 : i32
      %add3A_423 = arith.addi %add3A_23, %add3A_422 : i32
      %add3A_424 = arith.addi %add3A_423, %mul3A_415 : i32
      %add3A_425 = vector.broadcast %add3A_424 : i32 to vector<16xi32>
      %add3A_426 = arith.addi %mul3A_421, %add3A_425 : vector<16xi32>
      %add3A_427 = arith.addi %add3A_426, %iota3A : vector<16xi32>
      %swap3A_428 = arith.index_cast %mul3A_415 : i32 to index
      %swap3A_429 = tpu.vector_load %arg7[%swap3A_428] {strides = array<i32>} : memref<4096xi32, #tpu.memory_space<vmem>>, vector<16xi32>,
      %swap3A_430 = vector.shape_cast %swap3A_429 : vector<16xi32> to vector<16xi32>
      %swap3A_431 = vector.shape_cast %add3A_427 : vector<16xi32> to vector<16xi32>
      tpu.vector_store %arg7[%swap3A_428], %swap3A_431 {strides = array<i32>} : memref<4096xi32, #tpu.memory_space<vmem>>, vector<16xi32>,
      %mul3A_432 = arith.constant 8 : i32
      %mul3A_433 = arith.muli %scan3A_387, %mul3A_432 : i32
      %add3A_434 = arith.constant 2 : i32
      %add3A_435 = arith.addi %mul3A_433, %add3A_434 : i32
      %mul3A_436 = arith.constant 16 : i32
      %mul3A_437 = arith.muli %add3A_435, %mul3A_436 : i32
      %get3A_438 = arith.index_cast %mul3A_437 : i32 to index
      %get3A_439 = tpu.vector_load %arg5[%get3A_438] {strides = array<i32>} : memref<4096xi32, #tpu.memory_space<vmem>>, vector<16xi32>,
      %get3A_440 = vector.shape_cast %get3A_439 : vector<16xi32> to vector<16xi32>
      %mul3A_441 = arith.constant 262144 : i32
      %mul3A_442 = vector.broadcast %mul3A_441 : i32 to vector<16xi32>
      %mul3A_443 = arith.muli %get3A_440, %mul3A_442 : vector<16xi32>
      %add3A_444 = arith.constant 8192 : i32
      %add3A_445 = arith.addi %add3A_23, %add3A_444 : i32
      %add3A_446 = arith.addi %add3A_445, %mul3A_437 : i32
      %add3A_447 = vector.broadcast %add3A_446 : i32 to vector<16xi32>
      %add3A_448 = arith.addi %mul3A_443, %add3A_447 : vector<16xi32>
      %add3A_449 = arith.addi %add3A_448, %iota3A : vector<16xi32>
      %swap3A_450 = arith.index_cast %mul3A_437 : i32 to index
      %swap3A_451 = tpu.vector_load %arg7[%swap3A_450] {strides = array<i32>} : memref<4096xi32, #tpu.memory_space<vmem>>, vector<16xi32>,
      %swap3A_452 = vector.shape_cast %swap3A_451 : vector<16xi32> to vector<16xi32>
      %swap3A_453 = vector.shape_cast %add3A_449 : vector<16xi32> to vector<16xi32>
      tpu.vector_store %arg7[%swap3A_450], %swap3A_453 {strides = array<i32>} : memref<4096xi32, #tpu.memory_space<vmem>>, vector<16xi32>,
      %mul3A_454 = arith.constant 8 : i32
      %mul3A_455 = arith.muli %scan3A_387, %mul3A_454 : i32
      %add3A_456 = arith.constant 3 : i32
      %add3A_457 = arith.addi %mul3A_455, %add3A_456 : i32
      %mul3A_458 = arith.constant 16 : i32
      %mul3A_459 = arith.muli %add3A_457, %mul3A_458 : i32
      %get3A_460 = arith.index_cast %mul3A_459 : i32 to index
      %get3A_461 = tpu.vector_load %arg5[%get3A_460] {strides = array<i32>} : memref<4096xi32, #tpu.memory_space<vmem>>, vector<16xi32>,
      %get3A_462 = vector.shape_cast %get3A_461 : vector<16xi32> to vector<16xi32>
      %mul3A_463 = arith.constant 262144 : i32
      %mul3A_464 = vector.broadcast %mul3A_463 : i32 to vector<16xi32>
      %mul3A_465 = arith.muli %get3A_462, %mul3A_464 : vector<16xi32>
      %add3A_466 = arith.constant 8192 : i32
      %add3A_467 = arith.addi %add3A_23, %add3A_466 : i32
      %add3A_468 = arith.addi %add3A_467, %mul3A_459 : i32
      %add3A_469 = vector.broadcast %add3A_468 : i32 to vector<16xi32>
      %add3A_470 = arith.addi %mul3A_465, %add3A_469 : vector<16xi32>
      %add3A_471 = arith.addi %add3A_470, %iota3A : vector<16xi32>
      %swap3A_472 = arith.index_cast %mul3A_459 : i32 to index
      %swap3A_473 = tpu.vector_load %arg7[%swap3A_472] {strides = array<i32>} : memref<4096xi32, #tpu.memory_space<vmem>>, vector<16xi32>,
      %swap3A_474 = vector.shape_cast %swap3A_473 : vector<16xi32> to vector<16xi32>
      %swap3A_475 = vector.shape_cast %add3A_471 : vector<16xi32> to vector<16xi32>
      tpu.vector_store %arg7[%swap3A_472], %swap3A_475 {strides = array<i32>} : memref<4096xi32, #tpu.memory_space<vmem>>, vector<16xi32>,
      %mul3A_476 = arith.constant 8 : i32
      %mul3A_477 = arith.muli %scan3A_387, %mul3A_476 : i32
      %add3A_478 = arith.constant 4 : i32
      %add3A_479 = arith.addi %mul3A_477, %add3A_478 : i32
      %mul3A_480 = arith.constant 16 : i32
      %mul3A_481 = arith.muli %add3A_479, %mul3A_480 : i32
      %get3A_482 = arith.index_cast %mul3A_481 : i32 to index
      %get3A_483 = tpu.vector_load %arg5[%get3A_482] {strides = array<i32>} : memref<4096xi32, #tpu.memory_space<vmem>>, vector<16xi32>,
      %get3A_484 = vector.shape_cast %get3A_483 : vector<16xi32> to vector<16xi32>
      %mul3A_485 = arith.constant 262144 : i32
      %mul3A_486 = vector.broadcast %mul3A_485 : i32 to vector<16xi32>
      %mul3A_487 = arith.muli %get3A_484, %mul3A_486 : vector<16xi32>
      %add3A_488 = arith.constant 8192 : i32
      %add3A_489 = arith.addi %add3A_23, %add3A_488 : i32
      %add3A_490 = arith.addi %add3A_489, %mul3A_481 : i32
      %add3A_491 = vector.broadcast %add3A_490 : i32 to vector<16xi32>
      %add3A_492 = arith.addi %mul3A_487, %add3A_491 : vector<16xi32>
      %add3A_493 = arith.addi %add3A_492, %iota3A : vector<16xi32>
      %swap3A_494 = arith.index_cast %mul3A_481 : i32 to index
      %swap3A_495 = tpu.vector_load %arg7[%swap3A_494] {strides = array<i32>} : memref<4096xi32, #tpu.memory_space<vmem>>, vector<16xi32>,
      %swap3A_496 = vector.shape_cast %swap3A_495 : vector<16xi32> to vector<16xi32>
      %swap3A_497 = vector.shape_cast %add3A_493 : vector<16xi32> to vector<16xi32>
      tpu.vector_store %arg7[%swap3A_494], %swap3A_497 {strides = array<i32>} : memref<4096xi32, #tpu.memory_space<vmem>>, vector<16xi32>,
      %mul3A_498 = arith.constant 8 : i32
      %mul3A_499 = arith.muli %scan3A_387, %mul3A_498 : i32
      %add3A_500 = arith.constant 5 : i32
      %add3A_501 = arith.addi %mul3A_499, %add3A_500 : i32
      %mul3A_502 = arith.constant 16 : i32
      %mul3A_503 = arith.muli %add3A_501, %mul3A_502 : i32
      %get3A_504 = arith.index_cast %mul3A_503 : i32 to index
      %get3A_505 = tpu.vector_load %arg5[%get3A_504] {strides = array<i32>} : memref<4096xi32, #tpu.memory_space<vmem>>, vector<16xi32>,
      %get3A_506 = vector.shape_cast %get3A_505 : vector<16xi32> to vector<16xi32>
      %mul3A_507 = arith.constant 262144 : i32
      %mul3A_508 = vector.broadcast %mul3A_507 : i32 to vector<16xi32>
      %mul3A_509 = arith.muli %get3A_506, %mul3A_508 : vector<16xi32>
      %add3A_510 = arith.constant 8192 : i32
      %add3A_511 = arith.addi %add3A_23, %add3A_510 : i32
      %add3A_512 = arith.addi %add3A_511, %mul3A_503 : i32
      %add3A_513 = vector.broadcast %add3A_512 : i32 to vector<16xi32>
      %add3A_514 = arith.addi %mul3A_509, %add3A_513 : vector<16xi32>
      %add3A_515 = arith.addi %add3A_514, %iota3A : vector<16xi32>
      %swap3A_516 = arith.index_cast %mul3A_503 : i32 to index
      %swap3A_517 = tpu.vector_load %arg7[%swap3A_516] {strides = array<i32>} : memref<4096xi32, #tpu.memory_space<vmem>>, vector<16xi32>,
      %swap3A_518 = vector.shape_cast %swap3A_517 : vector<16xi32> to vector<16xi32>
      %swap3A_519 = vector.shape_cast %add3A_515 : vector<16xi32> to vector<16xi32>
      tpu.vector_store %arg7[%swap3A_516], %swap3A_519 {strides = array<i32>} : memref<4096xi32, #tpu.memory_space<vmem>>, vector<16xi32>,
      %mul3A_520 = arith.constant 8 : i32
      %mul3A_521 = arith.muli %scan3A_387, %mul3A_520 : i32
      %add3A_522 = arith.constant 6 : i32
      %add3A_523 = arith.addi %mul3A_521, %add3A_522 : i32
      %mul3A_524 = arith.constant 16 : i32
      %mul3A_525 = arith.muli %add3A_523, %mul3A_524 : i32
      %get3A_526 = arith.index_cast %mul3A_525 : i32 to index
      %get3A_527 = tpu.vector_load %arg5[%get3A_526] {strides = array<i32>} : memref<4096xi32, #tpu.memory_space<vmem>>, vector<16xi32>,
      %get3A_528 = vector.shape_cast %get3A_527 : vector<16xi32> to vector<16xi32>
      %mul3A_529 = arith.constant 262144 : i32
      %mul3A_530 = vector.broadcast %mul3A_529 : i32 to vector<16xi32>
      %mul3A_531 = arith.muli %get3A_528, %mul3A_530 : vector<16xi32>
      %add3A_532 = arith.constant 8192 : i32
      %add3A_533 = arith.addi %add3A_23, %add3A_532 : i32
      %add3A_534 = arith.addi %add3A_533, %mul3A_525 : i32
      %add3A_535 = vector.broadcast %add3A_534 : i32 to vector<16xi32>
      %add3A_536 = arith.addi %mul3A_531, %add3A_535 : vector<16xi32>
      %add3A_537 = arith.addi %add3A_536, %iota3A : vector<16xi32>
      %swap3A_538 = arith.index_cast %mul3A_525 : i32 to index
      %swap3A_539 = tpu.vector_load %arg7[%swap3A_538] {strides = array<i32>} : memref<4096xi32, #tpu.memory_space<vmem>>, vector<16xi32>,
      %swap3A_540 = vector.shape_cast %swap3A_539 : vector<16xi32> to vector<16xi32>
      %swap3A_541 = vector.shape_cast %add3A_537 : vector<16xi32> to vector<16xi32>
      tpu.vector_store %arg7[%swap3A_538], %swap3A_541 {strides = array<i32>} : memref<4096xi32, #tpu.memory_space<vmem>>, vector<16xi32>,
      %mul3A_542 = arith.constant 8 : i32
      %mul3A_543 = arith.muli %scan3A_387, %mul3A_542 : i32
      %add3A_544 = arith.constant 7 : i32
      %add3A_545 = arith.addi %mul3A_543, %add3A_544 : i32
      %mul3A_546 = arith.constant 16 : i32
      %mul3A_547 = arith.muli %add3A_545, %mul3A_546 : i32
      %get3A_548 = arith.index_cast %mul3A_547 : i32 to index
      %get3A_549 = tpu.vector_load %arg5[%get3A_548] {strides = array<i32>} : memref<4096xi32, #tpu.memory_space<vmem>>, vector<16xi32>,
      %get3A_550 = vector.shape_cast %get3A_549 : vector<16xi32> to vector<16xi32>
      %mul3A_551 = arith.constant 262144 : i32
      %mul3A_552 = vector.broadcast %mul3A_551 : i32 to vector<16xi32>
      %mul3A_553 = arith.muli %get3A_550, %mul3A_552 : vector<16xi32>
      %add3A_554 = arith.constant 8192 : i32
      %add3A_555 = arith.addi %add3A_23, %add3A_554 : i32
      %add3A_556 = arith.addi %add3A_555, %mul3A_547 : i32
      %add3A_557 = vector.broadcast %add3A_556 : i32 to vector<16xi32>
      %add3A_558 = arith.addi %mul3A_553, %add3A_557 : vector<16xi32>
      %add3A_559 = arith.addi %add3A_558, %iota3A : vector<16xi32>
      %swap3A_560 = arith.index_cast %mul3A_547 : i32 to index
      %swap3A_561 = tpu.vector_load %arg7[%swap3A_560] {strides = array<i32>} : memref<4096xi32, #tpu.memory_space<vmem>>, vector<16xi32>,
      %swap3A_562 = vector.shape_cast %swap3A_561 : vector<16xi32> to vector<16xi32>
      %swap3A_563 = vector.shape_cast %add3A_559 : vector<16xi32> to vector<16xi32>
      tpu.vector_store %arg7[%swap3A_560], %swap3A_563 {strides = array<i32>} : memref<4096xi32, #tpu.memory_space<vmem>>, vector<16xi32>,
      %scan3A_564 = arith.constant 0 : i32
      scf.yield %scan3A_564 : i32
    }
    %scan3A_114 = arith.constant 32 : i32
    %dma_start3A_115 = arith.constant 0 : i32
    %dma_start3A_116 = tpu.memref_slice %arg9[%dma_start3A_115] : memref<4096xf32, #tpu.memory_space<vmem>> -> memref<2048xf32, #tpu.memory_space<vmem>>
    %dma_start3A_117 = arith.constant 0 : i32
    %dma_start3A_118 = tpu.memref_slice %arg7[%dma_start3A_117] : memref<4096xi32, #tpu.memory_space<vmem>> -> memref<2048xi32, #tpu.memory_space<vmem>>
    %dma_start3A_119 = arith.constant 0 : i32
    %dma_start3A_120 = tpu.memref_slice %arg2[%dma_start3A_119] : memref<100663296xf32, #tpu.memory_space<hbm>> -> memref<100663296xf32, #tpu.memory_space<hbm>>
    tpu.enqueue_indirect_dma source(%dma_start3A_120 : memref<100663296xf32, #tpu.memory_space<hbm>>) target(%dma_start3A_116 : memref<2048xf32, #tpu.memory_space<vmem>>) offsets(%dma_start3A_118 : memref<2048xi32, #tpu.memory_space<vmem>>) semaphore(%arg12 : memref<!tpu.dma_semaphore, #tpu.memory_space<semaphore_mem>>)
    %dma_start3A_121 = arith.constant 2048 : i32
    %dma_start3A_122 = tpu.memref_slice %arg9[%dma_start3A_121] : memref<4096xf32, #tpu.memory_space<vmem>> -> memref<2048xf32, #tpu.memory_space<vmem>>
    %dma_start3A_123 = arith.constant 2048 : i32
    %dma_start3A_124 = tpu.memref_slice %arg7[%dma_start3A_123] : memref<4096xi32, #tpu.memory_space<vmem>> -> memref<2048xi32, #tpu.memory_space<vmem>>
    %dma_start3A_125 = arith.constant 0 : i32
    %dma_start3A_126 = tpu.memref_slice %arg2[%dma_start3A_125] : memref<100663296xf32, #tpu.memory_space<hbm>> -> memref<100663296xf32, #tpu.memory_space<hbm>>
    tpu.enqueue_indirect_dma source(%dma_start3A_126 : memref<100663296xf32, #tpu.memory_space<hbm>>) target(%dma_start3A_122 : memref<2048xf32, #tpu.memory_space<vmem>>) offsets(%dma_start3A_124 : memref<2048xi32, #tpu.memory_space<vmem>>) semaphore(%arg13 : memref<!tpu.dma_semaphore, #tpu.memory_space<semaphore_mem>>)
    %dma_wait3A_127 = arith.constant 0 : i32
    %dma_wait3A_128 = tpu.memref_slice %arg10[%dma_wait3A_127] : memref<4096xf32, #tpu.memory_space<vmem>> -> memref<2048xf32, #tpu.memory_space<vmem>>
    %dma_wait3A_129 = arith.constant 0 : i32
    %dma_wait3A_130 = tpu.memref_slice %arg8[%dma_wait3A_129] : memref<4096xi32, #tpu.memory_space<vmem>> -> memref<2048xi32, #tpu.memory_space<vmem>>
    %dma_wait3A_131 = arith.constant 0 : i32
    %dma_wait3A_132 = tpu.memref_slice %arg2[%dma_wait3A_131] : memref<100663296xf32, #tpu.memory_space<hbm>> -> memref<100663296xf32, #tpu.memory_space<hbm>>
    tpu.wait_indirect_dma semaphore(%arg14 : memref<!tpu.dma_semaphore, #tpu.memory_space<semaphore_mem>>) src(%dma_wait3A_132 : memref<100663296xf32, #tpu.memory_space<hbm>>) dst(%dma_wait3A_128 : memref<2048xf32, #tpu.memory_space<vmem>>)
    %dma_wait3A_133 = arith.constant 2048 : i32
    %dma_wait3A_134 = tpu.memref_slice %arg10[%dma_wait3A_133] : memref<4096xf32, #tpu.memory_space<vmem>> -> memref<2048xf32, #tpu.memory_space<vmem>>
    %dma_wait3A_135 = arith.constant 2048 : i32
    %dma_wait3A_136 = tpu.memref_slice %arg8[%dma_wait3A_135] : memref<4096xi32, #tpu.memory_space<vmem>> -> memref<2048xi32, #tpu.memory_space<vmem>>
    %dma_wait3A_137 = arith.constant 0 : i32
    %dma_wait3A_138 = tpu.memref_slice %arg2[%dma_wait3A_137] : memref<100663296xf32, #tpu.memory_space<hbm>> -> memref<100663296xf32, #tpu.memory_space<hbm>>
    tpu.wait_indirect_dma semaphore(%arg15 : memref<!tpu.dma_semaphore, #tpu.memory_space<semaphore_mem>>) src(%dma_wait3A_138 : memref<100663296xf32, #tpu.memory_space<hbm>>) dst(%dma_wait3A_134 : memref<2048xf32, #tpu.memory_space<vmem>>)
    %scan3A_139 = arith.constant 0 : i32
    %scan3A_140 = arith.constant 32 : i32
    %scan3A_141 = arith.addi %scan3A_139, %scan3A_140 : i32
    %scan3A_142 = arith.constant 1 : i32
    %scan3A_143 = scf.for %scan3A_387 = %scan3A_139 to %scan3A_141 step %scan3A_142 iter_args(%scan3A_388 = %scan3A_98) -> (vector<16xf32>)  : i32 {
      %mul3A_389 = arith.constant 8 : i32
      %mul3A_390 = arith.muli %scan3A_387, %mul3A_389 : i32
      %add3A_391 = arith.constant 0 : i32
      %add3A_392 = arith.addi %mul3A_390, %add3A_391 : i32
      %mul3A_393 = arith.constant 16 : i32
      %mul3A_394 = arith.muli %add3A_392, %mul3A_393 : i32
      %get3A = arith.index_cast %mul3A_394 : i32 to index
      %get3A_395 = tpu.vector_load %arg10[%get3A] {strides = array<i32>} : memref<4096xf32, #tpu.memory_space<vmem>>, vector<16xf32>,
      %get3A_396 = vector.shape_cast %get3A_395 : vector<16xf32> to vector<16xf32>
      %add3A_397 = arith.addf %scan3A_388, %get3A_396 : vector<16xf32>
      %mul3A_398 = arith.constant 8 : i32
      %mul3A_399 = arith.muli %scan3A_387, %mul3A_398 : i32
      %add3A_400 = arith.constant 1 : i32
      %add3A_401 = arith.addi %mul3A_399, %add3A_400 : i32
      %mul3A_402 = arith.constant 16 : i32
      %mul3A_403 = arith.muli %add3A_401, %mul3A_402 : i32
      %get3A_404 = arith.index_cast %mul3A_403 : i32 to index
      %get3A_405 = tpu.vector_load %arg10[%get3A_404] {strides = array<i32>} : memref<4096xf32, #tpu.memory_space<vmem>>, vector<16xf32>,
      %get3A_406 = vector.shape_cast %get3A_405 : vector<16xf32> to vector<16xf32>
      %add3A_407 = arith.addf %add3A_397, %get3A_406 : vector<16xf32>
      %mul3A_408 = arith.constant 8 : i32
      %mul3A_409 = arith.muli %scan3A_387, %mul3A_408 : i32
      %add3A_410 = arith.constant 2 : i32
      %add3A_411 = arith.addi %mul3A_409, %add3A_410 : i32
      %mul3A_412 = arith.constant 16 : i32
      %mul3A_413 = arith.muli %add3A_411, %mul3A_412 : i32
      %get3A_414 = arith.index_cast %mul3A_413 : i32 to index
      %get3A_415 = tpu.vector_load %arg10[%get3A_414] {strides = array<i32>} : memref<4096xf32, #tpu.memory_space<vmem>>, vector<16xf32>,
      %get3A_416 = vector.shape_cast %get3A_415 : vector<16xf32> to vector<16xf32>
      %add3A_417 = arith.addf %add3A_407, %get3A_416 : vector<16xf32>
      %mul3A_418 = arith.constant 8 : i32
      %mul3A_419 = arith.muli %scan3A_387, %mul3A_418 : i32
      %add3A_420 = arith.constant 3 : i32
      %add3A_421 = arith.addi %mul3A_419, %add3A_420 : i32
      %mul3A_422 = arith.constant 16 : i32
      %mul3A_423 = arith.muli %add3A_421, %mul3A_422 : i32
      %get3A_424 = arith.index_cast %mul3A_423 : i32 to index
      %get3A_425 = tpu.vector_load %arg10[%get3A_424] {strides = array<i32>} : memref<4096xf32, #tpu.memory_space<vmem>>, vector<16xf32>,
      %get3A_426 = vector.shape_cast %get3A_425 : vector<16xf32> to vector<16xf32>
      %add3A_427 = arith.addf %add3A_417, %get3A_426 : vector<16xf32>
      %mul3A_428 = arith.constant 8 : i32
      %mul3A_429 = arith.muli %scan3A_387, %mul3A_428 : i32
      %add3A_430 = arith.constant 4 : i32
      %add3A_431 = arith.addi %mul3A_429, %add3A_430 : i32
      %mul3A_432 = arith.constant 16 : i32
      %mul3A_433 = arith.muli %add3A_431, %mul3A_432 : i32
      %get3A_434 = arith.index_cast %mul3A_433 : i32 to index
      %get3A_435 = tpu.vector_load %arg10[%get3A_434] {strides = array<i32>} : memref<4096xf32, #tpu.memory_space<vmem>>, vector<16xf32>,
      %get3A_436 = vector.shape_cast %get3A_435 : vector<16xf32> to vector<16xf32>
      %add3A_437 = arith.addf %add3A_427, %get3A_436 : vector<16xf32>
      %mul3A_438 = arith.constant 8 : i32
      %mul3A_439 = arith.muli %scan3A_387, %mul3A_438 : i32
      %add3A_440 = arith.constant 5 : i32
      %add3A_441 = arith.addi %mul3A_439, %add3A_440 : i32
      %mul3A_442 = arith.constant 16 : i32
      %mul3A_443 = arith.muli %add3A_441, %mul3A_442 : i32
      %get3A_444 = arith.index_cast %mul3A_443 : i32 to index
      %get3A_445 = tpu.vector_load %arg10[%get3A_444] {strides = array<i32>} : memref<4096xf32, #tpu.memory_space<vmem>>, vector<16xf32>,
      %get3A_446 = vector.shape_cast %get3A_445 : vector<16xf32> to vector<16xf32>
      %add3A_447 = arith.addf %add3A_437, %get3A_446 : vector<16xf32>
      %mul3A_448 = arith.constant 8 : i32
      %mul3A_449 = arith.muli %scan3A_387, %mul3A_448 : i32
      %add3A_450 = arith.constant 6 : i32
      %add3A_451 = arith.addi %mul3A_449, %add3A_450 : i32
      %mul3A_452 = arith.constant 16 : i32
      %mul3A_453 = arith.muli %add3A_451, %mul3A_452 : i32
      %get3A_454 = arith.index_cast %mul3A_453 : i32 to index
      %get3A_455 = tpu.vector_load %arg10[%get3A_454] {strides = array<i32>} : memref<4096xf32, #tpu.memory_space<vmem>>, vector<16xf32>,
      %get3A_456 = vector.shape_cast %get3A_455 : vector<16xf32> to vector<16xf32>
      %add3A_457 = arith.addf %add3A_447, %get3A_456 : vector<16xf32>
      %mul3A_458 = arith.constant 8 : i32
      %mul3A_459 = arith.muli %scan3A_387, %mul3A_458 : i32
      %add3A_460 = arith.constant 7 : i32
      %add3A_461 = arith.addi %mul3A_459, %add3A_460 : i32
      %mul3A_462 = arith.constant 16 : i32
      %mul3A_463 = arith.muli %add3A_461, %mul3A_462 : i32
      %get3A_464 = arith.index_cast %mul3A_463 : i32 to index
      %get3A_465 = tpu.vector_load %arg10[%get3A_464] {strides = array<i32>} : memref<4096xf32, #tpu.memory_space<vmem>>, vector<16xf32>,
      %get3A_466 = vector.shape_cast %get3A_465 : vector<16xf32> to vector<16xf32>
      %add3A_467 = arith.addf %add3A_457, %get3A_466 : vector<16xf32>
      scf.yield %add3A_467 : vector<16xf32>
    }
    %scan3A_144 = arith.constant 32 : i32
    %dma_wait3A_145 = tpu.memref_slice %arg3[%add3A_105] : memref<1048576xi32, #tpu.memory_space<hbm>> -> memref<4096xi32, #tpu.memory_space<hbm>>
    %dma_wait3A_146 = tpu.memref_slice %arg3[%add3A_105] : memref<1048576xi32, #tpu.memory_space<hbm>> -> memref<4096xi32, #tpu.memory_space<hbm>>
    tpu.wait_dma2 semaphore(%arg17 : memref<!tpu.dma_semaphore, #tpu.memory_space<semaphore_mem>>) src(%dma_wait3A_146 : memref<4096xi32, #tpu.memory_space<hbm>>) dst(%arg6 : memref<4096xi32, #tpu.memory_space<vmem>>)
    %mul3A_147 = arith.constant 32768 : i32
    %mul3A_148 = arith.muli %add3A, %mul3A_147 : i32
    %add3A_149 = arith.constant 16384 : i32
    %add3A_150 = arith.addi %mul3A_148, %add3A_149 : i32
    %dma_start3A_151 = tpu.memref_slice %arg3[%add3A_150] : memref<1048576xi32, #tpu.memory_space<hbm>> -> memref<4096xi32, #tpu.memory_space<hbm>>
    %dma_start3A_152 = tpu.memref_slice %arg3[%add3A_150] : memref<1048576xi32, #tpu.memory_space<hbm>> -> memref<4096xi32, #tpu.memory_space<hbm>>
    tpu.enqueue_dma source(%dma_start3A_152 : memref<4096xi32, #tpu.memory_space<hbm>>) target(%arg5 : memref<4096xi32, #tpu.memory_space<vmem>>) target_semaphore(%arg16 : memref<!tpu.dma_semaphore, #tpu.memory_space<semaphore_mem>>)
    %scan3A_153 = arith.constant 0 : i32
    %scan3A_154 = arith.constant 0 : i32
    %scan3A_155 = arith.constant 32 : i32
    %scan3A_156 = arith.addi %scan3A_154, %scan3A_155 : i32
    %scan3A_157 = arith.constant 1 : i32
    %scan3A_158 = scf.for %scan3A_387 = %scan3A_154 to %scan3A_156 step %scan3A_157 iter_args(%scan3A_388 = %scan3A_153) -> (i32)  : i32 {
      %mul3A_389 = arith.constant 8 : i32
      %mul3A_390 = arith.muli %scan3A_387, %mul3A_389 : i32
      %add3A_391 = arith.constant 0 : i32
      %add3A_392 = arith.addi %mul3A_390, %add3A_391 : i32
      %mul3A_393 = arith.constant 16 : i32
      %mul3A_394 = arith.muli %add3A_392, %mul3A_393 : i32
      %get3A = arith.index_cast %mul3A_394 : i32 to index
      %get3A_395 = tpu.vector_load %arg6[%get3A] {strides = array<i32>} : memref<4096xi32, #tpu.memory_space<vmem>>, vector<16xi32>,
      %get3A_396 = vector.shape_cast %get3A_395 : vector<16xi32> to vector<16xi32>
      %mul3A_397 = arith.constant 262144 : i32
      %mul3A_398 = vector.broadcast %mul3A_397 : i32 to vector<16xi32>
      %mul3A_399 = arith.muli %get3A_396, %mul3A_398 : vector<16xi32>
      %add3A_400 = arith.constant 12288 : i32
      %add3A_401 = arith.addi %add3A_23, %add3A_400 : i32
      %add3A_402 = arith.addi %add3A_401, %mul3A_394 : i32
      %add3A_403 = vector.broadcast %add3A_402 : i32 to vector<16xi32>
      %add3A_404 = arith.addi %mul3A_399, %add3A_403 : vector<16xi32>
      %add3A_405 = arith.addi %add3A_404, %iota3A : vector<16xi32>
      %swap3A_406 = arith.index_cast %mul3A_394 : i32 to index
      %swap3A_407 = tpu.vector_load %arg8[%swap3A_406] {strides = array<i32>} : memref<4096xi32, #tpu.memory_space<vmem>>, vector<16xi32>,
      %swap3A_408 = vector.shape_cast %swap3A_407 : vector<16xi32> to vector<16xi32>
      %swap3A_409 = vector.shape_cast %add3A_405 : vector<16xi32> to vector<16xi32>
      tpu.vector_store %arg8[%swap3A_406], %swap3A_409 {strides = array<i32>} : memref<4096xi32, #tpu.memory_space<vmem>>, vector<16xi32>,
      %mul3A_410 = arith.constant 8 : i32
      %mul3A_411 = arith.muli %scan3A_387, %mul3A_410 : i32
      %add3A_412 = arith.constant 1 : i32
      %add3A_413 = arith.addi %mul3A_411, %add3A_412 : i32
      %mul3A_414 = arith.constant 16 : i32
      %mul3A_415 = arith.muli %add3A_413, %mul3A_414 : i32
      %get3A_416 = arith.index_cast %mul3A_415 : i32 to index
      %get3A_417 = tpu.vector_load %arg6[%get3A_416] {strides = array<i32>} : memref<4096xi32, #tpu.memory_space<vmem>>, vector<16xi32>,
      %get3A_418 = vector.shape_cast %get3A_417 : vector<16xi32> to vector<16xi32>
      %mul3A_419 = arith.constant 262144 : i32
      %mul3A_420 = vector.broadcast %mul3A_419 : i32 to vector<16xi32>
      %mul3A_421 = arith.muli %get3A_418, %mul3A_420 : vector<16xi32>
      %add3A_422 = arith.constant 12288 : i32
      %add3A_423 = arith.addi %add3A_23, %add3A_422 : i32
      %add3A_424 = arith.addi %add3A_423, %mul3A_415 : i32
      %add3A_425 = vector.broadcast %add3A_424 : i32 to vector<16xi32>
      %add3A_426 = arith.addi %mul3A_421, %add3A_425 : vector<16xi32>
      %add3A_427 = arith.addi %add3A_426, %iota3A : vector<16xi32>
      %swap3A_428 = arith.index_cast %mul3A_415 : i32 to index
      %swap3A_429 = tpu.vector_load %arg8[%swap3A_428] {strides = array<i32>} : memref<4096xi32, #tpu.memory_space<vmem>>, vector<16xi32>,
      %swap3A_430 = vector.shape_cast %swap3A_429 : vector<16xi32> to vector<16xi32>
      %swap3A_431 = vector.shape_cast %add3A_427 : vector<16xi32> to vector<16xi32>
      tpu.vector_store %arg8[%swap3A_428], %swap3A_431 {strides = array<i32>} : memref<4096xi32, #tpu.memory_space<vmem>>, vector<16xi32>,
      %mul3A_432 = arith.constant 8 : i32
      %mul3A_433 = arith.muli %scan3A_387, %mul3A_432 : i32
      %add3A_434 = arith.constant 2 : i32
      %add3A_435 = arith.addi %mul3A_433, %add3A_434 : i32
      %mul3A_436 = arith.constant 16 : i32
      %mul3A_437 = arith.muli %add3A_435, %mul3A_436 : i32
      %get3A_438 = arith.index_cast %mul3A_437 : i32 to index
      %get3A_439 = tpu.vector_load %arg6[%get3A_438] {strides = array<i32>} : memref<4096xi32, #tpu.memory_space<vmem>>, vector<16xi32>,
      %get3A_440 = vector.shape_cast %get3A_439 : vector<16xi32> to vector<16xi32>
      %mul3A_441 = arith.constant 262144 : i32
      %mul3A_442 = vector.broadcast %mul3A_441 : i32 to vector<16xi32>
      %mul3A_443 = arith.muli %get3A_440, %mul3A_442 : vector<16xi32>
      %add3A_444 = arith.constant 12288 : i32
      %add3A_445 = arith.addi %add3A_23, %add3A_444 : i32
      %add3A_446 = arith.addi %add3A_445, %mul3A_437 : i32
      %add3A_447 = vector.broadcast %add3A_446 : i32 to vector<16xi32>
      %add3A_448 = arith.addi %mul3A_443, %add3A_447 : vector<16xi32>
      %add3A_449 = arith.addi %add3A_448, %iota3A : vector<16xi32>
      %swap3A_450 = arith.index_cast %mul3A_437 : i32 to index
      %swap3A_451 = tpu.vector_load %arg8[%swap3A_450] {strides = array<i32>} : memref<4096xi32, #tpu.memory_space<vmem>>, vector<16xi32>,
      %swap3A_452 = vector.shape_cast %swap3A_451 : vector<16xi32> to vector<16xi32>
      %swap3A_453 = vector.shape_cast %add3A_449 : vector<16xi32> to vector<16xi32>
      tpu.vector_store %arg8[%swap3A_450], %swap3A_453 {strides = array<i32>} : memref<4096xi32, #tpu.memory_space<vmem>>, vector<16xi32>,
      %mul3A_454 = arith.constant 8 : i32
      %mul3A_455 = arith.muli %scan3A_387, %mul3A_454 : i32
      %add3A_456 = arith.constant 3 : i32
      %add3A_457 = arith.addi %mul3A_455, %add3A_456 : i32
      %mul3A_458 = arith.constant 16 : i32
      %mul3A_459 = arith.muli %add3A_457, %mul3A_458 : i32
      %get3A_460 = arith.index_cast %mul3A_459 : i32 to index
      %get3A_461 = tpu.vector_load %arg6[%get3A_460] {strides = array<i32>} : memref<4096xi32, #tpu.memory_space<vmem>>, vector<16xi32>,
      %get3A_462 = vector.shape_cast %get3A_461 : vector<16xi32> to vector<16xi32>
      %mul3A_463 = arith.constant 262144 : i32
      %mul3A_464 = vector.broadcast %mul3A_463 : i32 to vector<16xi32>
      %mul3A_465 = arith.muli %get3A_462, %mul3A_464 : vector<16xi32>
      %add3A_466 = arith.constant 12288 : i32
      %add3A_467 = arith.addi %add3A_23, %add3A_466 : i32
      %add3A_468 = arith.addi %add3A_467, %mul3A_459 : i32
      %add3A_469 = vector.broadcast %add3A_468 : i32 to vector<16xi32>
      %add3A_470 = arith.addi %mul3A_465, %add3A_469 : vector<16xi32>
      %add3A_471 = arith.addi %add3A_470, %iota3A : vector<16xi32>
      %swap3A_472 = arith.index_cast %mul3A_459 : i32 to index
      %swap3A_473 = tpu.vector_load %arg8[%swap3A_472] {strides = array<i32>} : memref<4096xi32, #tpu.memory_space<vmem>>, vector<16xi32>,
      %swap3A_474 = vector.shape_cast %swap3A_473 : vector<16xi32> to vector<16xi32>
      %swap3A_475 = vector.shape_cast %add3A_471 : vector<16xi32> to vector<16xi32>
      tpu.vector_store %arg8[%swap3A_472], %swap3A_475 {strides = array<i32>} : memref<4096xi32, #tpu.memory_space<vmem>>, vector<16xi32>,
      %mul3A_476 = arith.constant 8 : i32
      %mul3A_477 = arith.muli %scan3A_387, %mul3A_476 : i32
      %add3A_478 = arith.constant 4 : i32
      %add3A_479 = arith.addi %mul3A_477, %add3A_478 : i32
      %mul3A_480 = arith.constant 16 : i32
      %mul3A_481 = arith.muli %add3A_479, %mul3A_480 : i32
      %get3A_482 = arith.index_cast %mul3A_481 : i32 to index
      %get3A_483 = tpu.vector_load %arg6[%get3A_482] {strides = array<i32>} : memref<4096xi32, #tpu.memory_space<vmem>>, vector<16xi32>,
      %get3A_484 = vector.shape_cast %get3A_483 : vector<16xi32> to vector<16xi32>
      %mul3A_485 = arith.constant 262144 : i32
      %mul3A_486 = vector.broadcast %mul3A_485 : i32 to vector<16xi32>
      %mul3A_487 = arith.muli %get3A_484, %mul3A_486 : vector<16xi32>
      %add3A_488 = arith.constant 12288 : i32
      %add3A_489 = arith.addi %add3A_23, %add3A_488 : i32
      %add3A_490 = arith.addi %add3A_489, %mul3A_481 : i32
      %add3A_491 = vector.broadcast %add3A_490 : i32 to vector<16xi32>
      %add3A_492 = arith.addi %mul3A_487, %add3A_491 : vector<16xi32>
      %add3A_493 = arith.addi %add3A_492, %iota3A : vector<16xi32>
      %swap3A_494 = arith.index_cast %mul3A_481 : i32 to index
      %swap3A_495 = tpu.vector_load %arg8[%swap3A_494] {strides = array<i32>} : memref<4096xi32, #tpu.memory_space<vmem>>, vector<16xi32>,
      %swap3A_496 = vector.shape_cast %swap3A_495 : vector<16xi32> to vector<16xi32>
      %swap3A_497 = vector.shape_cast %add3A_493 : vector<16xi32> to vector<16xi32>
      tpu.vector_store %arg8[%swap3A_494], %swap3A_497 {strides = array<i32>} : memref<4096xi32, #tpu.memory_space<vmem>>, vector<16xi32>,
      %mul3A_498 = arith.constant 8 : i32
      %mul3A_499 = arith.muli %scan3A_387, %mul3A_498 : i32
      %add3A_500 = arith.constant 5 : i32
      %add3A_501 = arith.addi %mul3A_499, %add3A_500 : i32
      %mul3A_502 = arith.constant 16 : i32
      %mul3A_503 = arith.muli %add3A_501, %mul3A_502 : i32
      %get3A_504 = arith.index_cast %mul3A_503 : i32 to index
      %get3A_505 = tpu.vector_load %arg6[%get3A_504] {strides = array<i32>} : memref<4096xi32, #tpu.memory_space<vmem>>, vector<16xi32>,
      %get3A_506 = vector.shape_cast %get3A_505 : vector<16xi32> to vector<16xi32>
      %mul3A_507 = arith.constant 262144 : i32
      %mul3A_508 = vector.broadcast %mul3A_507 : i32 to vector<16xi32>
      %mul3A_509 = arith.muli %get3A_506, %mul3A_508 : vector<16xi32>
      %add3A_510 = arith.constant 12288 : i32
      %add3A_511 = arith.addi %add3A_23, %add3A_510 : i32
      %add3A_512 = arith.addi %add3A_511, %mul3A_503 : i32
      %add3A_513 = vector.broadcast %add3A_512 : i32 to vector<16xi32>
      %add3A_514 = arith.addi %mul3A_509, %add3A_513 : vector<16xi32>
      %add3A_515 = arith.addi %add3A_514, %iota3A : vector<16xi32>
      %swap3A_516 = arith.index_cast %mul3A_503 : i32 to index
      %swap3A_517 = tpu.vector_load %arg8[%swap3A_516] {strides = array<i32>} : memref<4096xi32, #tpu.memory_space<vmem>>, vector<16xi32>,
      %swap3A_518 = vector.shape_cast %swap3A_517 : vector<16xi32> to vector<16xi32>
      %swap3A_519 = vector.shape_cast %add3A_515 : vector<16xi32> to vector<16xi32>
      tpu.vector_store %arg8[%swap3A_516], %swap3A_519 {strides = array<i32>} : memref<4096xi32, #tpu.memory_space<vmem>>, vector<16xi32>,
      %mul3A_520 = arith.constant 8 : i32
      %mul3A_521 = arith.muli %scan3A_387, %mul3A_520 : i32
      %add3A_522 = arith.constant 6 : i32
      %add3A_523 = arith.addi %mul3A_521, %add3A_522 : i32
      %mul3A_524 = arith.constant 16 : i32
      %mul3A_525 = arith.muli %add3A_523, %mul3A_524 : i32
      %get3A_526 = arith.index_cast %mul3A_525 : i32 to index
      %get3A_527 = tpu.vector_load %arg6[%get3A_526] {strides = array<i32>} : memref<4096xi32, #tpu.memory_space<vmem>>, vector<16xi32>,
      %get3A_528 = vector.shape_cast %get3A_527 : vector<16xi32> to vector<16xi32>
      %mul3A_529 = arith.constant 262144 : i32
      %mul3A_530 = vector.broadcast %mul3A_529 : i32 to vector<16xi32>
      %mul3A_531 = arith.muli %get3A_528, %mul3A_530 : vector<16xi32>
      %add3A_532 = arith.constant 12288 : i32
      %add3A_533 = arith.addi %add3A_23, %add3A_532 : i32
      %add3A_534 = arith.addi %add3A_533, %mul3A_525 : i32
      %add3A_535 = vector.broadcast %add3A_534 : i32 to vector<16xi32>
      %add3A_536 = arith.addi %mul3A_531, %add3A_535 : vector<16xi32>
      %add3A_537 = arith.addi %add3A_536, %iota3A : vector<16xi32>
      %swap3A_538 = arith.index_cast %mul3A_525 : i32 to index
      %swap3A_539 = tpu.vector_load %arg8[%swap3A_538] {strides = array<i32>} : memref<4096xi32, #tpu.memory_space<vmem>>, vector<16xi32>,
      %swap3A_540 = vector.shape_cast %swap3A_539 : vector<16xi32> to vector<16xi32>
      %swap3A_541 = vector.shape_cast %add3A_537 : vector<16xi32> to vector<16xi32>
      tpu.vector_store %arg8[%swap3A_538], %swap3A_541 {strides = array<i32>} : memref<4096xi32, #tpu.memory_space<vmem>>, vector<16xi32>,
      %mul3A_542 = arith.constant 8 : i32
      %mul3A_543 = arith.muli %scan3A_387, %mul3A_542 : i32
      %add3A_544 = arith.constant 7 : i32
      %add3A_545 = arith.addi %mul3A_543, %add3A_544 : i32
      %mul3A_546 = arith.constant 16 : i32
      %mul3A_547 = arith.muli %add3A_545, %mul3A_546 : i32
      %get3A_548 = arith.index_cast %mul3A_547 : i32 to index
      %get3A_549 = tpu.vector_load %arg6[%get3A_548] {strides = array<i32>} : memref<4096xi32, #tpu.memory_space<vmem>>, vector<16xi32>,
      %get3A_550 = vector.shape_cast %get3A_549 : vector<16xi32> to vector<16xi32>
      %mul3A_551 = arith.constant 262144 : i32
      %mul3A_552 = vector.broadcast %mul3A_551 : i32 to vector<16xi32>
      %mul3A_553 = arith.muli %get3A_550, %mul3A_552 : vector<16xi32>
      %add3A_554 = arith.constant 12288 : i32
      %add3A_555 = arith.addi %add3A_23, %add3A_554 : i32
      %add3A_556 = arith.addi %add3A_555, %mul3A_547 : i32
      %add3A_557 = vector.broadcast %add3A_556 : i32 to vector<16xi32>
      %add3A_558 = arith.addi %mul3A_553, %add3A_557 : vector<16xi32>
      %add3A_559 = arith.addi %add3A_558, %iota3A : vector<16xi32>
      %swap3A_560 = arith.index_cast %mul3A_547 : i32 to index
      %swap3A_561 = tpu.vector_load %arg8[%swap3A_560] {strides = array<i32>} : memref<4096xi32, #tpu.memory_space<vmem>>, vector<16xi32>,
      %swap3A_562 = vector.shape_cast %swap3A_561 : vector<16xi32> to vector<16xi32>
      %swap3A_563 = vector.shape_cast %add3A_559 : vector<16xi32> to vector<16xi32>
      tpu.vector_store %arg8[%swap3A_560], %swap3A_563 {strides = array<i32>} : memref<4096xi32, #tpu.memory_space<vmem>>, vector<16xi32>,
      %scan3A_564 = arith.constant 0 : i32
      scf.yield %scan3A_564 : i32
    }
    %scan3A_159 = arith.constant 32 : i32
    %dma_start3A_160 = arith.constant 0 : i32
    %dma_start3A_161 = tpu.memref_slice %arg10[%dma_start3A_160] : memref<4096xf32, #tpu.memory_space<vmem>> -> memref<2048xf32, #tpu.memory_space<vmem>>
    %dma_start3A_162 = arith.constant 0 : i32
    %dma_start3A_163 = tpu.memref_slice %arg8[%dma_start3A_162] : memref<4096xi32, #tpu.memory_space<vmem>> -> memref<2048xi32, #tpu.memory_space<vmem>>
    %dma_start3A_164 = arith.constant 0 : i32
    %dma_start3A_165 = tpu.memref_slice %arg2[%dma_start3A_164] : memref<100663296xf32, #tpu.memory_space<hbm>> -> memref<100663296xf32, #tpu.memory_space<hbm>>
    tpu.enqueue_indirect_dma source(%dma_start3A_165 : memref<100663296xf32, #tpu.memory_space<hbm>>) target(%dma_start3A_161 : memref<2048xf32, #tpu.memory_space<vmem>>) offsets(%dma_start3A_163 : memref<2048xi32, #tpu.memory_space<vmem>>) semaphore(%arg14 : memref<!tpu.dma_semaphore, #tpu.memory_space<semaphore_mem>>)
    %dma_start3A_166 = arith.constant 2048 : i32
    %dma_start3A_167 = tpu.memref_slice %arg10[%dma_start3A_166] : memref<4096xf32, #tpu.memory_space<vmem>> -> memref<2048xf32, #tpu.memory_space<vmem>>
    %dma_start3A_168 = arith.constant 2048 : i32
    %dma_start3A_169 = tpu.memref_slice %arg8[%dma_start3A_168] : memref<4096xi32, #tpu.memory_space<vmem>> -> memref<2048xi32, #tpu.memory_space<vmem>>
    %dma_start3A_170 = arith.constant 0 : i32
    %dma_start3A_171 = tpu.memref_slice %arg2[%dma_start3A_170] : memref<100663296xf32, #tpu.memory_space<hbm>> -> memref<100663296xf32, #tpu.memory_space<hbm>>
    tpu.enqueue_indirect_dma source(%dma_start3A_171 : memref<100663296xf32, #tpu.memory_space<hbm>>) target(%dma_start3A_167 : memref<2048xf32, #tpu.memory_space<vmem>>) offsets(%dma_start3A_169 : memref<2048xi32, #tpu.memory_space<vmem>>) semaphore(%arg15 : memref<!tpu.dma_semaphore, #tpu.memory_space<semaphore_mem>>)
    %dma_wait3A_172 = arith.constant 0 : i32
    %dma_wait3A_173 = tpu.memref_slice %arg9[%dma_wait3A_172] : memref<4096xf32, #tpu.memory_space<vmem>> -> memref<2048xf32, #tpu.memory_space<vmem>>
    %dma_wait3A_174 = arith.constant 0 : i32
    %dma_wait3A_175 = tpu.memref_slice %arg7[%dma_wait3A_174] : memref<4096xi32, #tpu.memory_space<vmem>> -> memref<2048xi32, #tpu.memory_space<vmem>>
    %dma_wait3A_176 = arith.constant 0 : i32
    %dma_wait3A_177 = tpu.memref_slice %arg2[%dma_wait3A_176] : memref<100663296xf32, #tpu.memory_space<hbm>> -> memref<100663296xf32, #tpu.memory_space<hbm>>
    tpu.wait_indirect_dma semaphore(%arg12 : memref<!tpu.dma_semaphore, #tpu.memory_space<semaphore_mem>>) src(%dma_wait3A_177 : memref<100663296xf32, #tpu.memory_space<hbm>>) dst(%dma_wait3A_173 : memref<2048xf32, #tpu.memory_space<vmem>>)
    %dma_wait3A_178 = arith.constant 2048 : i32
    %dma_wait3A_179 = tpu.memref_slice %arg9[%dma_wait3A_178] : memref<4096xf32, #tpu.memory_space<vmem>> -> memref<2048xf32, #tpu.memory_space<vmem>>
    %dma_wait3A_180 = arith.constant 2048 : i32
    %dma_wait3A_181 = tpu.memref_slice %arg7[%dma_wait3A_180] : memref<4096xi32, #tpu.memory_space<vmem>> -> memref<2048xi32, #tpu.memory_space<vmem>>
    %dma_wait3A_182 = arith.constant 0 : i32
    %dma_wait3A_183 = tpu.memref_slice %arg2[%dma_wait3A_182] : memref<100663296xf32, #tpu.memory_space<hbm>> -> memref<100663296xf32, #tpu.memory_space<hbm>>
    tpu.wait_indirect_dma semaphore(%arg13 : memref<!tpu.dma_semaphore, #tpu.memory_space<semaphore_mem>>) src(%dma_wait3A_183 : memref<100663296xf32, #tpu.memory_space<hbm>>) dst(%dma_wait3A_179 : memref<2048xf32, #tpu.memory_space<vmem>>)
    %scan3A_184 = arith.constant 0 : i32
    %scan3A_185 = arith.constant 32 : i32
    %scan3A_186 = arith.addi %scan3A_184, %scan3A_185 : i32
    %scan3A_187 = arith.constant 1 : i32
    %scan3A_188 = scf.for %scan3A_387 = %scan3A_184 to %scan3A_186 step %scan3A_187 iter_args(%scan3A_388 = %scan3A_143) -> (vector<16xf32>)  : i32 {
      %mul3A_389 = arith.constant 8 : i32
      %mul3A_390 = arith.muli %scan3A_387, %mul3A_389 : i32
      %add3A_391 = arith.constant 0 : i32
      %add3A_392 = arith.addi %mul3A_390, %add3A_391 : i32
      %mul3A_393 = arith.constant 16 : i32
      %mul3A_394 = arith.muli %add3A_392, %mul3A_393 : i32
      %get3A = arith.index_cast %mul3A_394 : i32 to index
      %get3A_395 = tpu.vector_load %arg9[%get3A] {strides = array<i32>} : memref<4096xf32, #tpu.memory_space<vmem>>, vector<16xf32>,
      %get3A_396 = vector.shape_cast %get3A_395 : vector<16xf32> to vector<16xf32>
      %add3A_397 = arith.addf %scan3A_388, %get3A_396 : vector<16xf32>
      %mul3A_398 = arith.constant 8 : i32
      %mul3A_399 = arith.muli %scan3A_387, %mul3A_398 : i32
      %add3A_400 = arith.constant 1 : i32
      %add3A_401 = arith.addi %mul3A_399, %add3A_400 : i32
      %mul3A_402 = arith.constant 16 : i32
      %mul3A_403 = arith.muli %add3A_401, %mul3A_402 : i32
      %get3A_404 = arith.index_cast %mul3A_403 : i32 to index
      %get3A_405 = tpu.vector_load %arg9[%get3A_404] {strides = array<i32>} : memref<4096xf32, #tpu.memory_space<vmem>>, vector<16xf32>,
      %get3A_406 = vector.shape_cast %get3A_405 : vector<16xf32> to vector<16xf32>
      %add3A_407 = arith.addf %add3A_397, %get3A_406 : vector<16xf32>
      %mul3A_408 = arith.constant 8 : i32
      %mul3A_409 = arith.muli %scan3A_387, %mul3A_408 : i32
      %add3A_410 = arith.constant 2 : i32
      %add3A_411 = arith.addi %mul3A_409, %add3A_410 : i32
      %mul3A_412 = arith.constant 16 : i32
      %mul3A_413 = arith.muli %add3A_411, %mul3A_412 : i32
      %get3A_414 = arith.index_cast %mul3A_413 : i32 to index
      %get3A_415 = tpu.vector_load %arg9[%get3A_414] {strides = array<i32>} : memref<4096xf32, #tpu.memory_space<vmem>>, vector<16xf32>,
      %get3A_416 = vector.shape_cast %get3A_415 : vector<16xf32> to vector<16xf32>
      %add3A_417 = arith.addf %add3A_407, %get3A_416 : vector<16xf32>
      %mul3A_418 = arith.constant 8 : i32
      %mul3A_419 = arith.muli %scan3A_387, %mul3A_418 : i32
      %add3A_420 = arith.constant 3 : i32
      %add3A_421 = arith.addi %mul3A_419, %add3A_420 : i32
      %mul3A_422 = arith.constant 16 : i32
      %mul3A_423 = arith.muli %add3A_421, %mul3A_422 : i32
      %get3A_424 = arith.index_cast %mul3A_423 : i32 to index
      %get3A_425 = tpu.vector_load %arg9[%get3A_424] {strides = array<i32>} : memref<4096xf32, #tpu.memory_space<vmem>>, vector<16xf32>,
      %get3A_426 = vector.shape_cast %get3A_425 : vector<16xf32> to vector<16xf32>
      %add3A_427 = arith.addf %add3A_417, %get3A_426 : vector<16xf32>
      %mul3A_428 = arith.constant 8 : i32
      %mul3A_429 = arith.muli %scan3A_387, %mul3A_428 : i32
      %add3A_430 = arith.constant 4 : i32
      %add3A_431 = arith.addi %mul3A_429, %add3A_430 : i32
      %mul3A_432 = arith.constant 16 : i32
      %mul3A_433 = arith.muli %add3A_431, %mul3A_432 : i32
      %get3A_434 = arith.index_cast %mul3A_433 : i32 to index
      %get3A_435 = tpu.vector_load %arg9[%get3A_434] {strides = array<i32>} : memref<4096xf32, #tpu.memory_space<vmem>>, vector<16xf32>,
      %get3A_436 = vector.shape_cast %get3A_435 : vector<16xf32> to vector<16xf32>
      %add3A_437 = arith.addf %add3A_427, %get3A_436 : vector<16xf32>
      %mul3A_438 = arith.constant 8 : i32
      %mul3A_439 = arith.muli %scan3A_387, %mul3A_438 : i32
      %add3A_440 = arith.constant 5 : i32
      %add3A_441 = arith.addi %mul3A_439, %add3A_440 : i32
      %mul3A_442 = arith.constant 16 : i32
      %mul3A_443 = arith.muli %add3A_441, %mul3A_442 : i32
      %get3A_444 = arith.index_cast %mul3A_443 : i32 to index
      %get3A_445 = tpu.vector_load %arg9[%get3A_444] {strides = array<i32>} : memref<4096xf32, #tpu.memory_space<vmem>>, vector<16xf32>,
      %get3A_446 = vector.shape_cast %get3A_445 : vector<16xf32> to vector<16xf32>
      %add3A_447 = arith.addf %add3A_437, %get3A_446 : vector<16xf32>
      %mul3A_448 = arith.constant 8 : i32
      %mul3A_449 = arith.muli %scan3A_387, %mul3A_448 : i32
      %add3A_450 = arith.constant 6 : i32
      %add3A_451 = arith.addi %mul3A_449, %add3A_450 : i32
      %mul3A_452 = arith.constant 16 : i32
      %mul3A_453 = arith.muli %add3A_451, %mul3A_452 : i32
      %get3A_454 = arith.index_cast %mul3A_453 : i32 to index
      %get3A_455 = tpu.vector_load %arg9[%get3A_454] {strides = array<i32>} : memref<4096xf32, #tpu.memory_space<vmem>>, vector<16xf32>,
      %get3A_456 = vector.shape_cast %get3A_455 : vector<16xf32> to vector<16xf32>
      %add3A_457 = arith.addf %add3A_447, %get3A_456 : vector<16xf32>
      %mul3A_458 = arith.constant 8 : i32
      %mul3A_459 = arith.muli %scan3A_387, %mul3A_458 : i32
      %add3A_460 = arith.constant 7 : i32
      %add3A_461 = arith.addi %mul3A_459, %add3A_460 : i32
      %mul3A_462 = arith.constant 16 : i32
      %mul3A_463 = arith.muli %add3A_461, %mul3A_462 : i32
      %get3A_464 = arith.index_cast %mul3A_463 : i32 to index
      %get3A_465 = tpu.vector_load %arg9[%get3A_464] {strides = array<i32>} : memref<4096xf32, #tpu.memory_space<vmem>>, vector<16xf32>,
      %get3A_466 = vector.shape_cast %get3A_465 : vector<16xf32> to vector<16xf32>
      %add3A_467 = arith.addf %add3A_457, %get3A_466 : vector<16xf32>
      scf.yield %add3A_467 : vector<16xf32>
    }
    %scan3A_189 = arith.constant 32 : i32
    %dma_wait3A_190 = tpu.memref_slice %arg3[%add3A_150] : memref<1048576xi32, #tpu.memory_space<hbm>> -> memref<4096xi32, #tpu.memory_space<hbm>>
    %dma_wait3A_191 = tpu.memref_slice %arg3[%add3A_150] : memref<1048576xi32, #tpu.memory_space<hbm>> -> memref<4096xi32, #tpu.memory_space<hbm>>
    tpu.wait_dma2 semaphore(%arg16 : memref<!tpu.dma_semaphore, #tpu.memory_space<semaphore_mem>>) src(%dma_wait3A_191 : memref<4096xi32, #tpu.memory_space<hbm>>) dst(%arg5 : memref<4096xi32, #tpu.memory_space<vmem>>)
    %mul3A_192 = arith.constant 32768 : i32
    %mul3A_193 = arith.muli %add3A, %mul3A_192 : i32
    %add3A_194 = arith.constant 20480 : i32
    %add3A_195 = arith.addi %mul3A_193, %add3A_194 : i32
    %dma_start3A_196 = tpu.memref_slice %arg3[%add3A_195] : memref<1048576xi32, #tpu.memory_space<hbm>> -> memref<4096xi32, #tpu.memory_space<hbm>>
    %dma_start3A_197 = tpu.memref_slice %arg3[%add3A_195] : memref<1048576xi32, #tpu.memory_space<hbm>> -> memref<4096xi32, #tpu.memory_space<hbm>>
    tpu.enqueue_dma source(%dma_start3A_197 : memref<4096xi32, #tpu.memory_space<hbm>>) target(%arg6 : memref<4096xi32, #tpu.memory_space<vmem>>) target_semaphore(%arg17 : memref<!tpu.dma_semaphore, #tpu.memory_space<semaphore_mem>>)
    %scan3A_198 = arith.constant 0 : i32
    %scan3A_199 = arith.constant 0 : i32
    %scan3A_200 = arith.constant 32 : i32
    %scan3A_201 = arith.addi %scan3A_199, %scan3A_200 : i32
    %scan3A_202 = arith.constant 1 : i32
    %scan3A_203 = scf.for %scan3A_387 = %scan3A_199 to %scan3A_201 step %scan3A_202 iter_args(%scan3A_388 = %scan3A_198) -> (i32)  : i32 {
      %mul3A_389 = arith.constant 8 : i32
      %mul3A_390 = arith.muli %scan3A_387, %mul3A_389 : i32
      %add3A_391 = arith.constant 0 : i32
      %add3A_392 = arith.addi %mul3A_390, %add3A_391 : i32
      %mul3A_393 = arith.constant 16 : i32
      %mul3A_394 = arith.muli %add3A_392, %mul3A_393 : i32
      %get3A = arith.index_cast %mul3A_394 : i32 to index
      %get3A_395 = tpu.vector_load %arg5[%get3A] {strides = array<i32>} : memref<4096xi32, #tpu.memory_space<vmem>>, vector<16xi32>,
      %get3A_396 = vector.shape_cast %get3A_395 : vector<16xi32> to vector<16xi32>
      %mul3A_397 = arith.constant 262144 : i32
      %mul3A_398 = vector.broadcast %mul3A_397 : i32 to vector<16xi32>
      %mul3A_399 = arith.muli %get3A_396, %mul3A_398 : vector<16xi32>
      %add3A_400 = arith.constant 16384 : i32
      %add3A_401 = arith.addi %add3A_23, %add3A_400 : i32
      %add3A_402 = arith.addi %add3A_401, %mul3A_394 : i32
      %add3A_403 = vector.broadcast %add3A_402 : i32 to vector<16xi32>
      %add3A_404 = arith.addi %mul3A_399, %add3A_403 : vector<16xi32>
      %add3A_405 = arith.addi %add3A_404, %iota3A : vector<16xi32>
      %swap3A_406 = arith.index_cast %mul3A_394 : i32 to index
      %swap3A_407 = tpu.vector_load %arg7[%swap3A_406] {strides = array<i32>} : memref<4096xi32, #tpu.memory_space<vmem>>, vector<16xi32>,
      %swap3A_408 = vector.shape_cast %swap3A_407 : vector<16xi32> to vector<16xi32>
      %swap3A_409 = vector.shape_cast %add3A_405 : vector<16xi32> to vector<16xi32>
      tpu.vector_store %arg7[%swap3A_406], %swap3A_409 {strides = array<i32>} : memref<4096xi32, #tpu.memory_space<vmem>>, vector<16xi32>,
      %mul3A_410 = arith.constant 8 : i32
      %mul3A_411 = arith.muli %scan3A_387, %mul3A_410 : i32
      %add3A_412 = arith.constant 1 : i32
      %add3A_413 = arith.addi %mul3A_411, %add3A_412 : i32
      %mul3A_414 = arith.constant 16 : i32
      %mul3A_415 = arith.muli %add3A_413, %mul3A_414 : i32
      %get3A_416 = arith.index_cast %mul3A_415 : i32 to index
      %get3A_417 = tpu.vector_load %arg5[%get3A_416] {strides = array<i32>} : memref<4096xi32, #tpu.memory_space<vmem>>, vector<16xi32>,
      %get3A_418 = vector.shape_cast %get3A_417 : vector<16xi32> to vector<16xi32>
      %mul3A_419 = arith.constant 262144 : i32
      %mul3A_420 = vector.broadcast %mul3A_419 : i32 to vector<16xi32>
      %mul3A_421 = arith.muli %get3A_418, %mul3A_420 : vector<16xi32>
      %add3A_422 = arith.constant 16384 : i32
      %add3A_423 = arith.addi %add3A_23, %add3A_422 : i32
      %add3A_424 = arith.addi %add3A_423, %mul3A_415 : i32
      %add3A_425 = vector.broadcast %add3A_424 : i32 to vector<16xi32>
      %add3A_426 = arith.addi %mul3A_421, %add3A_425 : vector<16xi32>
      %add3A_427 = arith.addi %add3A_426, %iota3A : vector<16xi32>
      %swap3A_428 = arith.index_cast %mul3A_415 : i32 to index
      %swap3A_429 = tpu.vector_load %arg7[%swap3A_428] {strides = array<i32>} : memref<4096xi32, #tpu.memory_space<vmem>>, vector<16xi32>,
      %swap3A_430 = vector.shape_cast %swap3A_429 : vector<16xi32> to vector<16xi32>
      %swap3A_431 = vector.shape_cast %add3A_427 : vector<16xi32> to vector<16xi32>
      tpu.vector_store %arg7[%swap3A_428], %swap3A_431 {strides = array<i32>} : memref<4096xi32, #tpu.memory_space<vmem>>, vector<16xi32>,
      %mul3A_432 = arith.constant 8 : i32
      %mul3A_433 = arith.muli %scan3A_387, %mul3A_432 : i32
      %add3A_434 = arith.constant 2 : i32
      %add3A_435 = arith.addi %mul3A_433, %add3A_434 : i32
      %mul3A_436 = arith.constant 16 : i32
      %mul3A_437 = arith.muli %add3A_435, %mul3A_436 : i32
      %get3A_438 = arith.index_cast %mul3A_437 : i32 to index
      %get3A_439 = tpu.vector_load %arg5[%get3A_438] {strides = array<i32>} : memref<4096xi32, #tpu.memory_space<vmem>>, vector<16xi32>,
      %get3A_440 = vector.shape_cast %get3A_439 : vector<16xi32> to vector<16xi32>
      %mul3A_441 = arith.constant 262144 : i32
      %mul3A_442 = vector.broadcast %mul3A_441 : i32 to vector<16xi32>
      %mul3A_443 = arith.muli %get3A_440, %mul3A_442 : vector<16xi32>
      %add3A_444 = arith.constant 16384 : i32
      %add3A_445 = arith.addi %add3A_23, %add3A_444 : i32
      %add3A_446 = arith.addi %add3A_445, %mul3A_437 : i32
      %add3A_447 = vector.broadcast %add3A_446 : i32 to vector<16xi32>
      %add3A_448 = arith.addi %mul3A_443, %add3A_447 : vector<16xi32>
      %add3A_449 = arith.addi %add3A_448, %iota3A : vector<16xi32>
      %swap3A_450 = arith.index_cast %mul3A_437 : i32 to index
      %swap3A_451 = tpu.vector_load %arg7[%swap3A_450] {strides = array<i32>} : memref<4096xi32, #tpu.memory_space<vmem>>, vector<16xi32>,
      %swap3A_452 = vector.shape_cast %swap3A_451 : vector<16xi32> to vector<16xi32>
      %swap3A_453 = vector.shape_cast %add3A_449 : vector<16xi32> to vector<16xi32>
      tpu.vector_store %arg7[%swap3A_450], %swap3A_453 {strides = array<i32>} : memref<4096xi32, #tpu.memory_space<vmem>>, vector<16xi32>,
      %mul3A_454 = arith.constant 8 : i32
      %mul3A_455 = arith.muli %scan3A_387, %mul3A_454 : i32
      %add3A_456 = arith.constant 3 : i32
      %add3A_457 = arith.addi %mul3A_455, %add3A_456 : i32
      %mul3A_458 = arith.constant 16 : i32
      %mul3A_459 = arith.muli %add3A_457, %mul3A_458 : i32
      %get3A_460 = arith.index_cast %mul3A_459 : i32 to index
      %get3A_461 = tpu.vector_load %arg5[%get3A_460] {strides = array<i32>} : memref<4096xi32, #tpu.memory_space<vmem>>, vector<16xi32>,
      %get3A_462 = vector.shape_cast %get3A_461 : vector<16xi32> to vector<16xi32>
      %mul3A_463 = arith.constant 262144 : i32
      %mul3A_464 = vector.broadcast %mul3A_463 : i32 to vector<16xi32>
      %mul3A_465 = arith.muli %get3A_462, %mul3A_464 : vector<16xi32>
      %add3A_466 = arith.constant 16384 : i32
      %add3A_467 = arith.addi %add3A_23, %add3A_466 : i32
      %add3A_468 = arith.addi %add3A_467, %mul3A_459 : i32
      %add3A_469 = vector.broadcast %add3A_468 : i32 to vector<16xi32>
      %add3A_470 = arith.addi %mul3A_465, %add3A_469 : vector<16xi32>
      %add3A_471 = arith.addi %add3A_470, %iota3A : vector<16xi32>
      %swap3A_472 = arith.index_cast %mul3A_459 : i32 to index
      %swap3A_473 = tpu.vector_load %arg7[%swap3A_472] {strides = array<i32>} : memref<4096xi32, #tpu.memory_space<vmem>>, vector<16xi32>,
      %swap3A_474 = vector.shape_cast %swap3A_473 : vector<16xi32> to vector<16xi32>
      %swap3A_475 = vector.shape_cast %add3A_471 : vector<16xi32> to vector<16xi32>
      tpu.vector_store %arg7[%swap3A_472], %swap3A_475 {strides = array<i32>} : memref<4096xi32, #tpu.memory_space<vmem>>, vector<16xi32>,
      %mul3A_476 = arith.constant 8 : i32
      %mul3A_477 = arith.muli %scan3A_387, %mul3A_476 : i32
      %add3A_478 = arith.constant 4 : i32
      %add3A_479 = arith.addi %mul3A_477, %add3A_478 : i32
      %mul3A_480 = arith.constant 16 : i32
      %mul3A_481 = arith.muli %add3A_479, %mul3A_480 : i32
      %get3A_482 = arith.index_cast %mul3A_481 : i32 to index
      %get3A_483 = tpu.vector_load %arg5[%get3A_482] {strides = array<i32>} : memref<4096xi32, #tpu.memory_space<vmem>>, vector<16xi32>,
      %get3A_484 = vector.shape_cast %get3A_483 : vector<16xi32> to vector<16xi32>
      %mul3A_485 = arith.constant 262144 : i32
      %mul3A_486 = vector.broadcast %mul3A_485 : i32 to vector<16xi32>
      %mul3A_487 = arith.muli %get3A_484, %mul3A_486 : vector<16xi32>
      %add3A_488 = arith.constant 16384 : i32
      %add3A_489 = arith.addi %add3A_23, %add3A_488 : i32
      %add3A_490 = arith.addi %add3A_489, %mul3A_481 : i32
      %add3A_491 = vector.broadcast %add3A_490 : i32 to vector<16xi32>
      %add3A_492 = arith.addi %mul3A_487, %add3A_491 : vector<16xi32>
      %add3A_493 = arith.addi %add3A_492, %iota3A : vector<16xi32>
      %swap3A_494 = arith.index_cast %mul3A_481 : i32 to index
      %swap3A_495 = tpu.vector_load %arg7[%swap3A_494] {strides = array<i32>} : memref<4096xi32, #tpu.memory_space<vmem>>, vector<16xi32>,
      %swap3A_496 = vector.shape_cast %swap3A_495 : vector<16xi32> to vector<16xi32>
      %swap3A_497 = vector.shape_cast %add3A_493 : vector<16xi32> to vector<16xi32>
      tpu.vector_store %arg7[%swap3A_494], %swap3A_497 {strides = array<i32>} : memref<4096xi32, #tpu.memory_space<vmem>>, vector<16xi32>,
      %mul3A_498 = arith.constant 8 : i32
      %mul3A_499 = arith.muli %scan3A_387, %mul3A_498 : i32
      %add3A_500 = arith.constant 5 : i32
      %add3A_501 = arith.addi %mul3A_499, %add3A_500 : i32
      %mul3A_502 = arith.constant 16 : i32
      %mul3A_503 = arith.muli %add3A_501, %mul3A_502 : i32
      %get3A_504 = arith.index_cast %mul3A_503 : i32 to index
      %get3A_505 = tpu.vector_load %arg5[%get3A_504] {strides = array<i32>} : memref<4096xi32, #tpu.memory_space<vmem>>, vector<16xi32>,
      %get3A_506 = vector.shape_cast %get3A_505 : vector<16xi32> to vector<16xi32>
      %mul3A_507 = arith.constant 262144 : i32
      %mul3A_508 = vector.broadcast %mul3A_507 : i32 to vector<16xi32>
      %mul3A_509 = arith.muli %get3A_506, %mul3A_508 : vector<16xi32>
      %add3A_510 = arith.constant 16384 : i32
      %add3A_511 = arith.addi %add3A_23, %add3A_510 : i32
      %add3A_512 = arith.addi %add3A_511, %mul3A_503 : i32
      %add3A_513 = vector.broadcast %add3A_512 : i32 to vector<16xi32>
      %add3A_514 = arith.addi %mul3A_509, %add3A_513 : vector<16xi32>
      %add3A_515 = arith.addi %add3A_514, %iota3A : vector<16xi32>
      %swap3A_516 = arith.index_cast %mul3A_503 : i32 to index
      %swap3A_517 = tpu.vector_load %arg7[%swap3A_516] {strides = array<i32>} : memref<4096xi32, #tpu.memory_space<vmem>>, vector<16xi32>,
      %swap3A_518 = vector.shape_cast %swap3A_517 : vector<16xi32> to vector<16xi32>
      %swap3A_519 = vector.shape_cast %add3A_515 : vector<16xi32> to vector<16xi32>
      tpu.vector_store %arg7[%swap3A_516], %swap3A_519 {strides = array<i32>} : memref<4096xi32, #tpu.memory_space<vmem>>, vector<16xi32>,
      %mul3A_520 = arith.constant 8 : i32
      %mul3A_521 = arith.muli %scan3A_387, %mul3A_520 : i32
      %add3A_522 = arith.constant 6 : i32
      %add3A_523 = arith.addi %mul3A_521, %add3A_522 : i32
      %mul3A_524 = arith.constant 16 : i32
      %mul3A_525 = arith.muli %add3A_523, %mul3A_524 : i32
      %get3A_526 = arith.index_cast %mul3A_525 : i32 to index
      %get3A_527 = tpu.vector_load %arg5[%get3A_526] {strides = array<i32>} : memref<4096xi32, #tpu.memory_space<vmem>>, vector<16xi32>,
      %get3A_528 = vector.shape_cast %get3A_527 : vector<16xi32> to vector<16xi32>
      %mul3A_529 = arith.constant 262144 : i32
      %mul3A_530 = vector.broadcast %mul3A_529 : i32 to vector<16xi32>
      %mul3A_531 = arith.muli %get3A_528, %mul3A_530 : vector<16xi32>
      %add3A_532 = arith.constant 16384 : i32
      %add3A_533 = arith.addi %add3A_23, %add3A_532 : i32
      %add3A_534 = arith.addi %add3A_533, %mul3A_525 : i32
      %add3A_535 = vector.broadcast %add3A_534 : i32 to vector<16xi32>
      %add3A_536 = arith.addi %mul3A_531, %add3A_535 : vector<16xi32>
      %add3A_537 = arith.addi %add3A_536, %iota3A : vector<16xi32>
      %swap3A_538 = arith.index_cast %mul3A_525 : i32 to index
      %swap3A_539 = tpu.vector_load %arg7[%swap3A_538] {strides = array<i32>} : memref<4096xi32, #tpu.memory_space<vmem>>, vector<16xi32>,
      %swap3A_540 = vector.shape_cast %swap3A_539 : vector<16xi32> to vector<16xi32>
      %swap3A_541 = vector.shape_cast %add3A_537 : vector<16xi32> to vector<16xi32>
      tpu.vector_store %arg7[%swap3A_538], %swap3A_541 {strides = array<i32>} : memref<4096xi32, #tpu.memory_space<vmem>>, vector<16xi32>,
      %mul3A_542 = arith.constant 8 : i32
      %mul3A_543 = arith.muli %scan3A_387, %mul3A_542 : i32
      %add3A_544 = arith.constant 7 : i32
      %add3A_545 = arith.addi %mul3A_543, %add3A_544 : i32
      %mul3A_546 = arith.constant 16 : i32
      %mul3A_547 = arith.muli %add3A_545, %mul3A_546 : i32
      %get3A_548 = arith.index_cast %mul3A_547 : i32 to index
      %get3A_549 = tpu.vector_load %arg5[%get3A_548] {strides = array<i32>} : memref<4096xi32, #tpu.memory_space<vmem>>, vector<16xi32>,
      %get3A_550 = vector.shape_cast %get3A_549 : vector<16xi32> to vector<16xi32>
      %mul3A_551 = arith.constant 262144 : i32
      %mul3A_552 = vector.broadcast %mul3A_551 : i32 to vector<16xi32>
      %mul3A_553 = arith.muli %get3A_550, %mul3A_552 : vector<16xi32>
      %add3A_554 = arith.constant 16384 : i32
      %add3A_555 = arith.addi %add3A_23, %add3A_554 : i32
      %add3A_556 = arith.addi %add3A_555, %mul3A_547 : i32
      %add3A_557 = vector.broadcast %add3A_556 : i32 to vector<16xi32>
      %add3A_558 = arith.addi %mul3A_553, %add3A_557 : vector<16xi32>
      %add3A_559 = arith.addi %add3A_558, %iota3A : vector<16xi32>
      %swap3A_560 = arith.index_cast %mul3A_547 : i32 to index
      %swap3A_561 = tpu.vector_load %arg7[%swap3A_560] {strides = array<i32>} : memref<4096xi32, #tpu.memory_space<vmem>>, vector<16xi32>,
      %swap3A_562 = vector.shape_cast %swap3A_561 : vector<16xi32> to vector<16xi32>
      %swap3A_563 = vector.shape_cast %add3A_559 : vector<16xi32> to vector<16xi32>
      tpu.vector_store %arg7[%swap3A_560], %swap3A_563 {strides = array<i32>} : memref<4096xi32, #tpu.memory_space<vmem>>, vector<16xi32>,
      %scan3A_564 = arith.constant 0 : i32
      scf.yield %scan3A_564 : i32
    }
    %scan3A_204 = arith.constant 32 : i32
    %dma_start3A_205 = arith.constant 0 : i32
    %dma_start3A_206 = tpu.memref_slice %arg9[%dma_start3A_205] : memref<4096xf32, #tpu.memory_space<vmem>> -> memref<2048xf32, #tpu.memory_space<vmem>>
    %dma_start3A_207 = arith.constant 0 : i32
    %dma_start3A_208 = tpu.memref_slice %arg7[%dma_start3A_207] : memref<4096xi32, #tpu.memory_space<vmem>> -> memref<2048xi32, #tpu.memory_space<vmem>>
    %dma_start3A_209 = arith.constant 0 : i32
    %dma_start3A_210 = tpu.memref_slice %arg2[%dma_start3A_209] : memref<100663296xf32, #tpu.memory_space<hbm>> -> memref<100663296xf32, #tpu.memory_space<hbm>>
    tpu.enqueue_indirect_dma source(%dma_start3A_210 : memref<100663296xf32, #tpu.memory_space<hbm>>) target(%dma_start3A_206 : memref<2048xf32, #tpu.memory_space<vmem>>) offsets(%dma_start3A_208 : memref<2048xi32, #tpu.memory_space<vmem>>) semaphore(%arg12 : memref<!tpu.dma_semaphore, #tpu.memory_space<semaphore_mem>>)
    %dma_start3A_211 = arith.constant 2048 : i32
    %dma_start3A_212 = tpu.memref_slice %arg9[%dma_start3A_211] : memref<4096xf32, #tpu.memory_space<vmem>> -> memref<2048xf32, #tpu.memory_space<vmem>>
    %dma_start3A_213 = arith.constant 2048 : i32
    %dma_start3A_214 = tpu.memref_slice %arg7[%dma_start3A_213] : memref<4096xi32, #tpu.memory_space<vmem>> -> memref<2048xi32, #tpu.memory_space<vmem>>
    %dma_start3A_215 = arith.constant 0 : i32
    %dma_start3A_216 = tpu.memref_slice %arg2[%dma_start3A_215] : memref<100663296xf32, #tpu.memory_space<hbm>> -> memref<100663296xf32, #tpu.memory_space<hbm>>
    tpu.enqueue_indirect_dma source(%dma_start3A_216 : memref<100663296xf32, #tpu.memory_space<hbm>>) target(%dma_start3A_212 : memref<2048xf32, #tpu.memory_space<vmem>>) offsets(%dma_start3A_214 : memref<2048xi32, #tpu.memory_space<vmem>>) semaphore(%arg13 : memref<!tpu.dma_semaphore, #tpu.memory_space<semaphore_mem>>)
    %dma_wait3A_217 = arith.constant 0 : i32
    %dma_wait3A_218 = tpu.memref_slice %arg10[%dma_wait3A_217] : memref<4096xf32, #tpu.memory_space<vmem>> -> memref<2048xf32, #tpu.memory_space<vmem>>
    %dma_wait3A_219 = arith.constant 0 : i32
    %dma_wait3A_220 = tpu.memref_slice %arg8[%dma_wait3A_219] : memref<4096xi32, #tpu.memory_space<vmem>> -> memref<2048xi32, #tpu.memory_space<vmem>>
    %dma_wait3A_221 = arith.constant 0 : i32
    %dma_wait3A_222 = tpu.memref_slice %arg2[%dma_wait3A_221] : memref<100663296xf32, #tpu.memory_space<hbm>> -> memref<100663296xf32, #tpu.memory_space<hbm>>
    tpu.wait_indirect_dma semaphore(%arg14 : memref<!tpu.dma_semaphore, #tpu.memory_space<semaphore_mem>>) src(%dma_wait3A_222 : memref<100663296xf32, #tpu.memory_space<hbm>>) dst(%dma_wait3A_218 : memref<2048xf32, #tpu.memory_space<vmem>>)
    %dma_wait3A_223 = arith.constant 2048 : i32
    %dma_wait3A_224 = tpu.memref_slice %arg10[%dma_wait3A_223] : memref<4096xf32, #tpu.memory_space<vmem>> -> memref<2048xf32, #tpu.memory_space<vmem>>
    %dma_wait3A_225 = arith.constant 2048 : i32
    %dma_wait3A_226 = tpu.memref_slice %arg8[%dma_wait3A_225] : memref<4096xi32, #tpu.memory_space<vmem>> -> memref<2048xi32, #tpu.memory_space<vmem>>
    %dma_wait3A_227 = arith.constant 0 : i32
    %dma_wait3A_228 = tpu.memref_slice %arg2[%dma_wait3A_227] : memref<100663296xf32, #tpu.memory_space<hbm>> -> memref<100663296xf32, #tpu.memory_space<hbm>>
    tpu.wait_indirect_dma semaphore(%arg15 : memref<!tpu.dma_semaphore, #tpu.memory_space<semaphore_mem>>) src(%dma_wait3A_228 : memref<100663296xf32, #tpu.memory_space<hbm>>) dst(%dma_wait3A_224 : memref<2048xf32, #tpu.memory_space<vmem>>)
    %scan3A_229 = arith.constant 0 : i32
    %scan3A_230 = arith.constant 32 : i32
    %scan3A_231 = arith.addi %scan3A_229, %scan3A_230 : i32
    %scan3A_232 = arith.constant 1 : i32
    %scan3A_233 = scf.for %scan3A_387 = %scan3A_229 to %scan3A_231 step %scan3A_232 iter_args(%scan3A_388 = %scan3A_188) -> (vector<16xf32>)  : i32 {
      %mul3A_389 = arith.constant 8 : i32
      %mul3A_390 = arith.muli %scan3A_387, %mul3A_389 : i32
      %add3A_391 = arith.constant 0 : i32
      %add3A_392 = arith.addi %mul3A_390, %add3A_391 : i32
      %mul3A_393 = arith.constant 16 : i32
      %mul3A_394 = arith.muli %add3A_392, %mul3A_393 : i32
      %get3A = arith.index_cast %mul3A_394 : i32 to index
      %get3A_395 = tpu.vector_load %arg10[%get3A] {strides = array<i32>} : memref<4096xf32, #tpu.memory_space<vmem>>, vector<16xf32>,
      %get3A_396 = vector.shape_cast %get3A_395 : vector<16xf32> to vector<16xf32>
      %add3A_397 = arith.addf %scan3A_388, %get3A_396 : vector<16xf32>
      %mul3A_398 = arith.constant 8 : i32
      %mul3A_399 = arith.muli %scan3A_387, %mul3A_398 : i32
      %add3A_400 = arith.constant 1 : i32
      %add3A_401 = arith.addi %mul3A_399, %add3A_400 : i32
      %mul3A_402 = arith.constant 16 : i32
      %mul3A_403 = arith.muli %add3A_401, %mul3A_402 : i32
      %get3A_404 = arith.index_cast %mul3A_403 : i32 to index
      %get3A_405 = tpu.vector_load %arg10[%get3A_404] {strides = array<i32>} : memref<4096xf32, #tpu.memory_space<vmem>>, vector<16xf32>,
      %get3A_406 = vector.shape_cast %get3A_405 : vector<16xf32> to vector<16xf32>
      %add3A_407 = arith.addf %add3A_397, %get3A_406 : vector<16xf32>
      %mul3A_408 = arith.constant 8 : i32
      %mul3A_409 = arith.muli %scan3A_387, %mul3A_408 : i32
      %add3A_410 = arith.constant 2 : i32
      %add3A_411 = arith.addi %mul3A_409, %add3A_410 : i32
      %mul3A_412 = arith.constant 16 : i32
      %mul3A_413 = arith.muli %add3A_411, %mul3A_412 : i32
      %get3A_414 = arith.index_cast %mul3A_413 : i32 to index
      %get3A_415 = tpu.vector_load %arg10[%get3A_414] {strides = array<i32>} : memref<4096xf32, #tpu.memory_space<vmem>>, vector<16xf32>,
      %get3A_416 = vector.shape_cast %get3A_415 : vector<16xf32> to vector<16xf32>
      %add3A_417 = arith.addf %add3A_407, %get3A_416 : vector<16xf32>
      %mul3A_418 = arith.constant 8 : i32
      %mul3A_419 = arith.muli %scan3A_387, %mul3A_418 : i32
      %add3A_420 = arith.constant 3 : i32
      %add3A_421 = arith.addi %mul3A_419, %add3A_420 : i32
      %mul3A_422 = arith.constant 16 : i32
      %mul3A_423 = arith.muli %add3A_421, %mul3A_422 : i32
      %get3A_424 = arith.index_cast %mul3A_423 : i32 to index
      %get3A_425 = tpu.vector_load %arg10[%get3A_424] {strides = array<i32>} : memref<4096xf32, #tpu.memory_space<vmem>>, vector<16xf32>,
      %get3A_426 = vector.shape_cast %get3A_425 : vector<16xf32> to vector<16xf32>
      %add3A_427 = arith.addf %add3A_417, %get3A_426 : vector<16xf32>
      %mul3A_428 = arith.constant 8 : i32
      %mul3A_429 = arith.muli %scan3A_387, %mul3A_428 : i32
      %add3A_430 = arith.constant 4 : i32
      %add3A_431 = arith.addi %mul3A_429, %add3A_430 : i32
      %mul3A_432 = arith.constant 16 : i32
      %mul3A_433 = arith.muli %add3A_431, %mul3A_432 : i32
      %get3A_434 = arith.index_cast %mul3A_433 : i32 to index
      %get3A_435 = tpu.vector_load %arg10[%get3A_434] {strides = array<i32>} : memref<4096xf32, #tpu.memory_space<vmem>>, vector<16xf32>,
      %get3A_436 = vector.shape_cast %get3A_435 : vector<16xf32> to vector<16xf32>
      %add3A_437 = arith.addf %add3A_427, %get3A_436 : vector<16xf32>
      %mul3A_438 = arith.constant 8 : i32
      %mul3A_439 = arith.muli %scan3A_387, %mul3A_438 : i32
      %add3A_440 = arith.constant 5 : i32
      %add3A_441 = arith.addi %mul3A_439, %add3A_440 : i32
      %mul3A_442 = arith.constant 16 : i32
      %mul3A_443 = arith.muli %add3A_441, %mul3A_442 : i32
      %get3A_444 = arith.index_cast %mul3A_443 : i32 to index
      %get3A_445 = tpu.vector_load %arg10[%get3A_444] {strides = array<i32>} : memref<4096xf32, #tpu.memory_space<vmem>>, vector<16xf32>,
      %get3A_446 = vector.shape_cast %get3A_445 : vector<16xf32> to vector<16xf32>
      %add3A_447 = arith.addf %add3A_437, %get3A_446 : vector<16xf32>
      %mul3A_448 = arith.constant 8 : i32
      %mul3A_449 = arith.muli %scan3A_387, %mul3A_448 : i32
      %add3A_450 = arith.constant 6 : i32
      %add3A_451 = arith.addi %mul3A_449, %add3A_450 : i32
      %mul3A_452 = arith.constant 16 : i32
      %mul3A_453 = arith.muli %add3A_451, %mul3A_452 : i32
      %get3A_454 = arith.index_cast %mul3A_453 : i32 to index
      %get3A_455 = tpu.vector_load %arg10[%get3A_454] {strides = array<i32>} : memref<4096xf32, #tpu.memory_space<vmem>>, vector<16xf32>,
      %get3A_456 = vector.shape_cast %get3A_455 : vector<16xf32> to vector<16xf32>
      %add3A_457 = arith.addf %add3A_447, %get3A_456 : vector<16xf32>
      %mul3A_458 = arith.constant 8 : i32
      %mul3A_459 = arith.muli %scan3A_387, %mul3A_458 : i32
      %add3A_460 = arith.constant 7 : i32
      %add3A_461 = arith.addi %mul3A_459, %add3A_460 : i32
      %mul3A_462 = arith.constant 16 : i32
      %mul3A_463 = arith.muli %add3A_461, %mul3A_462 : i32
      %get3A_464 = arith.index_cast %mul3A_463 : i32 to index
      %get3A_465 = tpu.vector_load %arg10[%get3A_464] {strides = array<i32>} : memref<4096xf32, #tpu.memory_space<vmem>>, vector<16xf32>,
      %get3A_466 = vector.shape_cast %get3A_465 : vector<16xf32> to vector<16xf32>
      %add3A_467 = arith.addf %add3A_457, %get3A_466 : vector<16xf32>
      scf.yield %add3A_467 : vector<16xf32>
    }
    %scan3A_234 = arith.constant 32 : i32
    %dma_wait3A_235 = tpu.memref_slice %arg3[%add3A_195] : memref<1048576xi32, #tpu.memory_space<hbm>> -> memref<4096xi32, #tpu.memory_space<hbm>>
    %dma_wait3A_236 = tpu.memref_slice %arg3[%add3A_195] : memref<1048576xi32, #tpu.memory_space<hbm>> -> memref<4096xi32, #tpu.memory_space<hbm>>
    tpu.wait_dma2 semaphore(%arg17 : memref<!tpu.dma_semaphore, #tpu.memory_space<semaphore_mem>>) src(%dma_wait3A_236 : memref<4096xi32, #tpu.memory_space<hbm>>) dst(%arg6 : memref<4096xi32, #tpu.memory_space<vmem>>)
    %mul3A_237 = arith.constant 32768 : i32
    %mul3A_238 = arith.muli %add3A, %mul3A_237 : i32
    %add3A_239 = arith.constant 24576 : i32
    %add3A_240 = arith.addi %mul3A_238, %add3A_239 : i32
    %dma_start3A_241 = tpu.memref_slice %arg3[%add3A_240] : memref<1048576xi32, #tpu.memory_space<hbm>> -> memref<4096xi32, #tpu.memory_space<hbm>>
    %dma_start3A_242 = tpu.memref_slice %arg3[%add3A_240] : memref<1048576xi32, #tpu.memory_space<hbm>> -> memref<4096xi32, #tpu.memory_space<hbm>>
    tpu.enqueue_dma source(%dma_start3A_242 : memref<4096xi32, #tpu.memory_space<hbm>>) target(%arg5 : memref<4096xi32, #tpu.memory_space<vmem>>) target_semaphore(%arg16 : memref<!tpu.dma_semaphore, #tpu.memory_space<semaphore_mem>>)
    %scan3A_243 = arith.constant 0 : i32
    %scan3A_244 = arith.constant 0 : i32
    %scan3A_245 = arith.constant 32 : i32
    %scan3A_246 = arith.addi %scan3A_244, %scan3A_245 : i32
    %scan3A_247 = arith.constant 1 : i32
    %scan3A_248 = scf.for %scan3A_387 = %scan3A_244 to %scan3A_246 step %scan3A_247 iter_args(%scan3A_388 = %scan3A_243) -> (i32)  : i32 {
      %mul3A_389 = arith.constant 8 : i32
      %mul3A_390 = arith.muli %scan3A_387, %mul3A_389 : i32
      %add3A_391 = arith.constant 0 : i32
      %add3A_392 = arith.addi %mul3A_390, %add3A_391 : i32
      %mul3A_393 = arith.constant 16 : i32
      %mul3A_394 = arith.muli %add3A_392, %mul3A_393 : i32
      %get3A = arith.index_cast %mul3A_394 : i32 to index
      %get3A_395 = tpu.vector_load %arg6[%get3A] {strides = array<i32>} : memref<4096xi32, #tpu.memory_space<vmem>>, vector<16xi32>,
      %get3A_396 = vector.shape_cast %get3A_395 : vector<16xi32> to vector<16xi32>
      %mul3A_397 = arith.constant 262144 : i32
      %mul3A_398 = vector.broadcast %mul3A_397 : i32 to vector<16xi32>
      %mul3A_399 = arith.muli %get3A_396, %mul3A_398 : vector<16xi32>
      %add3A_400 = arith.constant 20480 : i32
      %add3A_401 = arith.addi %add3A_23, %add3A_400 : i32
      %add3A_402 = arith.addi %add3A_401, %mul3A_394 : i32
      %add3A_403 = vector.broadcast %add3A_402 : i32 to vector<16xi32>
      %add3A_404 = arith.addi %mul3A_399, %add3A_403 : vector<16xi32>
      %add3A_405 = arith.addi %add3A_404, %iota3A : vector<16xi32>
      %swap3A_406 = arith.index_cast %mul3A_394 : i32 to index
      %swap3A_407 = tpu.vector_load %arg8[%swap3A_406] {strides = array<i32>} : memref<4096xi32, #tpu.memory_space<vmem>>, vector<16xi32>,
      %swap3A_408 = vector.shape_cast %swap3A_407 : vector<16xi32> to vector<16xi32>
      %swap3A_409 = vector.shape_cast %add3A_405 : vector<16xi32> to vector<16xi32>
      tpu.vector_store %arg8[%swap3A_406], %swap3A_409 {strides = array<i32>} : memref<4096xi32, #tpu.memory_space<vmem>>, vector<16xi32>,
      %mul3A_410 = arith.constant 8 : i32
      %mul3A_411 = arith.muli %scan3A_387, %mul3A_410 : i32
      %add3A_412 = arith.constant 1 : i32
      %add3A_413 = arith.addi %mul3A_411, %add3A_412 : i32
      %mul3A_414 = arith.constant 16 : i32
      %mul3A_415 = arith.muli %add3A_413, %mul3A_414 : i32
      %get3A_416 = arith.index_cast %mul3A_415 : i32 to index
      %get3A_417 = tpu.vector_load %arg6[%get3A_416] {strides = array<i32>} : memref<4096xi32, #tpu.memory_space<vmem>>, vector<16xi32>,
      %get3A_418 = vector.shape_cast %get3A_417 : vector<16xi32> to vector<16xi32>
      %mul3A_419 = arith.constant 262144 : i32
      %mul3A_420 = vector.broadcast %mul3A_419 : i32 to vector<16xi32>
      %mul3A_421 = arith.muli %get3A_418, %mul3A_420 : vector<16xi32>
      %add3A_422 = arith.constant 20480 : i32
      %add3A_423 = arith.addi %add3A_23, %add3A_422 : i32
      %add3A_424 = arith.addi %add3A_423, %mul3A_415 : i32
      %add3A_425 = vector.broadcast %add3A_424 : i32 to vector<16xi32>
      %add3A_426 = arith.addi %mul3A_421, %add3A_425 : vector<16xi32>
      %add3A_427 = arith.addi %add3A_426, %iota3A : vector<16xi32>
      %swap3A_428 = arith.index_cast %mul3A_415 : i32 to index
      %swap3A_429 = tpu.vector_load %arg8[%swap3A_428] {strides = array<i32>} : memref<4096xi32, #tpu.memory_space<vmem>>, vector<16xi32>,
      %swap3A_430 = vector.shape_cast %swap3A_429 : vector<16xi32> to vector<16xi32>
      %swap3A_431 = vector.shape_cast %add3A_427 : vector<16xi32> to vector<16xi32>
      tpu.vector_store %arg8[%swap3A_428], %swap3A_431 {strides = array<i32>} : memref<4096xi32, #tpu.memory_space<vmem>>, vector<16xi32>,
      %mul3A_432 = arith.constant 8 : i32
      %mul3A_433 = arith.muli %scan3A_387, %mul3A_432 : i32
      %add3A_434 = arith.constant 2 : i32
      %add3A_435 = arith.addi %mul3A_433, %add3A_434 : i32
      %mul3A_436 = arith.constant 16 : i32
      %mul3A_437 = arith.muli %add3A_435, %mul3A_436 : i32
      %get3A_438 = arith.index_cast %mul3A_437 : i32 to index
      %get3A_439 = tpu.vector_load %arg6[%get3A_438] {strides = array<i32>} : memref<4096xi32, #tpu.memory_space<vmem>>, vector<16xi32>,
      %get3A_440 = vector.shape_cast %get3A_439 : vector<16xi32> to vector<16xi32>
      %mul3A_441 = arith.constant 262144 : i32
      %mul3A_442 = vector.broadcast %mul3A_441 : i32 to vector<16xi32>
      %mul3A_443 = arith.muli %get3A_440, %mul3A_442 : vector<16xi32>
      %add3A_444 = arith.constant 20480 : i32
      %add3A_445 = arith.addi %add3A_23, %add3A_444 : i32
      %add3A_446 = arith.addi %add3A_445, %mul3A_437 : i32
      %add3A_447 = vector.broadcast %add3A_446 : i32 to vector<16xi32>
      %add3A_448 = arith.addi %mul3A_443, %add3A_447 : vector<16xi32>
      %add3A_449 = arith.addi %add3A_448, %iota3A : vector<16xi32>
      %swap3A_450 = arith.index_cast %mul3A_437 : i32 to index
      %swap3A_451 = tpu.vector_load %arg8[%swap3A_450] {strides = array<i32>} : memref<4096xi32, #tpu.memory_space<vmem>>, vector<16xi32>,
      %swap3A_452 = vector.shape_cast %swap3A_451 : vector<16xi32> to vector<16xi32>
      %swap3A_453 = vector.shape_cast %add3A_449 : vector<16xi32> to vector<16xi32>
      tpu.vector_store %arg8[%swap3A_450], %swap3A_453 {strides = array<i32>} : memref<4096xi32, #tpu.memory_space<vmem>>, vector<16xi32>,
      %mul3A_454 = arith.constant 8 : i32
      %mul3A_455 = arith.muli %scan3A_387, %mul3A_454 : i32
      %add3A_456 = arith.constant 3 : i32
      %add3A_457 = arith.addi %mul3A_455, %add3A_456 : i32
      %mul3A_458 = arith.constant 16 : i32
      %mul3A_459 = arith.muli %add3A_457, %mul3A_458 : i32
      %get3A_460 = arith.index_cast %mul3A_459 : i32 to index
      %get3A_461 = tpu.vector_load %arg6[%get3A_460] {strides = array<i32>} : memref<4096xi32, #tpu.memory_space<vmem>>, vector<16xi32>,
      %get3A_462 = vector.shape_cast %get3A_461 : vector<16xi32> to vector<16xi32>
      %mul3A_463 = arith.constant 262144 : i32
      %mul3A_464 = vector.broadcast %mul3A_463 : i32 to vector<16xi32>
      %mul3A_465 = arith.muli %get3A_462, %mul3A_464 : vector<16xi32>
      %add3A_466 = arith.constant 20480 : i32
      %add3A_467 = arith.addi %add3A_23, %add3A_466 : i32
      %add3A_468 = arith.addi %add3A_467, %mul3A_459 : i32
      %add3A_469 = vector.broadcast %add3A_468 : i32 to vector<16xi32>
      %add3A_470 = arith.addi %mul3A_465, %add3A_469 : vector<16xi32>
      %add3A_471 = arith.addi %add3A_470, %iota3A : vector<16xi32>
      %swap3A_472 = arith.index_cast %mul3A_459 : i32 to index
      %swap3A_473 = tpu.vector_load %arg8[%swap3A_472] {strides = array<i32>} : memref<4096xi32, #tpu.memory_space<vmem>>, vector<16xi32>,
      %swap3A_474 = vector.shape_cast %swap3A_473 : vector<16xi32> to vector<16xi32>
      %swap3A_475 = vector.shape_cast %add3A_471 : vector<16xi32> to vector<16xi32>
      tpu.vector_store %arg8[%swap3A_472], %swap3A_475 {strides = array<i32>} : memref<4096xi32, #tpu.memory_space<vmem>>, vector<16xi32>,
      %mul3A_476 = arith.constant 8 : i32
      %mul3A_477 = arith.muli %scan3A_387, %mul3A_476 : i32
      %add3A_478 = arith.constant 4 : i32
      %add3A_479 = arith.addi %mul3A_477, %add3A_478 : i32
      %mul3A_480 = arith.constant 16 : i32
      %mul3A_481 = arith.muli %add3A_479, %mul3A_480 : i32
      %get3A_482 = arith.index_cast %mul3A_481 : i32 to index
      %get3A_483 = tpu.vector_load %arg6[%get3A_482] {strides = array<i32>} : memref<4096xi32, #tpu.memory_space<vmem>>, vector<16xi32>,
      %get3A_484 = vector.shape_cast %get3A_483 : vector<16xi32> to vector<16xi32>
      %mul3A_485 = arith.constant 262144 : i32
      %mul3A_486 = vector.broadcast %mul3A_485 : i32 to vector<16xi32>
      %mul3A_487 = arith.muli %get3A_484, %mul3A_486 : vector<16xi32>
      %add3A_488 = arith.constant 20480 : i32
      %add3A_489 = arith.addi %add3A_23, %add3A_488 : i32
      %add3A_490 = arith.addi %add3A_489, %mul3A_481 : i32
      %add3A_491 = vector.broadcast %add3A_490 : i32 to vector<16xi32>
      %add3A_492 = arith.addi %mul3A_487, %add3A_491 : vector<16xi32>
      %add3A_493 = arith.addi %add3A_492, %iota3A : vector<16xi32>
      %swap3A_494 = arith.index_cast %mul3A_481 : i32 to index
      %swap3A_495 = tpu.vector_load %arg8[%swap3A_494] {strides = array<i32>} : memref<4096xi32, #tpu.memory_space<vmem>>, vector<16xi32>,
      %swap3A_496 = vector.shape_cast %swap3A_495 : vector<16xi32> to vector<16xi32>
      %swap3A_497 = vector.shape_cast %add3A_493 : vector<16xi32> to vector<16xi32>
      tpu.vector_store %arg8[%swap3A_494], %swap3A_497 {strides = array<i32>} : memref<4096xi32, #tpu.memory_space<vmem>>, vector<16xi32>,
      %mul3A_498 = arith.constant 8 : i32
      %mul3A_499 = arith.muli %scan3A_387, %mul3A_498 : i32
      %add3A_500 = arith.constant 5 : i32
      %add3A_501 = arith.addi %mul3A_499, %add3A_500 : i32
      %mul3A_502 = arith.constant 16 : i32
      %mul3A_503 = arith.muli %add3A_501, %mul3A_502 : i32
      %get3A_504 = arith.index_cast %mul3A_503 : i32 to index
      %get3A_505 = tpu.vector_load %arg6[%get3A_504] {strides = array<i32>} : memref<4096xi32, #tpu.memory_space<vmem>>, vector<16xi32>,
      %get3A_506 = vector.shape_cast %get3A_505 : vector<16xi32> to vector<16xi32>
      %mul3A_507 = arith.constant 262144 : i32
      %mul3A_508 = vector.broadcast %mul3A_507 : i32 to vector<16xi32>
      %mul3A_509 = arith.muli %get3A_506, %mul3A_508 : vector<16xi32>
      %add3A_510 = arith.constant 20480 : i32
      %add3A_511 = arith.addi %add3A_23, %add3A_510 : i32
      %add3A_512 = arith.addi %add3A_511, %mul3A_503 : i32
      %add3A_513 = vector.broadcast %add3A_512 : i32 to vector<16xi32>
      %add3A_514 = arith.addi %mul3A_509, %add3A_513 : vector<16xi32>
      %add3A_515 = arith.addi %add3A_514, %iota3A : vector<16xi32>
      %swap3A_516 = arith.index_cast %mul3A_503 : i32 to index
      %swap3A_517 = tpu.vector_load %arg8[%swap3A_516] {strides = array<i32>} : memref<4096xi32, #tpu.memory_space<vmem>>, vector<16xi32>,
      %swap3A_518 = vector.shape_cast %swap3A_517 : vector<16xi32> to vector<16xi32>
      %swap3A_519 = vector.shape_cast %add3A_515 : vector<16xi32> to vector<16xi32>
      tpu.vector_store %arg8[%swap3A_516], %swap3A_519 {strides = array<i32>} : memref<4096xi32, #tpu.memory_space<vmem>>, vector<16xi32>,
      %mul3A_520 = arith.constant 8 : i32
      %mul3A_521 = arith.muli %scan3A_387, %mul3A_520 : i32
      %add3A_522 = arith.constant 6 : i32
      %add3A_523 = arith.addi %mul3A_521, %add3A_522 : i32
      %mul3A_524 = arith.constant 16 : i32
      %mul3A_525 = arith.muli %add3A_523, %mul3A_524 : i32
      %get3A_526 = arith.index_cast %mul3A_525 : i32 to index
      %get3A_527 = tpu.vector_load %arg6[%get3A_526] {strides = array<i32>} : memref<4096xi32, #tpu.memory_space<vmem>>, vector<16xi32>,
      %get3A_528 = vector.shape_cast %get3A_527 : vector<16xi32> to vector<16xi32>
      %mul3A_529 = arith.constant 262144 : i32
      %mul3A_530 = vector.broadcast %mul3A_529 : i32 to vector<16xi32>
      %mul3A_531 = arith.muli %get3A_528, %mul3A_530 : vector<16xi32>
      %add3A_532 = arith.constant 20480 : i32
      %add3A_533 = arith.addi %add3A_23, %add3A_532 : i32
      %add3A_534 = arith.addi %add3A_533, %mul3A_525 : i32
      %add3A_535 = vector.broadcast %add3A_534 : i32 to vector<16xi32>
      %add3A_536 = arith.addi %mul3A_531, %add3A_535 : vector<16xi32>
      %add3A_537 = arith.addi %add3A_536, %iota3A : vector<16xi32>
      %swap3A_538 = arith.index_cast %mul3A_525 : i32 to index
      %swap3A_539 = tpu.vector_load %arg8[%swap3A_538] {strides = array<i32>} : memref<4096xi32, #tpu.memory_space<vmem>>, vector<16xi32>,
      %swap3A_540 = vector.shape_cast %swap3A_539 : vector<16xi32> to vector<16xi32>
      %swap3A_541 = vector.shape_cast %add3A_537 : vector<16xi32> to vector<16xi32>
      tpu.vector_store %arg8[%swap3A_538], %swap3A_541 {strides = array<i32>} : memref<4096xi32, #tpu.memory_space<vmem>>, vector<16xi32>,
      %mul3A_542 = arith.constant 8 : i32
      %mul3A_543 = arith.muli %scan3A_387, %mul3A_542 : i32
      %add3A_544 = arith.constant 7 : i32
      %add3A_545 = arith.addi %mul3A_543, %add3A_544 : i32
      %mul3A_546 = arith.constant 16 : i32
      %mul3A_547 = arith.muli %add3A_545, %mul3A_546 : i32
      %get3A_548 = arith.index_cast %mul3A_547 : i32 to index
      %get3A_549 = tpu.vector_load %arg6[%get3A_548] {strides = array<i32>} : memref<4096xi32, #tpu.memory_space<vmem>>, vector<16xi32>,
      %get3A_550 = vector.shape_cast %get3A_549 : vector<16xi32> to vector<16xi32>
      %mul3A_551 = arith.constant 262144 : i32
      %mul3A_552 = vector.broadcast %mul3A_551 : i32 to vector<16xi32>
      %mul3A_553 = arith.muli %get3A_550, %mul3A_552 : vector<16xi32>
      %add3A_554 = arith.constant 20480 : i32
      %add3A_555 = arith.addi %add3A_23, %add3A_554 : i32
      %add3A_556 = arith.addi %add3A_555, %mul3A_547 : i32
      %add3A_557 = vector.broadcast %add3A_556 : i32 to vector<16xi32>
      %add3A_558 = arith.addi %mul3A_553, %add3A_557 : vector<16xi32>
      %add3A_559 = arith.addi %add3A_558, %iota3A : vector<16xi32>
      %swap3A_560 = arith.index_cast %mul3A_547 : i32 to index
      %swap3A_561 = tpu.vector_load %arg8[%swap3A_560] {strides = array<i32>} : memref<4096xi32, #tpu.memory_space<vmem>>, vector<16xi32>,
      %swap3A_562 = vector.shape_cast %swap3A_561 : vector<16xi32> to vector<16xi32>
      %swap3A_563 = vector.shape_cast %add3A_559 : vector<16xi32> to vector<16xi32>
      tpu.vector_store %arg8[%swap3A_560], %swap3A_563 {strides = array<i32>} : memref<4096xi32, #tpu.memory_space<vmem>>, vector<16xi32>,
      %scan3A_564 = arith.constant 0 : i32
      scf.yield %scan3A_564 : i32
    }
    %scan3A_249 = arith.constant 32 : i32
    %dma_start3A_250 = arith.constant 0 : i32
    %dma_start3A_251 = tpu.memref_slice %arg10[%dma_start3A_250] : memref<4096xf32, #tpu.memory_space<vmem>> -> memref<2048xf32, #tpu.memory_space<vmem>>
    %dma_start3A_252 = arith.constant 0 : i32
    %dma_start3A_253 = tpu.memref_slice %arg8[%dma_start3A_252] : memref<4096xi32, #tpu.memory_space<vmem>> -> memref<2048xi32, #tpu.memory_space<vmem>>
    %dma_start3A_254 = arith.constant 0 : i32
    %dma_start3A_255 = tpu.memref_slice %arg2[%dma_start3A_254] : memref<100663296xf32, #tpu.memory_space<hbm>> -> memref<100663296xf32, #tpu.memory_space<hbm>>
    tpu.enqueue_indirect_dma source(%dma_start3A_255 : memref<100663296xf32, #tpu.memory_space<hbm>>) target(%dma_start3A_251 : memref<2048xf32, #tpu.memory_space<vmem>>) offsets(%dma_start3A_253 : memref<2048xi32, #tpu.memory_space<vmem>>) semaphore(%arg14 : memref<!tpu.dma_semaphore, #tpu.memory_space<semaphore_mem>>)
    %dma_start3A_256 = arith.constant 2048 : i32
    %dma_start3A_257 = tpu.memref_slice %arg10[%dma_start3A_256] : memref<4096xf32, #tpu.memory_space<vmem>> -> memref<2048xf32, #tpu.memory_space<vmem>>
    %dma_start3A_258 = arith.constant 2048 : i32
    %dma_start3A_259 = tpu.memref_slice %arg8[%dma_start3A_258] : memref<4096xi32, #tpu.memory_space<vmem>> -> memref<2048xi32, #tpu.memory_space<vmem>>
    %dma_start3A_260 = arith.constant 0 : i32
    %dma_start3A_261 = tpu.memref_slice %arg2[%dma_start3A_260] : memref<100663296xf32, #tpu.memory_space<hbm>> -> memref<100663296xf32, #tpu.memory_space<hbm>>
    tpu.enqueue_indirect_dma source(%dma_start3A_261 : memref<100663296xf32, #tpu.memory_space<hbm>>) target(%dma_start3A_257 : memref<2048xf32, #tpu.memory_space<vmem>>) offsets(%dma_start3A_259 : memref<2048xi32, #tpu.memory_space<vmem>>) semaphore(%arg15 : memref<!tpu.dma_semaphore, #tpu.memory_space<semaphore_mem>>)
    %dma_wait3A_262 = arith.constant 0 : i32
    %dma_wait3A_263 = tpu.memref_slice %arg9[%dma_wait3A_262] : memref<4096xf32, #tpu.memory_space<vmem>> -> memref<2048xf32, #tpu.memory_space<vmem>>
    %dma_wait3A_264 = arith.constant 0 : i32
    %dma_wait3A_265 = tpu.memref_slice %arg7[%dma_wait3A_264] : memref<4096xi32, #tpu.memory_space<vmem>> -> memref<2048xi32, #tpu.memory_space<vmem>>
    %dma_wait3A_266 = arith.constant 0 : i32
    %dma_wait3A_267 = tpu.memref_slice %arg2[%dma_wait3A_266] : memref<100663296xf32, #tpu.memory_space<hbm>> -> memref<100663296xf32, #tpu.memory_space<hbm>>
    tpu.wait_indirect_dma semaphore(%arg12 : memref<!tpu.dma_semaphore, #tpu.memory_space<semaphore_mem>>) src(%dma_wait3A_267 : memref<100663296xf32, #tpu.memory_space<hbm>>) dst(%dma_wait3A_263 : memref<2048xf32, #tpu.memory_space<vmem>>)
    %dma_wait3A_268 = arith.constant 2048 : i32
    %dma_wait3A_269 = tpu.memref_slice %arg9[%dma_wait3A_268] : memref<4096xf32, #tpu.memory_space<vmem>> -> memref<2048xf32, #tpu.memory_space<vmem>>
    %dma_wait3A_270 = arith.constant 2048 : i32
    %dma_wait3A_271 = tpu.memref_slice %arg7[%dma_wait3A_270] : memref<4096xi32, #tpu.memory_space<vmem>> -> memref<2048xi32, #tpu.memory_space<vmem>>
    %dma_wait3A_272 = arith.constant 0 : i32
    %dma_wait3A_273 = tpu.memref_slice %arg2[%dma_wait3A_272] : memref<100663296xf32, #tpu.memory_space<hbm>> -> memref<100663296xf32, #tpu.memory_space<hbm>>
    tpu.wait_indirect_dma semaphore(%arg13 : memref<!tpu.dma_semaphore, #tpu.memory_space<semaphore_mem>>) src(%dma_wait3A_273 : memref<100663296xf32, #tpu.memory_space<hbm>>) dst(%dma_wait3A_269 : memref<2048xf32, #tpu.memory_space<vmem>>)
    %scan3A_274 = arith.constant 0 : i32
    %scan3A_275 = arith.constant 32 : i32
    %scan3A_276 = arith.addi %scan3A_274, %scan3A_275 : i32
    %scan3A_277 = arith.constant 1 : i32
    %scan3A_278 = scf.for %scan3A_387 = %scan3A_274 to %scan3A_276 step %scan3A_277 iter_args(%scan3A_388 = %scan3A_233) -> (vector<16xf32>)  : i32 {
      %mul3A_389 = arith.constant 8 : i32
      %mul3A_390 = arith.muli %scan3A_387, %mul3A_389 : i32
      %add3A_391 = arith.constant 0 : i32
      %add3A_392 = arith.addi %mul3A_390, %add3A_391 : i32
      %mul3A_393 = arith.constant 16 : i32
      %mul3A_394 = arith.muli %add3A_392, %mul3A_393 : i32
      %get3A = arith.index_cast %mul3A_394 : i32 to index
      %get3A_395 = tpu.vector_load %arg9[%get3A] {strides = array<i32>} : memref<4096xf32, #tpu.memory_space<vmem>>, vector<16xf32>,
      %get3A_396 = vector.shape_cast %get3A_395 : vector<16xf32> to vector<16xf32>
      %add3A_397 = arith.addf %scan3A_388, %get3A_396 : vector<16xf32>
      %mul3A_398 = arith.constant 8 : i32
      %mul3A_399 = arith.muli %scan3A_387, %mul3A_398 : i32
      %add3A_400 = arith.constant 1 : i32
      %add3A_401 = arith.addi %mul3A_399, %add3A_400 : i32
      %mul3A_402 = arith.constant 16 : i32
      %mul3A_403 = arith.muli %add3A_401, %mul3A_402 : i32
      %get3A_404 = arith.index_cast %mul3A_403 : i32 to index
      %get3A_405 = tpu.vector_load %arg9[%get3A_404] {strides = array<i32>} : memref<4096xf32, #tpu.memory_space<vmem>>, vector<16xf32>,
      %get3A_406 = vector.shape_cast %get3A_405 : vector<16xf32> to vector<16xf32>
      %add3A_407 = arith.addf %add3A_397, %get3A_406 : vector<16xf32>
      %mul3A_408 = arith.constant 8 : i32
      %mul3A_409 = arith.muli %scan3A_387, %mul3A_408 : i32
      %add3A_410 = arith.constant 2 : i32
      %add3A_411 = arith.addi %mul3A_409, %add3A_410 : i32
      %mul3A_412 = arith.constant 16 : i32
      %mul3A_413 = arith.muli %add3A_411, %mul3A_412 : i32
      %get3A_414 = arith.index_cast %mul3A_413 : i32 to index
      %get3A_415 = tpu.vector_load %arg9[%get3A_414] {strides = array<i32>} : memref<4096xf32, #tpu.memory_space<vmem>>, vector<16xf32>,
      %get3A_416 = vector.shape_cast %get3A_415 : vector<16xf32> to vector<16xf32>
      %add3A_417 = arith.addf %add3A_407, %get3A_416 : vector<16xf32>
      %mul3A_418 = arith.constant 8 : i32
      %mul3A_419 = arith.muli %scan3A_387, %mul3A_418 : i32
      %add3A_420 = arith.constant 3 : i32
      %add3A_421 = arith.addi %mul3A_419, %add3A_420 : i32
      %mul3A_422 = arith.constant 16 : i32
      %mul3A_423 = arith.muli %add3A_421, %mul3A_422 : i32
      %get3A_424 = arith.index_cast %mul3A_423 : i32 to index
      %get3A_425 = tpu.vector_load %arg9[%get3A_424] {strides = array<i32>} : memref<4096xf32, #tpu.memory_space<vmem>>, vector<16xf32>,
      %get3A_426 = vector.shape_cast %get3A_425 : vector<16xf32> to vector<16xf32>
      %add3A_427 = arith.addf %add3A_417, %get3A_426 : vector<16xf32>
      %mul3A_428 = arith.constant 8 : i32
      %mul3A_429 = arith.muli %scan3A_387, %mul3A_428 : i32
      %add3A_430 = arith.constant 4 : i32
      %add3A_431 = arith.addi %mul3A_429, %add3A_430 : i32
      %mul3A_432 = arith.constant 16 : i32
      %mul3A_433 = arith.muli %add3A_431, %mul3A_432 : i32
      %get3A_434 = arith.index_cast %mul3A_433 : i32 to index
      %get3A_435 = tpu.vector_load %arg9[%get3A_434] {strides = array<i32>} : memref<4096xf32, #tpu.memory_space<vmem>>, vector<16xf32>,
      %get3A_436 = vector.shape_cast %get3A_435 : vector<16xf32> to vector<16xf32>
      %add3A_437 = arith.addf %add3A_427, %get3A_436 : vector<16xf32>
      %mul3A_438 = arith.constant 8 : i32
      %mul3A_439 = arith.muli %scan3A_387, %mul3A_438 : i32
      %add3A_440 = arith.constant 5 : i32
      %add3A_441 = arith.addi %mul3A_439, %add3A_440 : i32
      %mul3A_442 = arith.constant 16 : i32
      %mul3A_443 = arith.muli %add3A_441, %mul3A_442 : i32
      %get3A_444 = arith.index_cast %mul3A_443 : i32 to index
      %get3A_445 = tpu.vector_load %arg9[%get3A_444] {strides = array<i32>} : memref<4096xf32, #tpu.memory_space<vmem>>, vector<16xf32>,
      %get3A_446 = vector.shape_cast %get3A_445 : vector<16xf32> to vector<16xf32>
      %add3A_447 = arith.addf %add3A_437, %get3A_446 : vector<16xf32>
      %mul3A_448 = arith.constant 8 : i32
      %mul3A_449 = arith.muli %scan3A_387, %mul3A_448 : i32
      %add3A_450 = arith.constant 6 : i32
      %add3A_451 = arith.addi %mul3A_449, %add3A_450 : i32
      %mul3A_452 = arith.constant 16 : i32
      %mul3A_453 = arith.muli %add3A_451, %mul3A_452 : i32
      %get3A_454 = arith.index_cast %mul3A_453 : i32 to index
      %get3A_455 = tpu.vector_load %arg9[%get3A_454] {strides = array<i32>} : memref<4096xf32, #tpu.memory_space<vmem>>, vector<16xf32>,
      %get3A_456 = vector.shape_cast %get3A_455 : vector<16xf32> to vector<16xf32>
      %add3A_457 = arith.addf %add3A_447, %get3A_456 : vector<16xf32>
      %mul3A_458 = arith.constant 8 : i32
      %mul3A_459 = arith.muli %scan3A_387, %mul3A_458 : i32
      %add3A_460 = arith.constant 7 : i32
      %add3A_461 = arith.addi %mul3A_459, %add3A_460 : i32
      %mul3A_462 = arith.constant 16 : i32
      %mul3A_463 = arith.muli %add3A_461, %mul3A_462 : i32
      %get3A_464 = arith.index_cast %mul3A_463 : i32 to index
      %get3A_465 = tpu.vector_load %arg9[%get3A_464] {strides = array<i32>} : memref<4096xf32, #tpu.memory_space<vmem>>, vector<16xf32>,
      %get3A_466 = vector.shape_cast %get3A_465 : vector<16xf32> to vector<16xf32>
      %add3A_467 = arith.addf %add3A_457, %get3A_466 : vector<16xf32>
      scf.yield %add3A_467 : vector<16xf32>
    }
    %scan3A_279 = arith.constant 32 : i32
    %dma_wait3A_280 = tpu.memref_slice %arg3[%add3A_240] : memref<1048576xi32, #tpu.memory_space<hbm>> -> memref<4096xi32, #tpu.memory_space<hbm>>
    %dma_wait3A_281 = tpu.memref_slice %arg3[%add3A_240] : memref<1048576xi32, #tpu.memory_space<hbm>> -> memref<4096xi32, #tpu.memory_space<hbm>>
    tpu.wait_dma2 semaphore(%arg16 : memref<!tpu.dma_semaphore, #tpu.memory_space<semaphore_mem>>) src(%dma_wait3A_281 : memref<4096xi32, #tpu.memory_space<hbm>>) dst(%arg5 : memref<4096xi32, #tpu.memory_space<vmem>>)
    %mul3A_282 = arith.constant 32768 : i32
    %mul3A_283 = arith.muli %add3A, %mul3A_282 : i32
    %add3A_284 = arith.constant 28672 : i32
    %add3A_285 = arith.addi %mul3A_283, %add3A_284 : i32
    %dma_start3A_286 = tpu.memref_slice %arg3[%add3A_285] : memref<1048576xi32, #tpu.memory_space<hbm>> -> memref<4096xi32, #tpu.memory_space<hbm>>
    %dma_start3A_287 = tpu.memref_slice %arg3[%add3A_285] : memref<1048576xi32, #tpu.memory_space<hbm>> -> memref<4096xi32, #tpu.memory_space<hbm>>
    tpu.enqueue_dma source(%dma_start3A_287 : memref<4096xi32, #tpu.memory_space<hbm>>) target(%arg6 : memref<4096xi32, #tpu.memory_space<vmem>>) target_semaphore(%arg17 : memref<!tpu.dma_semaphore, #tpu.memory_space<semaphore_mem>>)
    %scan3A_288 = arith.constant 0 : i32
    %scan3A_289 = arith.constant 0 : i32
    %scan3A_290 = arith.constant 32 : i32
    %scan3A_291 = arith.addi %scan3A_289, %scan3A_290 : i32
    %scan3A_292 = arith.constant 1 : i32
    %scan3A_293 = scf.for %scan3A_387 = %scan3A_289 to %scan3A_291 step %scan3A_292 iter_args(%scan3A_388 = %scan3A_288) -> (i32)  : i32 {
      %mul3A_389 = arith.constant 8 : i32
      %mul3A_390 = arith.muli %scan3A_387, %mul3A_389 : i32
      %add3A_391 = arith.constant 0 : i32
      %add3A_392 = arith.addi %mul3A_390, %add3A_391 : i32
      %mul3A_393 = arith.constant 16 : i32
      %mul3A_394 = arith.muli %add3A_392, %mul3A_393 : i32
      %get3A = arith.index_cast %mul3A_394 : i32 to index
      %get3A_395 = tpu.vector_load %arg5[%get3A] {strides = array<i32>} : memref<4096xi32, #tpu.memory_space<vmem>>, vector<16xi32>,
      %get3A_396 = vector.shape_cast %get3A_395 : vector<16xi32> to vector<16xi32>
      %mul3A_397 = arith.constant 262144 : i32
      %mul3A_398 = vector.broadcast %mul3A_397 : i32 to vector<16xi32>
      %mul3A_399 = arith.muli %get3A_396, %mul3A_398 : vector<16xi32>
      %add3A_400 = arith.constant 24576 : i32
      %add3A_401 = arith.addi %add3A_23, %add3A_400 : i32
      %add3A_402 = arith.addi %add3A_401, %mul3A_394 : i32
      %add3A_403 = vector.broadcast %add3A_402 : i32 to vector<16xi32>
      %add3A_404 = arith.addi %mul3A_399, %add3A_403 : vector<16xi32>
      %add3A_405 = arith.addi %add3A_404, %iota3A : vector<16xi32>
      %swap3A_406 = arith.index_cast %mul3A_394 : i32 to index
      %swap3A_407 = tpu.vector_load %arg7[%swap3A_406] {strides = array<i32>} : memref<4096xi32, #tpu.memory_space<vmem>>, vector<16xi32>,
      %swap3A_408 = vector.shape_cast %swap3A_407 : vector<16xi32> to vector<16xi32>
      %swap3A_409 = vector.shape_cast %add3A_405 : vector<16xi32> to vector<16xi32>
      tpu.vector_store %arg7[%swap3A_406], %swap3A_409 {strides = array<i32>} : memref<4096xi32, #tpu.memory_space<vmem>>, vector<16xi32>,
      %mul3A_410 = arith.constant 8 : i32
      %mul3A_411 = arith.muli %scan3A_387, %mul3A_410 : i32
      %add3A_412 = arith.constant 1 : i32
      %add3A_413 = arith.addi %mul3A_411, %add3A_412 : i32
      %mul3A_414 = arith.constant 16 : i32
      %mul3A_415 = arith.muli %add3A_413, %mul3A_414 : i32
      %get3A_416 = arith.index_cast %mul3A_415 : i32 to index
      %get3A_417 = tpu.vector_load %arg5[%get3A_416] {strides = array<i32>} : memref<4096xi32, #tpu.memory_space<vmem>>, vector<16xi32>,
      %get3A_418 = vector.shape_cast %get3A_417 : vector<16xi32> to vector<16xi32>
      %mul3A_419 = arith.constant 262144 : i32
      %mul3A_420 = vector.broadcast %mul3A_419 : i32 to vector<16xi32>
      %mul3A_421 = arith.muli %get3A_418, %mul3A_420 : vector<16xi32>
      %add3A_422 = arith.constant 24576 : i32
      %add3A_423 = arith.addi %add3A_23, %add3A_422 : i32
      %add3A_424 = arith.addi %add3A_423, %mul3A_415 : i32
      %add3A_425 = vector.broadcast %add3A_424 : i32 to vector<16xi32>
      %add3A_426 = arith.addi %mul3A_421, %add3A_425 : vector<16xi32>
      %add3A_427 = arith.addi %add3A_426, %iota3A : vector<16xi32>
      %swap3A_428 = arith.index_cast %mul3A_415 : i32 to index
      %swap3A_429 = tpu.vector_load %arg7[%swap3A_428] {strides = array<i32>} : memref<4096xi32, #tpu.memory_space<vmem>>, vector<16xi32>,
      %swap3A_430 = vector.shape_cast %swap3A_429 : vector<16xi32> to vector<16xi32>
      %swap3A_431 = vector.shape_cast %add3A_427 : vector<16xi32> to vector<16xi32>
      tpu.vector_store %arg7[%swap3A_428], %swap3A_431 {strides = array<i32>} : memref<4096xi32, #tpu.memory_space<vmem>>, vector<16xi32>,
      %mul3A_432 = arith.constant 8 : i32
      %mul3A_433 = arith.muli %scan3A_387, %mul3A_432 : i32
      %add3A_434 = arith.constant 2 : i32
      %add3A_435 = arith.addi %mul3A_433, %add3A_434 : i32
      %mul3A_436 = arith.constant 16 : i32
      %mul3A_437 = arith.muli %add3A_435, %mul3A_436 : i32
      %get3A_438 = arith.index_cast %mul3A_437 : i32 to index
      %get3A_439 = tpu.vector_load %arg5[%get3A_438] {strides = array<i32>} : memref<4096xi32, #tpu.memory_space<vmem>>, vector<16xi32>,
      %get3A_440 = vector.shape_cast %get3A_439 : vector<16xi32> to vector<16xi32>
      %mul3A_441 = arith.constant 262144 : i32
      %mul3A_442 = vector.broadcast %mul3A_441 : i32 to vector<16xi32>
      %mul3A_443 = arith.muli %get3A_440, %mul3A_442 : vector<16xi32>
      %add3A_444 = arith.constant 24576 : i32
      %add3A_445 = arith.addi %add3A_23, %add3A_444 : i32
      %add3A_446 = arith.addi %add3A_445, %mul3A_437 : i32
      %add3A_447 = vector.broadcast %add3A_446 : i32 to vector<16xi32>
      %add3A_448 = arith.addi %mul3A_443, %add3A_447 : vector<16xi32>
      %add3A_449 = arith.addi %add3A_448, %iota3A : vector<16xi32>
      %swap3A_450 = arith.index_cast %mul3A_437 : i32 to index
      %swap3A_451 = tpu.vector_load %arg7[%swap3A_450] {strides = array<i32>} : memref<4096xi32, #tpu.memory_space<vmem>>, vector<16xi32>,
      %swap3A_452 = vector.shape_cast %swap3A_451 : vector<16xi32> to vector<16xi32>
      %swap3A_453 = vector.shape_cast %add3A_449 : vector<16xi32> to vector<16xi32>
      tpu.vector_store %arg7[%swap3A_450], %swap3A_453 {strides = array<i32>} : memref<4096xi32, #tpu.memory_space<vmem>>, vector<16xi32>,
      %mul3A_454 = arith.constant 8 : i32
      %mul3A_455 = arith.muli %scan3A_387, %mul3A_454 : i32
      %add3A_456 = arith.constant 3 : i32
      %add3A_457 = arith.addi %mul3A_455, %add3A_456 : i32
      %mul3A_458 = arith.constant 16 : i32
      %mul3A_459 = arith.muli %add3A_457, %mul3A_458 : i32
      %get3A_460 = arith.index_cast %mul3A_459 : i32 to index
      %get3A_461 = tpu.vector_load %arg5[%get3A_460] {strides = array<i32>} : memref<4096xi32, #tpu.memory_space<vmem>>, vector<16xi32>,
      %get3A_462 = vector.shape_cast %get3A_461 : vector<16xi32> to vector<16xi32>
      %mul3A_463 = arith.constant 262144 : i32
      %mul3A_464 = vector.broadcast %mul3A_463 : i32 to vector<16xi32>
      %mul3A_465 = arith.muli %get3A_462, %mul3A_464 : vector<16xi32>
      %add3A_466 = arith.constant 24576 : i32
      %add3A_467 = arith.addi %add3A_23, %add3A_466 : i32
      %add3A_468 = arith.addi %add3A_467, %mul3A_459 : i32
      %add3A_469 = vector.broadcast %add3A_468 : i32 to vector<16xi32>
      %add3A_470 = arith.addi %mul3A_465, %add3A_469 : vector<16xi32>
      %add3A_471 = arith.addi %add3A_470, %iota3A : vector<16xi32>
      %swap3A_472 = arith.index_cast %mul3A_459 : i32 to index
      %swap3A_473 = tpu.vector_load %arg7[%swap3A_472] {strides = array<i32>} : memref<4096xi32, #tpu.memory_space<vmem>>, vector<16xi32>,
      %swap3A_474 = vector.shape_cast %swap3A_473 : vector<16xi32> to vector<16xi32>
      %swap3A_475 = vector.shape_cast %add3A_471 : vector<16xi32> to vector<16xi32>
      tpu.vector_store %arg7[%swap3A_472], %swap3A_475 {strides = array<i32>} : memref<4096xi32, #tpu.memory_space<vmem>>, vector<16xi32>,
      %mul3A_476 = arith.constant 8 : i32
      %mul3A_477 = arith.muli %scan3A_387, %mul3A_476 : i32
      %add3A_478 = arith.constant 4 : i32
      %add3A_479 = arith.addi %mul3A_477, %add3A_478 : i32
      %mul3A_480 = arith.constant 16 : i32
      %mul3A_481 = arith.muli %add3A_479, %mul3A_480 : i32
      %get3A_482 = arith.index_cast %mul3A_481 : i32 to index
      %get3A_483 = tpu.vector_load %arg5[%get3A_482] {strides = array<i32>} : memref<4096xi32, #tpu.memory_space<vmem>>, vector<16xi32>,
      %get3A_484 = vector.shape_cast %get3A_483 : vector<16xi32> to vector<16xi32>
      %mul3A_485 = arith.constant 262144 : i32
      %mul3A_486 = vector.broadcast %mul3A_485 : i32 to vector<16xi32>
      %mul3A_487 = arith.muli %get3A_484, %mul3A_486 : vector<16xi32>
      %add3A_488 = arith.constant 24576 : i32
      %add3A_489 = arith.addi %add3A_23, %add3A_488 : i32
      %add3A_490 = arith.addi %add3A_489, %mul3A_481 : i32
      %add3A_491 = vector.broadcast %add3A_490 : i32 to vector<16xi32>
      %add3A_492 = arith.addi %mul3A_487, %add3A_491 : vector<16xi32>
      %add3A_493 = arith.addi %add3A_492, %iota3A : vector<16xi32>
      %swap3A_494 = arith.index_cast %mul3A_481 : i32 to index
      %swap3A_495 = tpu.vector_load %arg7[%swap3A_494] {strides = array<i32>} : memref<4096xi32, #tpu.memory_space<vmem>>, vector<16xi32>,
      %swap3A_496 = vector.shape_cast %swap3A_495 : vector<16xi32> to vector<16xi32>
      %swap3A_497 = vector.shape_cast %add3A_493 : vector<16xi32> to vector<16xi32>
      tpu.vector_store %arg7[%swap3A_494], %swap3A_497 {strides = array<i32>} : memref<4096xi32, #tpu.memory_space<vmem>>, vector<16xi32>,
      %mul3A_498 = arith.constant 8 : i32
      %mul3A_499 = arith.muli %scan3A_387, %mul3A_498 : i32
      %add3A_500 = arith.constant 5 : i32
      %add3A_501 = arith.addi %mul3A_499, %add3A_500 : i32
      %mul3A_502 = arith.constant 16 : i32
      %mul3A_503 = arith.muli %add3A_501, %mul3A_502 : i32
      %get3A_504 = arith.index_cast %mul3A_503 : i32 to index
      %get3A_505 = tpu.vector_load %arg5[%get3A_504] {strides = array<i32>} : memref<4096xi32, #tpu.memory_space<vmem>>, vector<16xi32>,
      %get3A_506 = vector.shape_cast %get3A_505 : vector<16xi32> to vector<16xi32>
      %mul3A_507 = arith.constant 262144 : i32
      %mul3A_508 = vector.broadcast %mul3A_507 : i32 to vector<16xi32>
      %mul3A_509 = arith.muli %get3A_506, %mul3A_508 : vector<16xi32>
      %add3A_510 = arith.constant 24576 : i32
      %add3A_511 = arith.addi %add3A_23, %add3A_510 : i32
      %add3A_512 = arith.addi %add3A_511, %mul3A_503 : i32
      %add3A_513 = vector.broadcast %add3A_512 : i32 to vector<16xi32>
      %add3A_514 = arith.addi %mul3A_509, %add3A_513 : vector<16xi32>
      %add3A_515 = arith.addi %add3A_514, %iota3A : vector<16xi32>
      %swap3A_516 = arith.index_cast %mul3A_503 : i32 to index
      %swap3A_517 = tpu.vector_load %arg7[%swap3A_516] {strides = array<i32>} : memref<4096xi32, #tpu.memory_space<vmem>>, vector<16xi32>,
      %swap3A_518 = vector.shape_cast %swap3A_517 : vector<16xi32> to vector<16xi32>
      %swap3A_519 = vector.shape_cast %add3A_515 : vector<16xi32> to vector<16xi32>
      tpu.vector_store %arg7[%swap3A_516], %swap3A_519 {strides = array<i32>} : memref<4096xi32, #tpu.memory_space<vmem>>, vector<16xi32>,
      %mul3A_520 = arith.constant 8 : i32
      %mul3A_521 = arith.muli %scan3A_387, %mul3A_520 : i32
      %add3A_522 = arith.constant 6 : i32
      %add3A_523 = arith.addi %mul3A_521, %add3A_522 : i32
      %mul3A_524 = arith.constant 16 : i32
      %mul3A_525 = arith.muli %add3A_523, %mul3A_524 : i32
      %get3A_526 = arith.index_cast %mul3A_525 : i32 to index
      %get3A_527 = tpu.vector_load %arg5[%get3A_526] {strides = array<i32>} : memref<4096xi32, #tpu.memory_space<vmem>>, vector<16xi32>,
      %get3A_528 = vector.shape_cast %get3A_527 : vector<16xi32> to vector<16xi32>
      %mul3A_529 = arith.constant 262144 : i32
      %mul3A_530 = vector.broadcast %mul3A_529 : i32 to vector<16xi32>
      %mul3A_531 = arith.muli %get3A_528, %mul3A_530 : vector<16xi32>
      %add3A_532 = arith.constant 24576 : i32
      %add3A_533 = arith.addi %add3A_23, %add3A_532 : i32
      %add3A_534 = arith.addi %add3A_533, %mul3A_525 : i32
      %add3A_535 = vector.broadcast %add3A_534 : i32 to vector<16xi32>
      %add3A_536 = arith.addi %mul3A_531, %add3A_535 : vector<16xi32>
      %add3A_537 = arith.addi %add3A_536, %iota3A : vector<16xi32>
      %swap3A_538 = arith.index_cast %mul3A_525 : i32 to index
      %swap3A_539 = tpu.vector_load %arg7[%swap3A_538] {strides = array<i32>} : memref<4096xi32, #tpu.memory_space<vmem>>, vector<16xi32>,
      %swap3A_540 = vector.shape_cast %swap3A_539 : vector<16xi32> to vector<16xi32>
      %swap3A_541 = vector.shape_cast %add3A_537 : vector<16xi32> to vector<16xi32>
      tpu.vector_store %arg7[%swap3A_538], %swap3A_541 {strides = array<i32>} : memref<4096xi32, #tpu.memory_space<vmem>>, vector<16xi32>,
      %mul3A_542 = arith.constant 8 : i32
      %mul3A_543 = arith.muli %scan3A_387, %mul3A_542 : i32
      %add3A_544 = arith.constant 7 : i32
      %add3A_545 = arith.addi %mul3A_543, %add3A_544 : i32
      %mul3A_546 = arith.constant 16 : i32
      %mul3A_547 = arith.muli %add3A_545, %mul3A_546 : i32
      %get3A_548 = arith.index_cast %mul3A_547 : i32 to index
      %get3A_549 = tpu.vector_load %arg5[%get3A_548] {strides = array<i32>} : memref<4096xi32, #tpu.memory_space<vmem>>, vector<16xi32>,
      %get3A_550 = vector.shape_cast %get3A_549 : vector<16xi32> to vector<16xi32>
      %mul3A_551 = arith.constant 262144 : i32
      %mul3A_552 = vector.broadcast %mul3A_551 : i32 to vector<16xi32>
      %mul3A_553 = arith.muli %get3A_550, %mul3A_552 : vector<16xi32>
      %add3A_554 = arith.constant 24576 : i32
      %add3A_555 = arith.addi %add3A_23, %add3A_554 : i32
      %add3A_556 = arith.addi %add3A_555, %mul3A_547 : i32
      %add3A_557 = vector.broadcast %add3A_556 : i32 to vector<16xi32>
      %add3A_558 = arith.addi %mul3A_553, %add3A_557 : vector<16xi32>
      %add3A_559 = arith.addi %add3A_558, %iota3A : vector<16xi32>
      %swap3A_560 = arith.index_cast %mul3A_547 : i32 to index
      %swap3A_561 = tpu.vector_load %arg7[%swap3A_560] {strides = array<i32>} : memref<4096xi32, #tpu.memory_space<vmem>>, vector<16xi32>,
      %swap3A_562 = vector.shape_cast %swap3A_561 : vector<16xi32> to vector<16xi32>
      %swap3A_563 = vector.shape_cast %add3A_559 : vector<16xi32> to vector<16xi32>
      tpu.vector_store %arg7[%swap3A_560], %swap3A_563 {strides = array<i32>} : memref<4096xi32, #tpu.memory_space<vmem>>, vector<16xi32>,
      %scan3A_564 = arith.constant 0 : i32
      scf.yield %scan3A_564 : i32
    }
    %scan3A_294 = arith.constant 32 : i32
    %dma_start3A_295 = arith.constant 0 : i32
    %dma_start3A_296 = tpu.memref_slice %arg9[%dma_start3A_295] : memref<4096xf32, #tpu.memory_space<vmem>> -> memref<2048xf32, #tpu.memory_space<vmem>>
    %dma_start3A_297 = arith.constant 0 : i32
    %dma_start3A_298 = tpu.memref_slice %arg7[%dma_start3A_297] : memref<4096xi32, #tpu.memory_space<vmem>> -> memref<2048xi32, #tpu.memory_space<vmem>>
    %dma_start3A_299 = arith.constant 0 : i32
    %dma_start3A_300 = tpu.memref_slice %arg2[%dma_start3A_299] : memref<100663296xf32, #tpu.memory_space<hbm>> -> memref<100663296xf32, #tpu.memory_space<hbm>>
    tpu.enqueue_indirect_dma source(%dma_start3A_300 : memref<100663296xf32, #tpu.memory_space<hbm>>) target(%dma_start3A_296 : memref<2048xf32, #tpu.memory_space<vmem>>) offsets(%dma_start3A_298 : memref<2048xi32, #tpu.memory_space<vmem>>) semaphore(%arg12 : memref<!tpu.dma_semaphore, #tpu.memory_space<semaphore_mem>>)
    %dma_start3A_301 = arith.constant 2048 : i32
    %dma_start3A_302 = tpu.memref_slice %arg9[%dma_start3A_301] : memref<4096xf32, #tpu.memory_space<vmem>> -> memref<2048xf32, #tpu.memory_space<vmem>>
    %dma_start3A_303 = arith.constant 2048 : i32
    %dma_start3A_304 = tpu.memref_slice %arg7[%dma_start3A_303] : memref<4096xi32, #tpu.memory_space<vmem>> -> memref<2048xi32, #tpu.memory_space<vmem>>
    %dma_start3A_305 = arith.constant 0 : i32
    %dma_start3A_306 = tpu.memref_slice %arg2[%dma_start3A_305] : memref<100663296xf32, #tpu.memory_space<hbm>> -> memref<100663296xf32, #tpu.memory_space<hbm>>
    tpu.enqueue_indirect_dma source(%dma_start3A_306 : memref<100663296xf32, #tpu.memory_space<hbm>>) target(%dma_start3A_302 : memref<2048xf32, #tpu.memory_space<vmem>>) offsets(%dma_start3A_304 : memref<2048xi32, #tpu.memory_space<vmem>>) semaphore(%arg13 : memref<!tpu.dma_semaphore, #tpu.memory_space<semaphore_mem>>)
    %dma_wait3A_307 = arith.constant 0 : i32
    %dma_wait3A_308 = tpu.memref_slice %arg10[%dma_wait3A_307] : memref<4096xf32, #tpu.memory_space<vmem>> -> memref<2048xf32, #tpu.memory_space<vmem>>
    %dma_wait3A_309 = arith.constant 0 : i32
    %dma_wait3A_310 = tpu.memref_slice %arg8[%dma_wait3A_309] : memref<4096xi32, #tpu.memory_space<vmem>> -> memref<2048xi32, #tpu.memory_space<vmem>>
    %dma_wait3A_311 = arith.constant 0 : i32
    %dma_wait3A_312 = tpu.memref_slice %arg2[%dma_wait3A_311] : memref<100663296xf32, #tpu.memory_space<hbm>> -> memref<100663296xf32, #tpu.memory_space<hbm>>
    tpu.wait_indirect_dma semaphore(%arg14 : memref<!tpu.dma_semaphore, #tpu.memory_space<semaphore_mem>>) src(%dma_wait3A_312 : memref<100663296xf32, #tpu.memory_space<hbm>>) dst(%dma_wait3A_308 : memref<2048xf32, #tpu.memory_space<vmem>>)
    %dma_wait3A_313 = arith.constant 2048 : i32
    %dma_wait3A_314 = tpu.memref_slice %arg10[%dma_wait3A_313] : memref<4096xf32, #tpu.memory_space<vmem>> -> memref<2048xf32, #tpu.memory_space<vmem>>
    %dma_wait3A_315 = arith.constant 2048 : i32
    %dma_wait3A_316 = tpu.memref_slice %arg8[%dma_wait3A_315] : memref<4096xi32, #tpu.memory_space<vmem>> -> memref<2048xi32, #tpu.memory_space<vmem>>
    %dma_wait3A_317 = arith.constant 0 : i32
    %dma_wait3A_318 = tpu.memref_slice %arg2[%dma_wait3A_317] : memref<100663296xf32, #tpu.memory_space<hbm>> -> memref<100663296xf32, #tpu.memory_space<hbm>>
    tpu.wait_indirect_dma semaphore(%arg15 : memref<!tpu.dma_semaphore, #tpu.memory_space<semaphore_mem>>) src(%dma_wait3A_318 : memref<100663296xf32, #tpu.memory_space<hbm>>) dst(%dma_wait3A_314 : memref<2048xf32, #tpu.memory_space<vmem>>)
    %scan3A_319 = arith.constant 0 : i32
    %scan3A_320 = arith.constant 32 : i32
    %scan3A_321 = arith.addi %scan3A_319, %scan3A_320 : i32
    %scan3A_322 = arith.constant 1 : i32
    %scan3A_323 = scf.for %scan3A_387 = %scan3A_319 to %scan3A_321 step %scan3A_322 iter_args(%scan3A_388 = %scan3A_278) -> (vector<16xf32>)  : i32 {
      %mul3A_389 = arith.constant 8 : i32
      %mul3A_390 = arith.muli %scan3A_387, %mul3A_389 : i32
      %add3A_391 = arith.constant 0 : i32
      %add3A_392 = arith.addi %mul3A_390, %add3A_391 : i32
      %mul3A_393 = arith.constant 16 : i32
      %mul3A_394 = arith.muli %add3A_392, %mul3A_393 : i32
      %get3A = arith.index_cast %mul3A_394 : i32 to index
      %get3A_395 = tpu.vector_load %arg10[%get3A] {strides = array<i32>} : memref<4096xf32, #tpu.memory_space<vmem>>, vector<16xf32>,
      %get3A_396 = vector.shape_cast %get3A_395 : vector<16xf32> to vector<16xf32>
      %add3A_397 = arith.addf %scan3A_388, %get3A_396 : vector<16xf32>
      %mul3A_398 = arith.constant 8 : i32
      %mul3A_399 = arith.muli %scan3A_387, %mul3A_398 : i32
      %add3A_400 = arith.constant 1 : i32
      %add3A_401 = arith.addi %mul3A_399, %add3A_400 : i32
      %mul3A_402 = arith.constant 16 : i32
      %mul3A_403 = arith.muli %add3A_401, %mul3A_402 : i32
      %get3A_404 = arith.index_cast %mul3A_403 : i32 to index
      %get3A_405 = tpu.vector_load %arg10[%get3A_404] {strides = array<i32>} : memref<4096xf32, #tpu.memory_space<vmem>>, vector<16xf32>,
      %get3A_406 = vector.shape_cast %get3A_405 : vector<16xf32> to vector<16xf32>
      %add3A_407 = arith.addf %add3A_397, %get3A_406 : vector<16xf32>
      %mul3A_408 = arith.constant 8 : i32
      %mul3A_409 = arith.muli %scan3A_387, %mul3A_408 : i32
      %add3A_410 = arith.constant 2 : i32
      %add3A_411 = arith.addi %mul3A_409, %add3A_410 : i32
      %mul3A_412 = arith.constant 16 : i32
      %mul3A_413 = arith.muli %add3A_411, %mul3A_412 : i32
      %get3A_414 = arith.index_cast %mul3A_413 : i32 to index
      %get3A_415 = tpu.vector_load %arg10[%get3A_414] {strides = array<i32>} : memref<4096xf32, #tpu.memory_space<vmem>>, vector<16xf32>,
      %get3A_416 = vector.shape_cast %get3A_415 : vector<16xf32> to vector<16xf32>
      %add3A_417 = arith.addf %add3A_407, %get3A_416 : vector<16xf32>
      %mul3A_418 = arith.constant 8 : i32
      %mul3A_419 = arith.muli %scan3A_387, %mul3A_418 : i32
      %add3A_420 = arith.constant 3 : i32
      %add3A_421 = arith.addi %mul3A_419, %add3A_420 : i32
      %mul3A_422 = arith.constant 16 : i32
      %mul3A_423 = arith.muli %add3A_421, %mul3A_422 : i32
      %get3A_424 = arith.index_cast %mul3A_423 : i32 to index
      %get3A_425 = tpu.vector_load %arg10[%get3A_424] {strides = array<i32>} : memref<4096xf32, #tpu.memory_space<vmem>>, vector<16xf32>,
      %get3A_426 = vector.shape_cast %get3A_425 : vector<16xf32> to vector<16xf32>
      %add3A_427 = arith.addf %add3A_417, %get3A_426 : vector<16xf32>
      %mul3A_428 = arith.constant 8 : i32
      %mul3A_429 = arith.muli %scan3A_387, %mul3A_428 : i32
      %add3A_430 = arith.constant 4 : i32
      %add3A_431 = arith.addi %mul3A_429, %add3A_430 : i32
      %mul3A_432 = arith.constant 16 : i32
      %mul3A_433 = arith.muli %add3A_431, %mul3A_432 : i32
      %get3A_434 = arith.index_cast %mul3A_433 : i32 to index
      %get3A_435 = tpu.vector_load %arg10[%get3A_434] {strides = array<i32>} : memref<4096xf32, #tpu.memory_space<vmem>>, vector<16xf32>,
      %get3A_436 = vector.shape_cast %get3A_435 : vector<16xf32> to vector<16xf32>
      %add3A_437 = arith.addf %add3A_427, %get3A_436 : vector<16xf32>
      %mul3A_438 = arith.constant 8 : i32
      %mul3A_439 = arith.muli %scan3A_387, %mul3A_438 : i32
      %add3A_440 = arith.constant 5 : i32
      %add3A_441 = arith.addi %mul3A_439, %add3A_440 : i32
      %mul3A_442 = arith.constant 16 : i32
      %mul3A_443 = arith.muli %add3A_441, %mul3A_442 : i32
      %get3A_444 = arith.index_cast %mul3A_443 : i32 to index
      %get3A_445 = tpu.vector_load %arg10[%get3A_444] {strides = array<i32>} : memref<4096xf32, #tpu.memory_space<vmem>>, vector<16xf32>,
      %get3A_446 = vector.shape_cast %get3A_445 : vector<16xf32> to vector<16xf32>
      %add3A_447 = arith.addf %add3A_437, %get3A_446 : vector<16xf32>
      %mul3A_448 = arith.constant 8 : i32
      %mul3A_449 = arith.muli %scan3A_387, %mul3A_448 : i32
      %add3A_450 = arith.constant 6 : i32
      %add3A_451 = arith.addi %mul3A_449, %add3A_450 : i32
      %mul3A_452 = arith.constant 16 : i32
      %mul3A_453 = arith.muli %add3A_451, %mul3A_452 : i32
      %get3A_454 = arith.index_cast %mul3A_453 : i32 to index
      %get3A_455 = tpu.vector_load %arg10[%get3A_454] {strides = array<i32>} : memref<4096xf32, #tpu.memory_space<vmem>>, vector<16xf32>,
      %get3A_456 = vector.shape_cast %get3A_455 : vector<16xf32> to vector<16xf32>
      %add3A_457 = arith.addf %add3A_447, %get3A_456 : vector<16xf32>
      %mul3A_458 = arith.constant 8 : i32
      %mul3A_459 = arith.muli %scan3A_387, %mul3A_458 : i32
      %add3A_460 = arith.constant 7 : i32
      %add3A_461 = arith.addi %mul3A_459, %add3A_460 : i32
      %mul3A_462 = arith.constant 16 : i32
      %mul3A_463 = arith.muli %add3A_461, %mul3A_462 : i32
      %get3A_464 = arith.index_cast %mul3A_463 : i32 to index
      %get3A_465 = tpu.vector_load %arg10[%get3A_464] {strides = array<i32>} : memref<4096xf32, #tpu.memory_space<vmem>>, vector<16xf32>,
      %get3A_466 = vector.shape_cast %get3A_465 : vector<16xf32> to vector<16xf32>
      %add3A_467 = arith.addf %add3A_457, %get3A_466 : vector<16xf32>
      scf.yield %add3A_467 : vector<16xf32>
    }
    %scan3A_324 = arith.constant 32 : i32
    %dma_wait3A_325 = tpu.memref_slice %arg3[%add3A_285] : memref<1048576xi32, #tpu.memory_space<hbm>> -> memref<4096xi32, #tpu.memory_space<hbm>>
    %dma_wait3A_326 = tpu.memref_slice %arg3[%add3A_285] : memref<1048576xi32, #tpu.memory_space<hbm>> -> memref<4096xi32, #tpu.memory_space<hbm>>
    tpu.wait_dma2 semaphore(%arg17 : memref<!tpu.dma_semaphore, #tpu.memory_space<semaphore_mem>>) src(%dma_wait3A_326 : memref<4096xi32, #tpu.memory_space<hbm>>) dst(%arg6 : memref<4096xi32, #tpu.memory_space<vmem>>)
    %scan3A_327 = arith.constant 0 : i32
    %scan3A_328 = arith.constant 0 : i32
    %scan3A_329 = arith.constant 32 : i32
    %scan3A_330 = arith.addi %scan3A_328, %scan3A_329 : i32
    %scan3A_331 = arith.constant 1 : i32
    %scan3A_332 = scf.for %scan3A_387 = %scan3A_328 to %scan3A_330 step %scan3A_331 iter_args(%scan3A_388 = %scan3A_327) -> (i32)  : i32 {
      %mul3A_389 = arith.constant 8 : i32
      %mul3A_390 = arith.muli %scan3A_387, %mul3A_389 : i32
      %add3A_391 = arith.constant 0 : i32
      %add3A_392 = arith.addi %mul3A_390, %add3A_391 : i32
      %mul3A_393 = arith.constant 16 : i32
      %mul3A_394 = arith.muli %add3A_392, %mul3A_393 : i32
      %get3A = arith.index_cast %mul3A_394 : i32 to index
      %get3A_395 = tpu.vector_load %arg6[%get3A] {strides = array<i32>} : memref<4096xi32, #tpu.memory_space<vmem>>, vector<16xi32>,
      %get3A_396 = vector.shape_cast %get3A_395 : vector<16xi32> to vector<16xi32>
      %mul3A_397 = arith.constant 262144 : i32
      %mul3A_398 = vector.broadcast %mul3A_397 : i32 to vector<16xi32>
      %mul3A_399 = arith.muli %get3A_396, %mul3A_398 : vector<16xi32>
      %add3A_400 = arith.constant 28672 : i32
      %add3A_401 = arith.addi %add3A_23, %add3A_400 : i32
      %add3A_402 = arith.addi %add3A_401, %mul3A_394 : i32
      %add3A_403 = vector.broadcast %add3A_402 : i32 to vector<16xi32>
      %add3A_404 = arith.addi %mul3A_399, %add3A_403 : vector<16xi32>
      %add3A_405 = arith.addi %add3A_404, %iota3A : vector<16xi32>
      %swap3A_406 = arith.index_cast %mul3A_394 : i32 to index
      %swap3A_407 = tpu.vector_load %arg8[%swap3A_406] {strides = array<i32>} : memref<4096xi32, #tpu.memory_space<vmem>>, vector<16xi32>,
      %swap3A_408 = vector.shape_cast %swap3A_407 : vector<16xi32> to vector<16xi32>
      %swap3A_409 = vector.shape_cast %add3A_405 : vector<16xi32> to vector<16xi32>
      tpu.vector_store %arg8[%swap3A_406], %swap3A_409 {strides = array<i32>} : memref<4096xi32, #tpu.memory_space<vmem>>, vector<16xi32>,
      %mul3A_410 = arith.constant 8 : i32
      %mul3A_411 = arith.muli %scan3A_387, %mul3A_410 : i32
      %add3A_412 = arith.constant 1 : i32
      %add3A_413 = arith.addi %mul3A_411, %add3A_412 : i32
      %mul3A_414 = arith.constant 16 : i32
      %mul3A_415 = arith.muli %add3A_413, %mul3A_414 : i32
      %get3A_416 = arith.index_cast %mul3A_415 : i32 to index
      %get3A_417 = tpu.vector_load %arg6[%get3A_416] {strides = array<i32>} : memref<4096xi32, #tpu.memory_space<vmem>>, vector<16xi32>,
      %get3A_418 = vector.shape_cast %get3A_417 : vector<16xi32> to vector<16xi32>
      %mul3A_419 = arith.constant 262144 : i32
      %mul3A_420 = vector.broadcast %mul3A_419 : i32 to vector<16xi32>
      %mul3A_421 = arith.muli %get3A_418, %mul3A_420 : vector<16xi32>
      %add3A_422 = arith.constant 28672 : i32
      %add3A_423 = arith.addi %add3A_23, %add3A_422 : i32
      %add3A_424 = arith.addi %add3A_423, %mul3A_415 : i32
      %add3A_425 = vector.broadcast %add3A_424 : i32 to vector<16xi32>
      %add3A_426 = arith.addi %mul3A_421, %add3A_425 : vector<16xi32>
      %add3A_427 = arith.addi %add3A_426, %iota3A : vector<16xi32>
      %swap3A_428 = arith.index_cast %mul3A_415 : i32 to index
      %swap3A_429 = tpu.vector_load %arg8[%swap3A_428] {strides = array<i32>} : memref<4096xi32, #tpu.memory_space<vmem>>, vector<16xi32>,
      %swap3A_430 = vector.shape_cast %swap3A_429 : vector<16xi32> to vector<16xi32>
      %swap3A_431 = vector.shape_cast %add3A_427 : vector<16xi32> to vector<16xi32>
      tpu.vector_store %arg8[%swap3A_428], %swap3A_431 {strides = array<i32>} : memref<4096xi32, #tpu.memory_space<vmem>>, vector<16xi32>,
      %mul3A_432 = arith.constant 8 : i32
      %mul3A_433 = arith.muli %scan3A_387, %mul3A_432 : i32
      %add3A_434 = arith.constant 2 : i32
      %add3A_435 = arith.addi %mul3A_433, %add3A_434 : i32
      %mul3A_436 = arith.constant 16 : i32
      %mul3A_437 = arith.muli %add3A_435, %mul3A_436 : i32
      %get3A_438 = arith.index_cast %mul3A_437 : i32 to index
      %get3A_439 = tpu.vector_load %arg6[%get3A_438] {strides = array<i32>} : memref<4096xi32, #tpu.memory_space<vmem>>, vector<16xi32>,
      %get3A_440 = vector.shape_cast %get3A_439 : vector<16xi32> to vector<16xi32>
      %mul3A_441 = arith.constant 262144 : i32
      %mul3A_442 = vector.broadcast %mul3A_441 : i32 to vector<16xi32>
      %mul3A_443 = arith.muli %get3A_440, %mul3A_442 : vector<16xi32>
      %add3A_444 = arith.constant 28672 : i32
      %add3A_445 = arith.addi %add3A_23, %add3A_444 : i32
      %add3A_446 = arith.addi %add3A_445, %mul3A_437 : i32
      %add3A_447 = vector.broadcast %add3A_446 : i32 to vector<16xi32>
      %add3A_448 = arith.addi %mul3A_443, %add3A_447 : vector<16xi32>
      %add3A_449 = arith.addi %add3A_448, %iota3A : vector<16xi32>
      %swap3A_450 = arith.index_cast %mul3A_437 : i32 to index
      %swap3A_451 = tpu.vector_load %arg8[%swap3A_450] {strides = array<i32>} : memref<4096xi32, #tpu.memory_space<vmem>>, vector<16xi32>,
      %swap3A_452 = vector.shape_cast %swap3A_451 : vector<16xi32> to vector<16xi32>
      %swap3A_453 = vector.shape_cast %add3A_449 : vector<16xi32> to vector<16xi32>
      tpu.vector_store %arg8[%swap3A_450], %swap3A_453 {strides = array<i32>} : memref<4096xi32, #tpu.memory_space<vmem>>, vector<16xi32>,
      %mul3A_454 = arith.constant 8 : i32
      %mul3A_455 = arith.muli %scan3A_387, %mul3A_454 : i32
      %add3A_456 = arith.constant 3 : i32
      %add3A_457 = arith.addi %mul3A_455, %add3A_456 : i32
      %mul3A_458 = arith.constant 16 : i32
      %mul3A_459 = arith.muli %add3A_457, %mul3A_458 : i32
      %get3A_460 = arith.index_cast %mul3A_459 : i32 to index
      %get3A_461 = tpu.vector_load %arg6[%get3A_460] {strides = array<i32>} : memref<4096xi32, #tpu.memory_space<vmem>>, vector<16xi32>,
      %get3A_462 = vector.shape_cast %get3A_461 : vector<16xi32> to vector<16xi32>
      %mul3A_463 = arith.constant 262144 : i32
      %mul3A_464 = vector.broadcast %mul3A_463 : i32 to vector<16xi32>
      %mul3A_465 = arith.muli %get3A_462, %mul3A_464 : vector<16xi32>
      %add3A_466 = arith.constant 28672 : i32
      %add3A_467 = arith.addi %add3A_23, %add3A_466 : i32
      %add3A_468 = arith.addi %add3A_467, %mul3A_459 : i32
      %add3A_469 = vector.broadcast %add3A_468 : i32 to vector<16xi32>
      %add3A_470 = arith.addi %mul3A_465, %add3A_469 : vector<16xi32>
      %add3A_471 = arith.addi %add3A_470, %iota3A : vector<16xi32>
      %swap3A_472 = arith.index_cast %mul3A_459 : i32 to index
      %swap3A_473 = tpu.vector_load %arg8[%swap3A_472] {strides = array<i32>} : memref<4096xi32, #tpu.memory_space<vmem>>, vector<16xi32>,
      %swap3A_474 = vector.shape_cast %swap3A_473 : vector<16xi32> to vector<16xi32>
      %swap3A_475 = vector.shape_cast %add3A_471 : vector<16xi32> to vector<16xi32>
      tpu.vector_store %arg8[%swap3A_472], %swap3A_475 {strides = array<i32>} : memref<4096xi32, #tpu.memory_space<vmem>>, vector<16xi32>,
      %mul3A_476 = arith.constant 8 : i32
      %mul3A_477 = arith.muli %scan3A_387, %mul3A_476 : i32
      %add3A_478 = arith.constant 4 : i32
      %add3A_479 = arith.addi %mul3A_477, %add3A_478 : i32
      %mul3A_480 = arith.constant 16 : i32
      %mul3A_481 = arith.muli %add3A_479, %mul3A_480 : i32
      %get3A_482 = arith.index_cast %mul3A_481 : i32 to index
      %get3A_483 = tpu.vector_load %arg6[%get3A_482] {strides = array<i32>} : memref<4096xi32, #tpu.memory_space<vmem>>, vector<16xi32>,
      %get3A_484 = vector.shape_cast %get3A_483 : vector<16xi32> to vector<16xi32>
      %mul3A_485 = arith.constant 262144 : i32
      %mul3A_486 = vector.broadcast %mul3A_485 : i32 to vector<16xi32>
      %mul3A_487 = arith.muli %get3A_484, %mul3A_486 : vector<16xi32>
      %add3A_488 = arith.constant 28672 : i32
      %add3A_489 = arith.addi %add3A_23, %add3A_488 : i32
      %add3A_490 = arith.addi %add3A_489, %mul3A_481 : i32
      %add3A_491 = vector.broadcast %add3A_490 : i32 to vector<16xi32>
      %add3A_492 = arith.addi %mul3A_487, %add3A_491 : vector<16xi32>
      %add3A_493 = arith.addi %add3A_492, %iota3A : vector<16xi32>
      %swap3A_494 = arith.index_cast %mul3A_481 : i32 to index
      %swap3A_495 = tpu.vector_load %arg8[%swap3A_494] {strides = array<i32>} : memref<4096xi32, #tpu.memory_space<vmem>>, vector<16xi32>,
      %swap3A_496 = vector.shape_cast %swap3A_495 : vector<16xi32> to vector<16xi32>
      %swap3A_497 = vector.shape_cast %add3A_493 : vector<16xi32> to vector<16xi32>
      tpu.vector_store %arg8[%swap3A_494], %swap3A_497 {strides = array<i32>} : memref<4096xi32, #tpu.memory_space<vmem>>, vector<16xi32>,
      %mul3A_498 = arith.constant 8 : i32
      %mul3A_499 = arith.muli %scan3A_387, %mul3A_498 : i32
      %add3A_500 = arith.constant 5 : i32
      %add3A_501 = arith.addi %mul3A_499, %add3A_500 : i32
      %mul3A_502 = arith.constant 16 : i32
      %mul3A_503 = arith.muli %add3A_501, %mul3A_502 : i32
      %get3A_504 = arith.index_cast %mul3A_503 : i32 to index
      %get3A_505 = tpu.vector_load %arg6[%get3A_504] {strides = array<i32>} : memref<4096xi32, #tpu.memory_space<vmem>>, vector<16xi32>,
      %get3A_506 = vector.shape_cast %get3A_505 : vector<16xi32> to vector<16xi32>
      %mul3A_507 = arith.constant 262144 : i32
      %mul3A_508 = vector.broadcast %mul3A_507 : i32 to vector<16xi32>
      %mul3A_509 = arith.muli %get3A_506, %mul3A_508 : vector<16xi32>
      %add3A_510 = arith.constant 28672 : i32
      %add3A_511 = arith.addi %add3A_23, %add3A_510 : i32
      %add3A_512 = arith.addi %add3A_511, %mul3A_503 : i32
      %add3A_513 = vector.broadcast %add3A_512 : i32 to vector<16xi32>
      %add3A_514 = arith.addi %mul3A_509, %add3A_513 : vector<16xi32>
      %add3A_515 = arith.addi %add3A_514, %iota3A : vector<16xi32>
      %swap3A_516 = arith.index_cast %mul3A_503 : i32 to index
      %swap3A_517 = tpu.vector_load %arg8[%swap3A_516] {strides = array<i32>} : memref<4096xi32, #tpu.memory_space<vmem>>, vector<16xi32>,
      %swap3A_518 = vector.shape_cast %swap3A_517 : vector<16xi32> to vector<16xi32>
      %swap3A_519 = vector.shape_cast %add3A_515 : vector<16xi32> to vector<16xi32>
      tpu.vector_store %arg8[%swap3A_516], %swap3A_519 {strides = array<i32>} : memref<4096xi32, #tpu.memory_space<vmem>>, vector<16xi32>,
      %mul3A_520 = arith.constant 8 : i32
      %mul3A_521 = arith.muli %scan3A_387, %mul3A_520 : i32
      %add3A_522 = arith.constant 6 : i32
      %add3A_523 = arith.addi %mul3A_521, %add3A_522 : i32
      %mul3A_524 = arith.constant 16 : i32
      %mul3A_525 = arith.muli %add3A_523, %mul3A_524 : i32
      %get3A_526 = arith.index_cast %mul3A_525 : i32 to index
      %get3A_527 = tpu.vector_load %arg6[%get3A_526] {strides = array<i32>} : memref<4096xi32, #tpu.memory_space<vmem>>, vector<16xi32>,
      %get3A_528 = vector.shape_cast %get3A_527 : vector<16xi32> to vector<16xi32>
      %mul3A_529 = arith.constant 262144 : i32
      %mul3A_530 = vector.broadcast %mul3A_529 : i32 to vector<16xi32>
      %mul3A_531 = arith.muli %get3A_528, %mul3A_530 : vector<16xi32>
      %add3A_532 = arith.constant 28672 : i32
      %add3A_533 = arith.addi %add3A_23, %add3A_532 : i32
      %add3A_534 = arith.addi %add3A_533, %mul3A_525 : i32
      %add3A_535 = vector.broadcast %add3A_534 : i32 to vector<16xi32>
      %add3A_536 = arith.addi %mul3A_531, %add3A_535 : vector<16xi32>
      %add3A_537 = arith.addi %add3A_536, %iota3A : vector<16xi32>
      %swap3A_538 = arith.index_cast %mul3A_525 : i32 to index
      %swap3A_539 = tpu.vector_load %arg8[%swap3A_538] {strides = array<i32>} : memref<4096xi32, #tpu.memory_space<vmem>>, vector<16xi32>,
      %swap3A_540 = vector.shape_cast %swap3A_539 : vector<16xi32> to vector<16xi32>
      %swap3A_541 = vector.shape_cast %add3A_537 : vector<16xi32> to vector<16xi32>
      tpu.vector_store %arg8[%swap3A_538], %swap3A_541 {strides = array<i32>} : memref<4096xi32, #tpu.memory_space<vmem>>, vector<16xi32>,
      %mul3A_542 = arith.constant 8 : i32
      %mul3A_543 = arith.muli %scan3A_387, %mul3A_542 : i32
      %add3A_544 = arith.constant 7 : i32
      %add3A_545 = arith.addi %mul3A_543, %add3A_544 : i32
      %mul3A_546 = arith.constant 16 : i32
      %mul3A_547 = arith.muli %add3A_545, %mul3A_546 : i32
      %get3A_548 = arith.index_cast %mul3A_547 : i32 to index
      %get3A_549 = tpu.vector_load %arg6[%get3A_548] {strides = array<i32>} : memref<4096xi32, #tpu.memory_space<vmem>>, vector<16xi32>,
      %get3A_550 = vector.shape_cast %get3A_549 : vector<16xi32> to vector<16xi32>
      %mul3A_551 = arith.constant 262144 : i32
      %mul3A_552 = vector.broadcast %mul3A_551 : i32 to vector<16xi32>
      %mul3A_553 = arith.muli %get3A_550, %mul3A_552 : vector<16xi32>
      %add3A_554 = arith.constant 28672 : i32
      %add3A_555 = arith.addi %add3A_23, %add3A_554 : i32
      %add3A_556 = arith.addi %add3A_555, %mul3A_547 : i32
      %add3A_557 = vector.broadcast %add3A_556 : i32 to vector<16xi32>
      %add3A_558 = arith.addi %mul3A_553, %add3A_557 : vector<16xi32>
      %add3A_559 = arith.addi %add3A_558, %iota3A : vector<16xi32>
      %swap3A_560 = arith.index_cast %mul3A_547 : i32 to index
      %swap3A_561 = tpu.vector_load %arg8[%swap3A_560] {strides = array<i32>} : memref<4096xi32, #tpu.memory_space<vmem>>, vector<16xi32>,
      %swap3A_562 = vector.shape_cast %swap3A_561 : vector<16xi32> to vector<16xi32>
      %swap3A_563 = vector.shape_cast %add3A_559 : vector<16xi32> to vector<16xi32>
      tpu.vector_store %arg8[%swap3A_560], %swap3A_563 {strides = array<i32>} : memref<4096xi32, #tpu.memory_space<vmem>>, vector<16xi32>,
      %scan3A_564 = arith.constant 0 : i32
      scf.yield %scan3A_564 : i32
    }
    %scan3A_333 = arith.constant 32 : i32
    %dma_start3A_334 = arith.constant 0 : i32
    %dma_start3A_335 = tpu.memref_slice %arg10[%dma_start3A_334] : memref<4096xf32, #tpu.memory_space<vmem>> -> memref<2048xf32, #tpu.memory_space<vmem>>
    %dma_start3A_336 = arith.constant 0 : i32
    %dma_start3A_337 = tpu.memref_slice %arg8[%dma_start3A_336] : memref<4096xi32, #tpu.memory_space<vmem>> -> memref<2048xi32, #tpu.memory_space<vmem>>
    %dma_start3A_338 = arith.constant 0 : i32
    %dma_start3A_339 = tpu.memref_slice %arg2[%dma_start3A_338] : memref<100663296xf32, #tpu.memory_space<hbm>> -> memref<100663296xf32, #tpu.memory_space<hbm>>
    tpu.enqueue_indirect_dma source(%dma_start3A_339 : memref<100663296xf32, #tpu.memory_space<hbm>>) target(%dma_start3A_335 : memref<2048xf32, #tpu.memory_space<vmem>>) offsets(%dma_start3A_337 : memref<2048xi32, #tpu.memory_space<vmem>>) semaphore(%arg14 : memref<!tpu.dma_semaphore, #tpu.memory_space<semaphore_mem>>)
    %dma_start3A_340 = arith.constant 2048 : i32
    %dma_start3A_341 = tpu.memref_slice %arg10[%dma_start3A_340] : memref<4096xf32, #tpu.memory_space<vmem>> -> memref<2048xf32, #tpu.memory_space<vmem>>
    %dma_start3A_342 = arith.constant 2048 : i32
    %dma_start3A_343 = tpu.memref_slice %arg8[%dma_start3A_342] : memref<4096xi32, #tpu.memory_space<vmem>> -> memref<2048xi32, #tpu.memory_space<vmem>>
    %dma_start3A_344 = arith.constant 0 : i32
    %dma_start3A_345 = tpu.memref_slice %arg2[%dma_start3A_344] : memref<100663296xf32, #tpu.memory_space<hbm>> -> memref<100663296xf32, #tpu.memory_space<hbm>>
    tpu.enqueue_indirect_dma source(%dma_start3A_345 : memref<100663296xf32, #tpu.memory_space<hbm>>) target(%dma_start3A_341 : memref<2048xf32, #tpu.memory_space<vmem>>) offsets(%dma_start3A_343 : memref<2048xi32, #tpu.memory_space<vmem>>) semaphore(%arg15 : memref<!tpu.dma_semaphore, #tpu.memory_space<semaphore_mem>>)
    %dma_wait3A_346 = arith.constant 0 : i32
    %dma_wait3A_347 = tpu.memref_slice %arg9[%dma_wait3A_346] : memref<4096xf32, #tpu.memory_space<vmem>> -> memref<2048xf32, #tpu.memory_space<vmem>>
    %dma_wait3A_348 = arith.constant 0 : i32
    %dma_wait3A_349 = tpu.memref_slice %arg7[%dma_wait3A_348] : memref<4096xi32, #tpu.memory_space<vmem>> -> memref<2048xi32, #tpu.memory_space<vmem>>
    %dma_wait3A_350 = arith.constant 0 : i32
    %dma_wait3A_351 = tpu.memref_slice %arg2[%dma_wait3A_350] : memref<100663296xf32, #tpu.memory_space<hbm>> -> memref<100663296xf32, #tpu.memory_space<hbm>>
    tpu.wait_indirect_dma semaphore(%arg12 : memref<!tpu.dma_semaphore, #tpu.memory_space<semaphore_mem>>) src(%dma_wait3A_351 : memref<100663296xf32, #tpu.memory_space<hbm>>) dst(%dma_wait3A_347 : memref<2048xf32, #tpu.memory_space<vmem>>)
    %dma_wait3A_352 = arith.constant 2048 : i32
    %dma_wait3A_353 = tpu.memref_slice %arg9[%dma_wait3A_352] : memref<4096xf32, #tpu.memory_space<vmem>> -> memref<2048xf32, #tpu.memory_space<vmem>>
    %dma_wait3A_354 = arith.constant 2048 : i32
    %dma_wait3A_355 = tpu.memref_slice %arg7[%dma_wait3A_354] : memref<4096xi32, #tpu.memory_space<vmem>> -> memref<2048xi32, #tpu.memory_space<vmem>>
    %dma_wait3A_356 = arith.constant 0 : i32
    %dma_wait3A_357 = tpu.memref_slice %arg2[%dma_wait3A_356] : memref<100663296xf32, #tpu.memory_space<hbm>> -> memref<100663296xf32, #tpu.memory_space<hbm>>
    tpu.wait_indirect_dma semaphore(%arg13 : memref<!tpu.dma_semaphore, #tpu.memory_space<semaphore_mem>>) src(%dma_wait3A_357 : memref<100663296xf32, #tpu.memory_space<hbm>>) dst(%dma_wait3A_353 : memref<2048xf32, #tpu.memory_space<vmem>>)
    %scan3A_358 = arith.constant 0 : i32
    %scan3A_359 = arith.constant 32 : i32
    %scan3A_360 = arith.addi %scan3A_358, %scan3A_359 : i32
    %scan3A_361 = arith.constant 1 : i32
    %scan3A_362 = scf.for %scan3A_387 = %scan3A_358 to %scan3A_360 step %scan3A_361 iter_args(%scan3A_388 = %scan3A_323) -> (vector<16xf32>)  : i32 {
      %mul3A_389 = arith.constant 8 : i32
      %mul3A_390 = arith.muli %scan3A_387, %mul3A_389 : i32
      %add3A_391 = arith.constant 0 : i32
      %add3A_392 = arith.addi %mul3A_390, %add3A_391 : i32
      %mul3A_393 = arith.constant 16 : i32
      %mul3A_394 = arith.muli %add3A_392, %mul3A_393 : i32
      %get3A = arith.index_cast %mul3A_394 : i32 to index
      %get3A_395 = tpu.vector_load %arg9[%get3A] {strides = array<i32>} : memref<4096xf32, #tpu.memory_space<vmem>>, vector<16xf32>,
      %get3A_396 = vector.shape_cast %get3A_395 : vector<16xf32> to vector<16xf32>
      %add3A_397 = arith.addf %scan3A_388, %get3A_396 : vector<16xf32>
      %mul3A_398 = arith.constant 8 : i32
      %mul3A_399 = arith.muli %scan3A_387, %mul3A_398 : i32
      %add3A_400 = arith.constant 1 : i32
      %add3A_401 = arith.addi %mul3A_399, %add3A_400 : i32
      %mul3A_402 = arith.constant 16 : i32
      %mul3A_403 = arith.muli %add3A_401, %mul3A_402 : i32
      %get3A_404 = arith.index_cast %mul3A_403 : i32 to index
      %get3A_405 = tpu.vector_load %arg9[%get3A_404] {strides = array<i32>} : memref<4096xf32, #tpu.memory_space<vmem>>, vector<16xf32>,
      %get3A_406 = vector.shape_cast %get3A_405 : vector<16xf32> to vector<16xf32>
      %add3A_407 = arith.addf %add3A_397, %get3A_406 : vector<16xf32>
      %mul3A_408 = arith.constant 8 : i32
      %mul3A_409 = arith.muli %scan3A_387, %mul3A_408 : i32
      %add3A_410 = arith.constant 2 : i32
      %add3A_411 = arith.addi %mul3A_409, %add3A_410 : i32
      %mul3A_412 = arith.constant 16 : i32
      %mul3A_413 = arith.muli %add3A_411, %mul3A_412 : i32
      %get3A_414 = arith.index_cast %mul3A_413 : i32 to index
      %get3A_415 = tpu.vector_load %arg9[%get3A_414] {strides = array<i32>} : memref<4096xf32, #tpu.memory_space<vmem>>, vector<16xf32>,
      %get3A_416 = vector.shape_cast %get3A_415 : vector<16xf32> to vector<16xf32>
      %add3A_417 = arith.addf %add3A_407, %get3A_416 : vector<16xf32>
      %mul3A_418 = arith.constant 8 : i32
      %mul3A_419 = arith.muli %scan3A_387, %mul3A_418 : i32
      %add3A_420 = arith.constant 3 : i32
      %add3A_421 = arith.addi %mul3A_419, %add3A_420 : i32
      %mul3A_422 = arith.constant 16 : i32
      %mul3A_423 = arith.muli %add3A_421, %mul3A_422 : i32
      %get3A_424 = arith.index_cast %mul3A_423 : i32 to index
      %get3A_425 = tpu.vector_load %arg9[%get3A_424] {strides = array<i32>} : memref<4096xf32, #tpu.memory_space<vmem>>, vector<16xf32>,
      %get3A_426 = vector.shape_cast %get3A_425 : vector<16xf32> to vector<16xf32>
      %add3A_427 = arith.addf %add3A_417, %get3A_426 : vector<16xf32>
      %mul3A_428 = arith.constant 8 : i32
      %mul3A_429 = arith.muli %scan3A_387, %mul3A_428 : i32
      %add3A_430 = arith.constant 4 : i32
      %add3A_431 = arith.addi %mul3A_429, %add3A_430 : i32
      %mul3A_432 = arith.constant 16 : i32
      %mul3A_433 = arith.muli %add3A_431, %mul3A_432 : i32
      %get3A_434 = arith.index_cast %mul3A_433 : i32 to index
      %get3A_435 = tpu.vector_load %arg9[%get3A_434] {strides = array<i32>} : memref<4096xf32, #tpu.memory_space<vmem>>, vector<16xf32>,
      %get3A_436 = vector.shape_cast %get3A_435 : vector<16xf32> to vector<16xf32>
      %add3A_437 = arith.addf %add3A_427, %get3A_436 : vector<16xf32>
      %mul3A_438 = arith.constant 8 : i32
      %mul3A_439 = arith.muli %scan3A_387, %mul3A_438 : i32
      %add3A_440 = arith.constant 5 : i32
      %add3A_441 = arith.addi %mul3A_439, %add3A_440 : i32
      %mul3A_442 = arith.constant 16 : i32
      %mul3A_443 = arith.muli %add3A_441, %mul3A_442 : i32
      %get3A_444 = arith.index_cast %mul3A_443 : i32 to index
      %get3A_445 = tpu.vector_load %arg9[%get3A_444] {strides = array<i32>} : memref<4096xf32, #tpu.memory_space<vmem>>, vector<16xf32>,
      %get3A_446 = vector.shape_cast %get3A_445 : vector<16xf32> to vector<16xf32>
      %add3A_447 = arith.addf %add3A_437, %get3A_446 : vector<16xf32>
      %mul3A_448 = arith.constant 8 : i32
      %mul3A_449 = arith.muli %scan3A_387, %mul3A_448 : i32
      %add3A_450 = arith.constant 6 : i32
      %add3A_451 = arith.addi %mul3A_449, %add3A_450 : i32
      %mul3A_452 = arith.constant 16 : i32
      %mul3A_453 = arith.muli %add3A_451, %mul3A_452 : i32
      %get3A_454 = arith.index_cast %mul3A_453 : i32 to index
      %get3A_455 = tpu.vector_load %arg9[%get3A_454] {strides = array<i32>} : memref<4096xf32, #tpu.memory_space<vmem>>, vector<16xf32>,
      %get3A_456 = vector.shape_cast %get3A_455 : vector<16xf32> to vector<16xf32>
      %add3A_457 = arith.addf %add3A_447, %get3A_456 : vector<16xf32>
      %mul3A_458 = arith.constant 8 : i32
      %mul3A_459 = arith.muli %scan3A_387, %mul3A_458 : i32
      %add3A_460 = arith.constant 7 : i32
      %add3A_461 = arith.addi %mul3A_459, %add3A_460 : i32
      %mul3A_462 = arith.constant 16 : i32
      %mul3A_463 = arith.muli %add3A_461, %mul3A_462 : i32
      %get3A_464 = arith.index_cast %mul3A_463 : i32 to index
      %get3A_465 = tpu.vector_load %arg9[%get3A_464] {strides = array<i32>} : memref<4096xf32, #tpu.memory_space<vmem>>, vector<16xf32>,
      %get3A_466 = vector.shape_cast %get3A_465 : vector<16xf32> to vector<16xf32>
      %add3A_467 = arith.addf %add3A_457, %get3A_466 : vector<16xf32>
      scf.yield %add3A_467 : vector<16xf32>
    }
    %scan3A_363 = arith.constant 32 : i32
    %dma_wait3A_364 = arith.constant 0 : i32
    %dma_wait3A_365 = tpu.memref_slice %arg10[%dma_wait3A_364] : memref<4096xf32, #tpu.memory_space<vmem>> -> memref<2048xf32, #tpu.memory_space<vmem>>
    %dma_wait3A_366 = arith.constant 0 : i32
    %dma_wait3A_367 = tpu.memref_slice %arg8[%dma_wait3A_366] : memref<4096xi32, #tpu.memory_space<vmem>> -> memref<2048xi32, #tpu.memory_space<vmem>>
    %dma_wait3A_368 = arith.constant 0 : i32
    %dma_wait3A_369 = tpu.memref_slice %arg2[%dma_wait3A_368] : memref<100663296xf32, #tpu.memory_space<hbm>> -> memref<100663296xf32, #tpu.memory_space<hbm>>
    tpu.wait_indirect_dma semaphore(%arg14 : memref<!tpu.dma_semaphore, #tpu.memory_space<semaphore_mem>>) src(%dma_wait3A_369 : memref<100663296xf32, #tpu.memory_space<hbm>>) dst(%dma_wait3A_365 : memref<2048xf32, #tpu.memory_space<vmem>>)
    %dma_wait3A_370 = arith.constant 2048 : i32
    %dma_wait3A_371 = tpu.memref_slice %arg10[%dma_wait3A_370] : memref<4096xf32, #tpu.memory_space<vmem>> -> memref<2048xf32, #tpu.memory_space<vmem>>
    %dma_wait3A_372 = arith.constant 2048 : i32
    %dma_wait3A_373 = tpu.memref_slice %arg8[%dma_wait3A_372] : memref<4096xi32, #tpu.memory_space<vmem>> -> memref<2048xi32, #tpu.memory_space<vmem>>
    %dma_wait3A_374 = arith.constant 0 : i32
    %dma_wait3A_375 = tpu.memref_slice %arg2[%dma_wait3A_374] : memref<100663296xf32, #tpu.memory_space<hbm>> -> memref<100663296xf32, #tpu.memory_space<hbm>>
    tpu.wait_indirect_dma semaphore(%arg15 : memref<!tpu.dma_semaphore, #tpu.memory_space<semaphore_mem>>) src(%dma_wait3A_375 : memref<100663296xf32, #tpu.memory_space<hbm>>) dst(%dma_wait3A_371 : memref<2048xf32, #tpu.memory_space<vmem>>)
    %scan3A_376 = arith.constant 0 : i32
    %scan3A_377 = arith.constant 32 : i32
    %scan3A_378 = arith.addi %scan3A_376, %scan3A_377 : i32
    %scan3A_379 = arith.constant 1 : i32
    %scan3A_380 = scf.for %scan3A_387 = %scan3A_376 to %scan3A_378 step %scan3A_379 iter_args(%scan3A_388 = %scan3A_362) -> (vector<16xf32>)  : i32 {
      %mul3A_389 = arith.constant 8 : i32
      %mul3A_390 = arith.muli %scan3A_387, %mul3A_389 : i32
      %add3A_391 = arith.constant 0 : i32
      %add3A_392 = arith.addi %mul3A_390, %add3A_391 : i32
      %mul3A_393 = arith.constant 16 : i32
      %mul3A_394 = arith.muli %add3A_392, %mul3A_393 : i32
      %get3A = arith.index_cast %mul3A_394 : i32 to index
      %get3A_395 = tpu.vector_load %arg10[%get3A] {strides = array<i32>} : memref<4096xf32, #tpu.memory_space<vmem>>, vector<16xf32>,
      %get3A_396 = vector.shape_cast %get3A_395 : vector<16xf32> to vector<16xf32>
      %add3A_397 = arith.addf %scan3A_388, %get3A_396 : vector<16xf32>
      %mul3A_398 = arith.constant 8 : i32
      %mul3A_399 = arith.muli %scan3A_387, %mul3A_398 : i32
      %add3A_400 = arith.constant 1 : i32
      %add3A_401 = arith.addi %mul3A_399, %add3A_400 : i32
      %mul3A_402 = arith.constant 16 : i32
      %mul3A_403 = arith.muli %add3A_401, %mul3A_402 : i32
      %get3A_404 = arith.index_cast %mul3A_403 : i32 to index
      %get3A_405 = tpu.vector_load %arg10[%get3A_404] {strides = array<i32>} : memref<4096xf32, #tpu.memory_space<vmem>>, vector<16xf32>,
      %get3A_406 = vector.shape_cast %get3A_405 : vector<16xf32> to vector<16xf32>
      %add3A_407 = arith.addf %add3A_397, %get3A_406 : vector<16xf32>
      %mul3A_408 = arith.constant 8 : i32
      %mul3A_409 = arith.muli %scan3A_387, %mul3A_408 : i32
      %add3A_410 = arith.constant 2 : i32
      %add3A_411 = arith.addi %mul3A_409, %add3A_410 : i32
      %mul3A_412 = arith.constant 16 : i32
      %mul3A_413 = arith.muli %add3A_411, %mul3A_412 : i32
      %get3A_414 = arith.index_cast %mul3A_413 : i32 to index
      %get3A_415 = tpu.vector_load %arg10[%get3A_414] {strides = array<i32>} : memref<4096xf32, #tpu.memory_space<vmem>>, vector<16xf32>,
      %get3A_416 = vector.shape_cast %get3A_415 : vector<16xf32> to vector<16xf32>
      %add3A_417 = arith.addf %add3A_407, %get3A_416 : vector<16xf32>
      %mul3A_418 = arith.constant 8 : i32
      %mul3A_419 = arith.muli %scan3A_387, %mul3A_418 : i32
      %add3A_420 = arith.constant 3 : i32
      %add3A_421 = arith.addi %mul3A_419, %add3A_420 : i32
      %mul3A_422 = arith.constant 16 : i32
      %mul3A_423 = arith.muli %add3A_421, %mul3A_422 : i32
      %get3A_424 = arith.index_cast %mul3A_423 : i32 to index
      %get3A_425 = tpu.vector_load %arg10[%get3A_424] {strides = array<i32>} : memref<4096xf32, #tpu.memory_space<vmem>>, vector<16xf32>,
      %get3A_426 = vector.shape_cast %get3A_425 : vector<16xf32> to vector<16xf32>
      %add3A_427 = arith.addf %add3A_417, %get3A_426 : vector<16xf32>
      %mul3A_428 = arith.constant 8 : i32
      %mul3A_429 = arith.muli %scan3A_387, %mul3A_428 : i32
      %add3A_430 = arith.constant 4 : i32
      %add3A_431 = arith.addi %mul3A_429, %add3A_430 : i32
      %mul3A_432 = arith.constant 16 : i32
      %mul3A_433 = arith.muli %add3A_431, %mul3A_432 : i32
      %get3A_434 = arith.index_cast %mul3A_433 : i32 to index
      %get3A_435 = tpu.vector_load %arg10[%get3A_434] {strides = array<i32>} : memref<4096xf32, #tpu.memory_space<vmem>>, vector<16xf32>,
      %get3A_436 = vector.shape_cast %get3A_435 : vector<16xf32> to vector<16xf32>
      %add3A_437 = arith.addf %add3A_427, %get3A_436 : vector<16xf32>
      %mul3A_438 = arith.constant 8 : i32
      %mul3A_439 = arith.muli %scan3A_387, %mul3A_438 : i32
      %add3A_440 = arith.constant 5 : i32
      %add3A_441 = arith.addi %mul3A_439, %add3A_440 : i32
      %mul3A_442 = arith.constant 16 : i32
      %mul3A_443 = arith.muli %add3A_441, %mul3A_442 : i32
      %get3A_444 = arith.index_cast %mul3A_443 : i32 to index
      %get3A_445 = tpu.vector_load %arg10[%get3A_444] {strides = array<i32>} : memref<4096xf32, #tpu.memory_space<vmem>>, vector<16xf32>,
      %get3A_446 = vector.shape_cast %get3A_445 : vector<16xf32> to vector<16xf32>
      %add3A_447 = arith.addf %add3A_437, %get3A_446 : vector<16xf32>
      %mul3A_448 = arith.constant 8 : i32
      %mul3A_449 = arith.muli %scan3A_387, %mul3A_448 : i32
      %add3A_450 = arith.constant 6 : i32
      %add3A_451 = arith.addi %mul3A_449, %add3A_450 : i32
      %mul3A_452 = arith.constant 16 : i32
      %mul3A_453 = arith.muli %add3A_451, %mul3A_452 : i32
      %get3A_454 = arith.index_cast %mul3A_453 : i32 to index
      %get3A_455 = tpu.vector_load %arg10[%get3A_454] {strides = array<i32>} : memref<4096xf32, #tpu.memory_space<vmem>>, vector<16xf32>,
      %get3A_456 = vector.shape_cast %get3A_455 : vector<16xf32> to vector<16xf32>
      %add3A_457 = arith.addf %add3A_447, %get3A_456 : vector<16xf32>
      %mul3A_458 = arith.constant 8 : i32
      %mul3A_459 = arith.muli %scan3A_387, %mul3A_458 : i32
      %add3A_460 = arith.constant 7 : i32
      %add3A_461 = arith.addi %mul3A_459, %add3A_460 : i32
      %mul3A_462 = arith.constant 16 : i32
      %mul3A_463 = arith.muli %add3A_461, %mul3A_462 : i32
      %get3A_464 = arith.index_cast %mul3A_463 : i32 to index
      %get3A_465 = tpu.vector_load %arg10[%get3A_464] {strides = array<i32>} : memref<4096xf32, #tpu.memory_space<vmem>>, vector<16xf32>,
      %get3A_466 = vector.shape_cast %get3A_465 : vector<16xf32> to vector<16xf32>
      %add3A_467 = arith.addf %add3A_457, %get3A_466 : vector<16xf32>
      scf.yield %add3A_467 : vector<16xf32>
    }
    %scan3A_381 = arith.constant 32 : i32
    %swap3A = arith.constant 0 : index
    %swap3A_382 = tpu.vector_load %arg11[%swap3A] {strides = array<i32>} : memref<16xf32, #tpu.memory_space<vmem>>, vector<16xf32>,
    %swap3A_383 = vector.shape_cast %swap3A_382 : vector<16xf32> to vector<16xf32>
    %swap3A_384 = vector.shape_cast %scan3A_380 : vector<16xf32> to vector<16xf32>
    tpu.vector_store %arg11[%swap3A], %swap3A_384 {strides = array<i32>} : memref<16xf32, #tpu.memory_space<vmem>>, vector<16xf32>,
    %mul3A_385 = arith.constant 16 : i32
    %mul3A_386 = arith.muli %add3A, %mul3A_385 : i32
    "tpu.region"() ({
      %run_scoped3A = tpu.sem_alloc : memref<!tpu.dma_semaphore, #tpu.memory_space<semaphore_mem>>
      %dma_start3A_387 = tpu.memref_slice %arg4[%mul3A_386] : memref<512xf32, #tpu.memory_space<hbm>> -> memref<16xf32, #tpu.memory_space<hbm>>
      %dma_start3A_388 = tpu.memref_slice %arg4[%mul3A_386] : memref<512xf32, #tpu.memory_space<hbm>> -> memref<16xf32, #tpu.memory_space<hbm>>
      tpu.enqueue_dma source(%arg11 : memref<16xf32, #tpu.memory_space<vmem>>) target(%dma_start3A_388 : memref<16xf32, #tpu.memory_space<hbm>>) target_semaphore(%run_scoped3A : memref<!tpu.dma_semaphore, #tpu.memory_space<semaphore_mem>>)
      %dma_wait3A_389 = tpu.memref_slice %arg4[%mul3A_386] : memref<512xf32, #tpu.memory_space<hbm>> -> memref<16xf32, #tpu.memory_space<hbm>>
      %dma_wait3A_390 = tpu.memref_slice %arg4[%mul3A_386] : memref<512xf32, #tpu.memory_space<hbm>> -> memref<16xf32, #tpu.memory_space<hbm>>
      tpu.wait_dma2 semaphore(%run_scoped3A : memref<!tpu.dma_semaphore, #tpu.memory_space<semaphore_mem>>) src(%arg11 : memref<16xf32, #tpu.memory_space<vmem>>) dst(%dma_wait3A_390 : memref<16xf32, #tpu.memory_space<hbm>>)
      tpu.yield
    }) : () -> ()
    return
  }
}

</mosaic_0001>

<sc_bundles>
// kernel: _nll_sum.3.cloned.1.call-start
scs
__scs_entry_jumppad:
0x0: {  	(pc) =	sbr.rel $0x88, $3  }
0x1: {  	(tag) =	ssettag $0x0;
	lr =	simm.s32 $0x1  }
0x2: {  	[smem:$0x3F9F] =	sst lr;
	_ =	strace $0xD0000000  }
0x3: {  	_ = 	snop  }
0x4: {  	_ = 	snop  }
0x5: {  	_ = 	snop  }
0x6: {  	_ = 	snop  }
0x7: {  	_ = 	snop  }
__scs_overlays_trampoline_lowered:
0x8: {  	[smem:$0x3FAE] =	sst s0  }
0x9: {  	[smem:$0x3FAF] =	sst s1  }
0xa: {  	[smem:$0x3FB0] =	sst s2  }
0xb: {  	[smem:$0x3FB1] =	sst s3  }
0xc: {  	[smem:$0x3FB2] =	sst s4  }
0xd: {  	[smem:$0x3FB3] =	sst s5  }
0xe: {  	[smem:$0x3FB4] =	sst s6  }
0xf: {  	[smem:$0x3FB5] =	sst s7  }
0x10: {  	[smem:$0x3FB6] =	sst s8  }
0x11: {  	[smem:$0x3FB7] =	sst s9;
	s0 =	simm.s32 @!p0 $0x0  }
0x12: {  	s1 =	sld [smem:$0x3F9D];
	s0 =	simm.s32 @p0 $0x1  }
0x13: {  	[smem:$0x3FB8] =	sst s0;
	s0 =	simm.s32 @!p1 $0x0  }
0x14: {  	s2 =	sld [smem:$0x3F9C];
	s0 =	simm.s32 @p1 $0x1  }
0x15: {  	[smem:$0x3FB9] =	sst s0;
	s0 =	simm.s32 @!p2 $0x0  }
0x16: {  	s3 =	sld [smem:$0x3FDB];
	s0 =	simm.s32 @p2 $0x1  }
0x17: {  	s4 =	simm.s32 $0x1BF5;
	[smem:$0x3FBB] =	sst s0  }
0x18: {  	s0 =	sld [smem:$0x3F9E];
	_ =	swait.ge [sflag:s4], $0x0  }
0x19: {  	s7 =	sld [smem:$0x3F9F]  }
0x1a: {  	s8 =	sadd.s32 $0xFFFFE003, lr  }
0x1b: {  	s9 =	sadd.s32 $0xFFFFFEF7, lr;
	s5 =	simm.s32 $0xFFFFFFFF;
	p2 =	slt.u32 s8, $0xFFFFF086  }
0x1c: {  	p1 =	slt.u32 s9, $0xF7A;
	s5 =	simm.s32 @!p2 $0x0  }
0x1d: {  	s5 =	simm.s32 @p1 $0x1;
	p0 =	seq.s32 s7, s2  }
0x1e: {  	s7 =	smul.u32 @!p0 $0xF7A, s2;
	p2 =	seq.s32 @!p0 s5, $0x0  }
0x1f: {  	s9 =	smul.u32 $0xF7A, s1;
	s8 =	simm.s32 @!p0 $0x1BF5;
	p2 =	por !p2, p0  }
0x20: {  	[sflag:s8] =	ssyncset.s32 @!p0 $0xFFFFF086;
	s6 =	sadd.s32 @!p0 s3, s7;
	s7 =	simm.s32 @!p0 $0x108  }
0x21: {  	s3 =	sadd.s32 s3, s9;
	s6 =	sadd.s32 @!p0 $0x88, s6;
	s7 =	simm.s32 @p2 $0x1082  }
0x22: {  	[simem:s7], [sflag:s8] =	dma.local @!p0 [hbm:s6], $0xF7A  }
0x23: {  	s9 =	sor.u32 $0xD0000000, s2;
	s6 =	simm.s32 $0x108;
	_ =	swait.ge @!p0 [sflag:s8], $0x0  }
0x24: {  	s3 =	sadd.s32 $0x88, s3;
	s6 =	simm.s32 @!p1 $0x1082;
	[sflag:s4] =	ssyncset.s32 $0xFFFFF086  }
0x25: {  	[simem:s6], [sflag:s4] =	dma.local [hbm:s3], $0xF7A  }
0x26: {  	[smem:$0x3F9F] =	sst s1;
	(tag) =	ssettag s2;
	_ =	strace s9  }
0x27: {  	s1 =	sld [smem:$0x3FAF]  }
0x28: {  	s2 =	sld [smem:$0x3FB0]  }
0x29: {  	s4 =	sld [smem:$0x3FB2]  }
0x2a: {  	p0 =	seq.s32 s5, $0x0;
	s5 =	sld [smem:$0x3FB3]  }
0x2b: {  	s6 =	sld [smem:$0x3FB4]  }
0x2c: {  	s7 =	sld [smem:$0x3FB5]  }
0x2d: {  	s3 =	simm.s32 $0x108;
	s8 =	sld [smem:$0x3FB6]  }
0x2e: {  	s3 =	simm.s32 @!p0 $0x1082;
	s9 =	sld [smem:$0x3FB7]  }
0x2f: {  	lr =	sadd.s32 s0, s3;
	s0 =	sld [smem:$0x3FAE]  }
0x30: {  	s3 =	sld [smem:$0x3FB1]  }
0x31: {  	[smem:$0x3FBA] =	sst s10  }
0x32: {  	s10 =	sld [smem:$0x3FB8];
	_ =	sdelay $0x3  }
0x33: {  	p0 =	seq.s32 s10, $0x1;
	s10 =	sld [smem:$0x3FBA];
	_ =	sdelay $0x3  }
0x34: {  	[smem:$0x3FBA] =	sst s10  }
0x35: {  	s10 =	sld [smem:$0x3FB9];
	_ =	sdelay $0x3  }
0x36: {  	p1 =	seq.s32 s10, $0x1;
	s10 =	sld [smem:$0x3FBA];
	_ =	sdelay $0x3  }
0x37: {  	[smem:$0x3FBA] =	sst s10  }
0x38: {  	s10 =	sld [smem:$0x3FBB]  }
0x39: {  	_ = 	snop;
	(pc) =	sbr.ind lr, $3  }
0x3a: {  	_ = 	snop  }
0x3b: {  	_ = 	snop  }
0x3c: {  	p2 =	seq.s32 s10, $0x1;
	s10 =	sld [smem:$0x3FBA]  }
0x3d: {  	_ =	shalt  }
0x3e: {  	_ =	shalt  }
0x3f: {  	_ =	shalt  }
0x40: {  	_ =	shalt  }
0x41: {  	_ =	shalt  }
0x42: {  	_ =	shalt  }
0x43: {  	_ =	shalt  }
0x44: {  	_ =	shalt  }
0x45: {  	_ =	shalt  }
0x46: {  	_ =	shalt  }
0x47: {  	_ =	shalt  }
0x48: {  	_ =	shalt  }
0x49: {  	_ =	shalt  }
0x4a: {  	_ =	shalt  }
0x4b: {  	_ =	shalt  }
0x4c: {  	_ =	shalt  }
0x4d: {  	_ =	shalt  }
0x4e: {  	_ =	shalt  }
0x4f: {  	_ =	shalt  }
0x50: {  	_ =	shalt  }
0x51: {  	_ =	shalt  }
0x52: {  	_ =	shalt  }
0x53: {  	_ =	shalt  }
0x54: {  	_ =	shalt  }
0x55: {  	_ =	shalt  }
0x56: {  	_ =	shalt  }
0x57: {  	_ =	shalt  }
0x58: {  	_ =	shalt  }
0x59: {  	_ =	shalt  }
0x5a: {  	_ =	shalt  }
0x5b: {  	_ =	shalt  }
0x5c: {  	_ =	shalt  }
0x5d: {  	_ =	shalt  }
0x5e: {  	_ =	shalt  }
0x5f: {  	_ =	shalt  }
0x60: {  	_ =	shalt  }
0x61: {  	_ =	shalt  }
0x62: {  	_ =	shalt  }
0x63: {  	_ =	shalt  }
0x64: {  	_ =	shalt  }
0x65: {  	_ =	shalt  }
0x66: {  	_ =	shalt  }
0x67: {  	_ =	shalt  }
0x68: {  	_ =	shalt  }
0x69: {  	_ =	shalt  }
0x6a: {  	_ =	shalt  }
0x6b: {  	_ =	shalt  }
0x6c: {  	_ =	shalt  }
0x6d: {  	_ =	shalt  }
0x6e: {  	_ =	shalt  }
0x6f: {  	_ =	shalt  }
0x70: {  	_ =	shalt  }
0x71: {  	_ =	shalt  }
0x72: {  	_ =	shalt  }
0x73: {  	_ =	shalt  }
0x74: {  	_ =	shalt  }
0x75: {  	_ =	shalt  }
0x76: {  	_ =	shalt  }
0x77: {  	_ =	shalt  }
0x78: {  	_ =	shalt  }
0x79: {  	_ =	shalt  }
0x7a: {  	_ =	shalt  }
0x7b: {  	_ =	shalt  }
0x7c: {  	_ =	shalt  }
0x7d: {  	_ =	shalt  }
0x7e: {  	_ =	shalt  }
0x7f: {  	_ =	shalt  }
0x80: {  	_ =	shalt  }
0x81: {  	_ =	shalt  }
0x82: {  	_ =	shalt  }
0x83: {  	_ =	shalt  }
0x84: {  	_ =	shalt  }
0x85: {  	_ =	shalt  }
0x86: {  	_ =	shalt  }
0x87: {  	_ =	shalt  }
.Lfunc_end0:
.L_simem_size_0:
called_computation_lowered:
.L_overlay_start_0:
0x88: {  	s2 =	sld [smem:$0x3FD9]  }
0x89: {  	s3 =	sld [smem:$0x3FFE];
	_ =	sdelay $0x1  }
0x8a: {  	s1 =	srdreg.scid  }
0x8b: {  	s0 =	sand.u32 $0x1, s1  }
0x8c: {  	s18 =	sshll.u32 s0, $0xA;
	s2 =	sadd.s32 s3, s2  }
0x8d: {  	s2 =	sadd.s32 s2, s18  }
0x8e: {  	[smem:$0x3FC6] =	sst s2  }
0x8f: {  	_ = 	snop  }
0x90: {  	s2 =	sld [smem:$0x3FC9]  }
0x91: {  	s19 =	sld [smem:$0x3FC8]  }
0x92: {  	s4 =	sld [smem:$0x3FD0];
	(tm) =	ssettm $0x1  }
0x93: {  	s5 =	sld [smem:$0x3FFB];
	_ =	sdelay $0x3  }
0x94: {  	_ =	strace s5  }
0x95: {  	s5 =	sld [smem:$0x3FFC];
	_ =	sdelay $0x3  }
0x96: {  	_ =	strace s5  }
0x97: {  	s5 =	sld [smem:$0x3FFD];
	_ =	sdelay $0x3  }
0x98: {  	_ =	strace s5  }
0x99: {  	_ =	strace $0x8FFFFFFF  }
0x9a: {  	s20 =	sld [smem:$0x3FDB];
	_ =	sdelay $0x1  }
0x9b: {  	s6 =	simm.s32 $_scs_section_size  }
0x9c: {  	s7 =	simm.s32 $_size__tile_overlayer_lowered;
	s8 =	simm.s32 $_tile_overlayer_lowered  }
0x9d: {  	s23 =	simm.s32 $0x1BFF;
	s22 =	sshll.u32 s8, $0x1;
	s5 =	sadd.s32 s6, s20  }
0x9e: {  	s9 =	simm.s32 $0x0;
	s21 =	sshll.u32 s7, $0x1;
	s7 =	sadd.s32 s22, s5  }
0x9f: {  	[timem:s9], [sflag:s23] =	dma.local [hbm:s7], s21  }
0xa0: {  	_ =	swait.ge [sflag:s23], s21  }
0xa1: {  	s6 =	ssub.s32 $0x0, s21;
	[sflag:s23] =	ssyncset.done $0x0  }
0xa2: {  	[sflag:s23] =	ssyncadd.s32 s6;
	_ =	sdelay $0x1  }
0xa3: {  	s24 =	simm.s32 $0x1B8B  }
0xa4: {  	_ =	swait.ge [sflag:s24], $0x1  }
0xa5: {  	[sflag:s24] =	ssyncset.done $0x0  }
0xa6: {  	s25 =	simm.s32 $0x1B8E;
	[sflag:s24] =	ssyncadd.s32 $0xFFFFFFFF  }
0xa7: {  	s26 =	simm.s32 $execute0_lowered;
	[smem:$0x3FD2] =	sst s25  }
0xa8: {  	s6 =	sshll.u32 s26, $0x1;
	_ =	strace $0x80000046;
	[dreg:$0x1] =	wrdreg $0xFFFFFFFF  }
0xa9: {  	s28 =	simm.s32 $_size_execute0_lowered;
	s5 =	sadd.s32 s5, s6;
	[dreg:$0x0] =	wrdreg $0x0  }
0xaa: {  	s6 =	sshll.u32 s28, $0x1;
	[dreg:$0x2] =	wrdreg s5  }
0xab: {  	[dreg:$0x3] =	wrdreg s6  }
0xac: {  	[dreg:$0x4] =	wrdreg $0xC0  }
0xad: {  	_ =	task [dreg:s9], $0x5FFFF  }
0xae: {  	[dreg:$0x1] =	wrdreg $0xFFFFFFFF  }
0xaf: {  	[dreg:$0x0] =	wrdreg $0x60  }
0xb0: {  	[dreg:$0x2] =	wrdreg s2  }
0xb1: {  	[dreg:$0x3] =	wrdreg s19  }
0xb2: {  	[dreg:$0x4] =	wrdreg s4  }
0xb3: {  	[dreg:$0x5] =	wrdreg $0x9  }
0xb4: {  	_ =	task.clear_ibuf [dreg:s9], $0x6FFFF;
	_ =	strace $0x90000046  }
0xb5: {  	s29 =	simm.s32 $0x9;
	_ =	strace $0x80000048  }
0xb6: {  	_ =	swait.ge [sflag:s29], $0x1  }
0xb7: {  	[sflag:s29] =	ssyncadd.s32 $0xFFFFFFFF  }
0xb8: {  	_ =	strace $0x90000048  }
0xb9: {  	_ =	sfence  }
0xba: {  	s30 =	sld [smem:$0x0];
	_ =	sdelay $0x2  }
0xbb: {  	s31 =	sshll.u32 s1, $0xD;
	s1 =	sshrl.u32 s1, $0x2  }
0xbc: {  	s3 =	sand.u32 $0x4000, s31;
	s1 =	sadd.s32 s1, s30  }
0xbd: {  	s0 =	sor.u32 s3, s0;
	s1 =	sshll.u32 s1, $0x11  }
0xbe: {  	s0 =	sor.u32 s1, s0  }
0xbf: {  	s0 =	sadd.s32 $0x8F2B, s0  }
0xc0: {  	[sflag:s0] =	ssyncadd.remote.s32 $0x1  }
0xc1: {  	_ =	sfence.sel $0xFFFF  }
0xc2: {  	[dreg:$0x0] =	wrdreg $0xFFFFFFFF;
	(pc) =	sbr.abs _section_cstart, $3  }
0xc3: {  	[dreg:$0x1] =	wrdreg $0xFFFFFFFF  }
0xc4: {  	_ =	task.clear_ibuf [dreg:s9], $0x2FFFF;
	_ =	strace $0x9FFFFFFF  }
0xc5: {  	(tm) =	ssettm $0x7FFFFFFF  }
tec
execute0_lowered:
.L_overlay_start_1:
0x0: {  	(tag) =	ssettag $0x1  }
0x1: {  	s1 =	rddreg [dreg:$0x0]  }
0x2: {  	s0 =	rddreg [dreg:$0x1]  }
0x3: {  	s2 =	rddreg [dreg:$0x2];
	s3 =	simm.s32 $0x0;
	s4 =	srdreg.scid  }
0x4: {  	s10 =	stileid.u32;
	s15 =	simm.s32 $0x1000;
	s28 =	simm.s32 $0x1  }
0x5: {  	s29 =	simm.s32 $0x2;
	s30 =	simm.s32 $0x3;
	s31 =	simm.s32 $0x4  }
0x6: {  	[smem:$0x7FF] =	sst s3;
	s5 =	sand.u32 $0x1, s4;
	s16 =	sshll.u32 s10, $0x1  }
0x7: {  	s8 =	sshrl.u32 s10, $0x2;
	s24 =	sshll.u32 s10, $0x10;
	_ =	strace $0x80000047  }
0x8: {  	s6 =	ssub.s32 $0x2, s5;
	s7 =	sor.u32 s5, s16;
	s8 =	smul.u32 $0x17C0000, s8  }
0x9: {  	s26 =	sshll.u32 s5, $0xF;
	s16 =	simm.s32 $0x5;
	s17 =	sshrl.u32 s6, $0x1  }
0xa: {  	s9 =	sshll.u32 s7, $0xC;
	s23 =	sshll.u32 s7, $0x1;
	s6 =	ssub.s32 s6, s17  }
0xb: {  	s4 =	sadd.s32 s0, s9;
	s12 =	sadd.s32 s2, s23;
	s25 =	sadd.s32 s24, s8  }
0xc: {  	s17 =	simm.s32 $0x800;
	s23 =	simm.s32 $0x3000;
	s0 =	sadd.s32 $0x200, s4  }
0xd: {  	s24 =	simm.s32 $0x5000;
	s18 =	sadd.s32 $0x400, s4;
	[dreg:$0x4] =	wrdreg s0  }
0xe: {  	s2 =	simm.s32 $0x7;
	s19 =	sadd.s32 $0x600, s4;
	[dreg:$0x5] =	wrdreg s18  }
0xf: {  	s20 =	sadd.s32 $0x800, s4;
	s21 =	sadd.s32 $0xA00, s4;
	[dreg:$0x6] =	wrdreg s19  }
0x10: {  	s22 =	sadd.s32 $0xC00, s4;
	s11 =	sadd.s32 $0xE00, s4;
	[dreg:$0x7] =	wrdreg s20  }
0x11: {  	s13 =	smax.u32 s6, $0x1;
	s14 =	sor.u32 s26, s25;
	[dreg:$0x8] =	wrdreg s21  }
0x12: {  	s25 =	simm.s32 $0x3800;
	s26 =	simm.s32 $0x5800;
	[dreg:$0x9] =	wrdreg s22  }
0x13: {  	s18 =	simm.s32 $0x2000;
	s19 =	simm.s32 $0x4000;
	s20 =	simm.s32 $0x2800  }
0x14: {  	v0 =	vlaneseq.u32;
	s21 =	simm.s32 $0x4800;
	s22 =	simm.s32 $0x6;
	s0 =	simm.s32 $0x0  }
.LBB2_1:
0x15: {  	[tilespmem:s3], [sflag:$0x5] =	stream.linear.gather [hbm4b:s4+s3], $0x1000, $0x38;
	[tilespmem:$0x6080] =	vst v63  }
0x16: {  	s5 =	rddreg [dreg:$0x4]  }
0x17: {  	[tilespmem:s15], [sflag:$0x6] =	stream.linear.gather [hbm4b:s5+s3], $0x1000, $0x38;
	[tilespmem:$0x6080] =	vst v63  }
0x18: {  	_ =	swait.ge [sflag:s16], $0x1000  }
0x19: {  	[sflag:s16] =	ssyncset.done $0x0  }
0x1a: {  	s6 =	simm.s32 $0x40;
	[sflag:s16] =	ssyncadd.s32 $0xFFFFF000  }
0x1b: {  	v1 =	vld [tilespmem:s6+$0xFFFFFFC0];
	_ =	sdelay $0x4  }
0x1c: {  	s7 =	sadd.s32 $0x0, s14;
	v1 =	vshll.u32 v1, $0x12  }
0x1d: {  	v1 =	vadd.s32 s7, v1  }
0x1e: {  	s5 =	simm.s32 $0x2040;
	v1 =	vor.u32 v0, v1  }
0x1f: {  	[tilespmem:s5+$0xFFFFFFC0] =	vst v1  }
0x20: {  	v1 =	vld [tilespmem:s6+$0xFFFFFFD0];
	_ =	sdelay $0x4  }
0x21: {  	s8 =	sadd.s32 $0x10, s7;
	v1 =	vshll.u32 v1, $0x12  }
0x22: {  	v1 =	vadd.s32 s8, v1  }
0x23: {  	v1 =	vor.u32 v0, v1  }
0x24: {  	[tilespmem:s5+$0xFFFFFFD0] =	vst v1  }
0x25: {  	v1 =	vld [tilespmem:s6+$0xFFFFFFE0];
	_ =	sdelay $0x4  }
0x26: {  	s9 =	sadd.s32 $0x20, s7;
	v1 =	vshll.u32 v1, $0x12  }
0x27: {  	v1 =	vadd.s32 s9, v1  }
0x28: {  	v1 =	vor.u32 v0, v1  }
0x29: {  	[tilespmem:s5+$0xFFFFFFE0] =	vst v1  }
0x2a: {  	v1 =	vld [tilespmem:s6+$0xFFFFFFF0];
	_ =	sdelay $0x4  }
0x2b: {  	s10 =	sadd.s32 $0x30, s7;
	v1 =	vshll.u32 v1, $0x12  }
0x2c: {  	v1 =	vadd.s32 s10, v1  }
0x2d: {  	v1 =	vor.u32 v0, v1  }
0x2e: {  	[tilespmem:s5+$0xFFFFFFF0] =	vst v1  }
0x2f: {  	v1 =	vld [tilespmem:s6+$0x0];
	_ =	sdelay $0x4  }
0x30: {  	s9 =	sadd.s32 $0x40, s7;
	v1 =	vshll.u32 v1, $0x12  }
0x31: {  	v1 =	vadd.s32 s9, v1  }
0x32: {  	v1 =	vor.u32 v0, v1  }
0x33: {  	[tilespmem:s5+$0x0] =	vst v1  }
0x34: {  	v1 =	vld [tilespmem:s6+$0x10];
	_ =	sdelay $0x4  }
0x35: {  	s10 =	sadd.s32 $0x50, s7;
	v1 =	vshll.u32 v1, $0x12  }
0x36: {  	v1 =	vadd.s32 s10, v1  }
0x37: {  	v1 =	vor.u32 v0, v1  }
0x38: {  	[tilespmem:s5+$0x10] =	vst v1  }
0x39: {  	v1 =	vld [tilespmem:s6+$0x20];
	_ =	sdelay $0x4  }
0x3a: {  	s9 =	sadd.s32 $0x60, s7;
	v1 =	vshll.u32 v1, $0x12  }
0x3b: {  	v1 =	vadd.s32 s9, v1  }
0x3c: {  	v1 =	vor.u32 v0, v1  }
0x3d: {  	[tilespmem:s5+$0x20] =	vst v1  }
0x3e: {  	v1 =	vld [tilespmem:s6+$0x30];
	_ =	sdelay $0x4  }
0x3f: {  	s10 =	sadd.s32 $0x70, s7;
	v1 =	vshll.u32 v1, $0x12  }
0x40: {  	v1 =	vadd.s32 s10, v1  }
0x41: {  	v1 =	vor.u32 v0, v1  }
0x42: {  	s6 =	simm.s32 $0xC0;
	[tilespmem:s5+$0x30] =	vst v1  }
0x43: {  	s8 =	simm.s32 $0x100;
	s7 =	simm.s32 $0x80;
	v1 =	vld [tilespmem:s6+$0xFFFFFFC0]  }
.LBB2_2:
0x44: {  	p0 =	sne.s32 s8, $0xF80;
	_ =	sdelay $0x3  }
0x45: {  	s9 =	sadd.s32 s7, s14;
	s7 =	smov.u32 s8;
	v1 =	vshll.u32 v1, $0x12  }
0x46: {  	v1 =	vadd.s32 s9, v1  }
0x47: {  	s5 =	sadd.s32 $0x80, s5;
	v1 =	vor.u32 v0, v1  }
0x48: {  	[tilespmem:s5+$0xFFFFFFC0] =	vst v1  }
0x49: {  	v1 =	vld [tilespmem:s6+$0xFFFFFFD0];
	_ =	sdelay $0x4  }
0x4a: {  	s10 =	sadd.s32 $0x10, s9;
	v1 =	vshll.u32 v1, $0x12  }
0x4b: {  	v1 =	vadd.s32 s10, v1  }
0x4c: {  	v1 =	vor.u32 v0, v1  }
0x4d: {  	[tilespmem:s5+$0xFFFFFFD0] =	vst v1  }
0x4e: {  	v1 =	vld [tilespmem:s6+$0xFFFFFFE0];
	_ =	sdelay $0x4  }
0x4f: {  	s10 =	sadd.s32 $0x20, s9;
	v1 =	vshll.u32 v1, $0x12  }
0x50: {  	v1 =	vadd.s32 s10, v1  }
0x51: {  	v1 =	vor.u32 v0, v1  }
0x52: {  	[tilespmem:s5+$0xFFFFFFE0] =	vst v1  }
0x53: {  	v1 =	vld [tilespmem:s6+$0xFFFFFFF0];
	_ =	sdelay $0x4  }
0x54: {  	s10 =	sadd.s32 $0x30, s9;
	v1 =	vshll.u32 v1, $0x12  }
0x55: {  	v1 =	vadd.s32 s10, v1  }
0x56: {  	v1 =	vor.u32 v0, v1  }
0x57: {  	[tilespmem:s5+$0xFFFFFFF0] =	vst v1  }
0x58: {  	v1 =	vld [tilespmem:s6+$0x0];
	_ =	sdelay $0x4  }
0x59: {  	s10 =	sadd.s32 $0x40, s9;
	v1 =	vshll.u32 v1, $0x12  }
0x5a: {  	v1 =	vadd.s32 s10, v1  }
0x5b: {  	v1 =	vor.u32 v0, v1  }
0x5c: {  	[tilespmem:s5+$0x0] =	vst v1  }
0x5d: {  	v1 =	vld [tilespmem:s6+$0x10];
	_ =	sdelay $0x4  }
0x5e: {  	s10 =	sadd.s32 $0x50, s9;
	v1 =	vshll.u32 v1, $0x12  }
0x5f: {  	v1 =	vadd.s32 s10, v1  }
0x60: {  	v1 =	vor.u32 v0, v1  }
0x61: {  	[tilespmem:s5+$0x10] =	vst v1  }
0x62: {  	v1 =	vld [tilespmem:s6+$0x20];
	_ =	sdelay $0x4  }
0x63: {  	s10 =	sadd.s32 $0x60, s9;
	v1 =	vshll.u32 v1, $0x12  }
0x64: {  	v1 =	vadd.s32 s10, v1  }
0x65: {  	v1 =	vor.u32 v0, v1  }
0x66: {  	[tilespmem:s5+$0x20] =	vst v1  }
0x67: {  	v1 =	vld [tilespmem:s6+$0x30];
	_ =	sdelay $0x4  }
.Ltmp0:
0x68: {  	s9 =	sadd.s32 $0x70, s9;
	v1 =	vshll.u32 v1, $0x12;
	(pc) =	sbr.rel @p0 .LBB2_2-.Ltmp0, $4  }
0x69: {  	v1 =	vadd.s32 s9, v1  }
0x6a: {  	v1 =	vor.u32 v0, v1  }
0x6b: {  	s6 =	sadd.s32 $0x80, s6;
	[tilespmem:s5+$0x30] =	vst v1  }
0x6c: {  	s8 =	sadd.s32 $0x80, s8;
	v1 =	vld [tilespmem:s6+$0xFFFFFFC0]  }
0x6d: {  	_ =	sdelay $0x3  }
0x6e: {  	s7 =	sadd.s32 s7, s14;
	v1 =	vshll.u32 v1, $0x12  }
0x6f: {  	v1 =	vadd.s32 s7, v1  }
0x70: {  	s5 =	sadd.s32 $0x80, s5;
	v1 =	vor.u32 v0, v1  }
0x71: {  	[tilespmem:s5+$0xFFFFFFC0] =	vst v1  }
0x72: {  	v1 =	vld [tilespmem:s6+$0xFFFFFFD0];
	_ =	sdelay $0x4  }
0x73: {  	s8 =	sadd.s32 $0x10, s7;
	v1 =	vshll.u32 v1, $0x12  }
0x74: {  	v1 =	vadd.s32 s8, v1  }
0x75: {  	v1 =	vor.u32 v0, v1  }
0x76: {  	[tilespmem:s5+$0xFFFFFFD0] =	vst v1  }
0x77: {  	v1 =	vld [tilespmem:s6+$0xFFFFFFE0];
	_ =	sdelay $0x4  }
0x78: {  	s9 =	sadd.s32 $0x20, s7;
	v1 =	vshll.u32 v1, $0x12  }
0x79: {  	v1 =	vadd.s32 s9, v1  }
0x7a: {  	v1 =	vor.u32 v0, v1  }
0x7b: {  	[tilespmem:s5+$0xFFFFFFE0] =	vst v1  }
0x7c: {  	v1 =	vld [tilespmem:s6+$0xFFFFFFF0];
	_ =	sdelay $0x4  }
0x7d: {  	s10 =	sadd.s32 $0x30, s7;
	v1 =	vshll.u32 v1, $0x12  }
0x7e: {  	v1 =	vadd.s32 s10, v1  }
0x7f: {  	v1 =	vor.u32 v0, v1  }
0x80: {  	[tilespmem:s5+$0xFFFFFFF0] =	vst v1  }
0x81: {  	v1 =	vld [tilespmem:s6+$0x0];
	_ =	sdelay $0x4  }
0x82: {  	s9 =	sadd.s32 $0x40, s7;
	v1 =	vshll.u32 v1, $0x12  }
0x83: {  	v1 =	vadd.s32 s9, v1  }
0x84: {  	v1 =	vor.u32 v0, v1  }
0x85: {  	[tilespmem:s5+$0x0] =	vst v1  }
0x86: {  	v1 =	vld [tilespmem:s6+$0x10];
	_ =	sdelay $0x4  }
0x87: {  	s10 =	sadd.s32 $0x50, s7;
	v1 =	vshll.u32 v1, $0x12  }
0x88: {  	v1 =	vadd.s32 s10, v1  }
0x89: {  	v1 =	vor.u32 v0, v1  }
0x8a: {  	[tilespmem:s5+$0x10] =	vst v1  }
0x8b: {  	v1 =	vld [tilespmem:s6+$0x20];
	_ =	sdelay $0x4  }
0x8c: {  	s9 =	sadd.s32 $0x60, s7;
	v1 =	vshll.u32 v1, $0x12  }
0x8d: {  	v1 =	vadd.s32 s9, v1  }
0x8e: {  	v1 =	vor.u32 v0, v1  }
0x8f: {  	[tilespmem:s5+$0x20] =	vst v1  }
0x90: {  	v1 =	vld [tilespmem:s6+$0x30];
	_ =	sdelay $0x4  }
0x91: {  	s10 =	sadd.s32 $0x70, s7;
	v1 =	vshll.u32 v1, $0x12  }
0x92: {  	v1 =	vadd.s32 s10, v1  }
0x93: {  	v1 =	vor.u32 v0, v1  }
0x94: {  	[tilespmem:s5+$0x30] =	vst v1  }
0x95: {  	[tilespmem:s19], [sflag:$0x1] =	stream.indirect.gather [hbm4b:s1+s17], $0x1, s18, s17, $0xb8;
	[tilespmem:$0x6080] =	vst v63  }
0x96: {  	_ = 	snop  }
0x97: {  	[tilespmem:s21], [sflag:$0x2] =	stream.indirect.gather [hbm4b:s1+s17], $0x1, s20, s17, $0xb8;
	[tilespmem:$0x6080] =	vst v63  }
0x98: {  	_ =	swait.ge [sflag:s22], $0x1000  }
0x99: {  	s7 =	simm.s32 $0x0;
	[sflag:s22] =	ssyncset.done $0x0  }
0x9a: {  	s6 =	simm.s32 $0x1040;
	s8 =	rddreg [dreg:$0x5];
	[sflag:s22] =	ssyncadd.s32 $0xFFFFF000  }
0x9b: {  	[tilespmem:s7], [sflag:$0x5] =	stream.linear.gather [hbm4b:s8+s7], $0x1000, $0x38;
	[tilespmem:$0x6080] =	vst v63  }
0x9c: {  	v1 =	vld [tilespmem:s6+$0xFFFFFFC0];
	_ =	sdelay $0x3  }
0x9d: {  	s7 =	sadd.s32 $0x0, s14  }
0x9e: {  	s9 =	sadd.s32 $0x1000, s7;
	v1 =	vshll.u32 v1, $0x12  }
0x9f: {  	v1 =	vadd.s32 s9, v1  }
0xa0: {  	s5 =	simm.s32 $0x3040;
	v1 =	vor.u32 v0, v1  }
0xa1: {  	[tilespmem:s5+$0xFFFFFFC0] =	vst v1  }
0xa2: {  	v1 =	vld [tilespmem:s6+$0xFFFFFFD0];
	_ =	sdelay $0x4  }
0xa3: {  	s10 =	sadd.s32 $0x1010, s7;
	v1 =	vshll.u32 v1, $0x12  }
0xa4: {  	v1 =	vadd.s32 s10, v1  }
0xa5: {  	v1 =	vor.u32 v0, v1  }
0xa6: {  	[tilespmem:s5+$0xFFFFFFD0] =	vst v1  }
0xa7: {  	v1 =	vld [tilespmem:s6+$0xFFFFFFE0];
	_ =	sdelay $0x4  }
0xa8: {  	s9 =	sadd.s32 $0x1020, s7;
	v1 =	vshll.u32 v1, $0x12  }
0xa9: {  	v1 =	vadd.s32 s9, v1  }
0xaa: {  	v1 =	vor.u32 v0, v1  }
0xab: {  	[tilespmem:s5+$0xFFFFFFE0] =	vst v1  }
0xac: {  	v1 =	vld [tilespmem:s6+$0xFFFFFFF0];
	_ =	sdelay $0x4  }
0xad: {  	s10 =	sadd.s32 $0x1030, s7;
	v1 =	vshll.u32 v1, $0x12  }
0xae: {  	v1 =	vadd.s32 s10, v1  }
0xaf: {  	v1 =	vor.u32 v0, v1  }
0xb0: {  	[tilespmem:s5+$0xFFFFFFF0] =	vst v1  }
0xb1: {  	v1 =	vld [tilespmem:s6+$0x0];
	_ =	sdelay $0x4  }
0xb2: {  	s9 =	sadd.s32 $0x1040, s7;
	v1 =	vshll.u32 v1, $0x12  }
0xb3: {  	v1 =	vadd.s32 s9, v1  }
0xb4: {  	v1 =	vor.u32 v0, v1  }
0xb5: {  	[tilespmem:s5+$0x0] =	vst v1  }
0xb6: {  	v1 =	vld [tilespmem:s6+$0x10];
	_ =	sdelay $0x4  }
0xb7: {  	s10 =	sadd.s32 $0x1050, s7;
	v1 =	vshll.u32 v1, $0x12  }
0xb8: {  	v1 =	vadd.s32 s10, v1  }
0xb9: {  	v1 =	vor.u32 v0, v1  }
0xba: {  	[tilespmem:s5+$0x10] =	vst v1  }
0xbb: {  	v1 =	vld [tilespmem:s6+$0x20];
	_ =	sdelay $0x4  }
0xbc: {  	s9 =	sadd.s32 $0x1060, s7;
	v1 =	vshll.u32 v1, $0x12  }
0xbd: {  	v1 =	vadd.s32 s9, v1  }
0xbe: {  	v1 =	vor.u32 v0, v1  }
0xbf: {  	[tilespmem:s5+$0x20] =	vst v1  }
0xc0: {  	v1 =	vld [tilespmem:s6+$0x30];
	_ =	sdelay $0x4  }
0xc1: {  	s10 =	sadd.s32 $0x1070, s7;
	v1 =	vshll.u32 v1, $0x12  }
0xc2: {  	v1 =	vadd.s32 s10, v1  }
0xc3: {  	v1 =	vor.u32 v0, v1  }
0xc4: {  	s6 =	simm.s32 $0x10C0;
	[tilespmem:s5+$0x30] =	vst v1  }
0xc5: {  	s8 =	simm.s32 $0x100;
	s7 =	simm.s32 $0x80;
	v1 =	vld [tilespmem:s6+$0xFFFFFFC0]  }
.LBB2_4:
0xc6: {  	p0 =	sne.s32 s8, $0xF80;
	_ =	sdelay $0x2  }
0xc7: {  	s9 =	sadd.s32 s7, s14;
	s7 =	smov.u32 s8  }
0xc8: {  	s10 =	sadd.s32 $0x1000, s9;
	v1 =	vshll.u32 v1, $0x12  }
0xc9: {  	v1 =	vadd.s32 s10, v1  }
0xca: {  	s5 =	sadd.s32 $0x80, s5;
	v1 =	vor.u32 v0, v1  }
0xcb: {  	[tilespmem:s5+$0xFFFFFFC0] =	vst v1  }
0xcc: {  	v1 =	vld [tilespmem:s6+$0xFFFFFFD0];
	_ =	sdelay $0x4  }
0xcd: {  	s10 =	sadd.s32 $0x1010, s9;
	v1 =	vshll.u32 v1, $0x12  }
0xce: {  	v1 =	vadd.s32 s10, v1  }
0xcf: {  	v1 =	vor.u32 v0, v1  }
0xd0: {  	[tilespmem:s5+$0xFFFFFFD0] =	vst v1  }
0xd1: {  	v1 =	vld [tilespmem:s6+$0xFFFFFFE0];
	_ =	sdelay $0x4  }
0xd2: {  	s10 =	sadd.s32 $0x1020, s9;
	v1 =	vshll.u32 v1, $0x12  }
0xd3: {  	v1 =	vadd.s32 s10, v1  }
0xd4: {  	v1 =	vor.u32 v0, v1  }
0xd5: {  	[tilespmem:s5+$0xFFFFFFE0] =	vst v1  }
0xd6: {  	v1 =	vld [tilespmem:s6+$0xFFFFFFF0];
	_ =	sdelay $0x4  }
0xd7: {  	s10 =	sadd.s32 $0x1030, s9;
	v1 =	vshll.u32 v1, $0x12  }
0xd8: {  	v1 =	vadd.s32 s10, v1  }
0xd9: {  	v1 =	vor.u32 v0, v1  }
0xda: {  	[tilespmem:s5+$0xFFFFFFF0] =	vst v1  }
0xdb: {  	v1 =	vld [tilespmem:s6+$0x0];
	_ =	sdelay $0x4  }
0xdc: {  	s10 =	sadd.s32 $0x1040, s9;
	v1 =	vshll.u32 v1, $0x12  }
0xdd: {  	v1 =	vadd.s32 s10, v1  }
0xde: {  	v1 =	vor.u32 v0, v1  }
0xdf: {  	[tilespmem:s5+$0x0] =	vst v1  }
0xe0: {  	v1 =	vld [tilespmem:s6+$0x10];
	_ =	sdelay $0x4  }
0xe1: {  	s10 =	sadd.s32 $0x1050, s9;
	v1 =	vshll.u32 v1, $0x12  }
0xe2: {  	v1 =	vadd.s32 s10, v1  }
0xe3: {  	v1 =	vor.u32 v0, v1  }
0xe4: {  	[tilespmem:s5+$0x10] =	vst v1  }
0xe5: {  	v1 =	vld [tilespmem:s6+$0x20];
	_ =	sdelay $0x4  }
0xe6: {  	s10 =	sadd.s32 $0x1060, s9;
	v1 =	vshll.u32 v1, $0x12  }
0xe7: {  	v1 =	vadd.s32 s10, v1  }
0xe8: {  	v1 =	vor.u32 v0, v1  }
0xe9: {  	[tilespmem:s5+$0x20] =	vst v1  }
0xea: {  	v1 =	vld [tilespmem:s6+$0x30];
	_ =	sdelay $0x4  }
.Ltmp1:
0xeb: {  	s9 =	sadd.s32 $0x1070, s9;
	v1 =	vshll.u32 v1, $0x12;
	(pc) =	sbr.rel @p0 .LBB2_4-.Ltmp1, $4  }
0xec: {  	v1 =	vadd.s32 s9, v1  }
0xed: {  	v1 =	vor.u32 v0, v1  }
0xee: {  	s6 =	sadd.s32 $0x80, s6;
	[tilespmem:s5+$0x30] =	vst v1  }
0xef: {  	s8 =	sadd.s32 $0x80, s8;
	v1 =	vld [tilespmem:s6+$0xFFFFFFC0]  }
0xf0: {  	_ =	sdelay $0x2  }
0xf1: {  	s7 =	sadd.s32 s7, s14  }
0xf2: {  	s8 =	sadd.s32 $0x1000, s7;
	v1 =	vshll.u32 v1, $0x12  }
0xf3: {  	v1 =	vadd.s32 s8, v1  }
0xf4: {  	s5 =	sadd.s32 $0x80, s5;
	v1 =	vor.u32 v0, v1  }
0xf5: {  	[tilespmem:s5+$0xFFFFFFC0] =	vst v1  }
0xf6: {  	v1 =	vld [tilespmem:s6+$0xFFFFFFD0];
	_ =	sdelay $0x4  }
0xf7: {  	s9 =	sadd.s32 $0x1010, s7;
	v1 =	vshll.u32 v1, $0x12  }
0xf8: {  	v1 =	vadd.s32 s9, v1  }
0xf9: {  	v1 =	vor.u32 v0, v1  }
0xfa: {  	[tilespmem:s5+$0xFFFFFFD0] =	vst v1  }
0xfb: {  	v1 =	vld [tilespmem:s6+$0xFFFFFFE0];
	_ =	sdelay $0x4  }
0xfc: {  	s10 =	sadd.s32 $0x1020, s7;
	v1 =	vshll.u32 v1, $0x12  }
0xfd: {  	v1 =	vadd.s32 s10, v1  }
0xfe: {  	v1 =	vor.u32 v0, v1  }
0xff: {  	[tilespmem:s5+$0xFFFFFFE0] =	vst v1  }
0x100: {  	v1 =	vld [tilespmem:s6+$0xFFFFFFF0];
	_ =	sdelay $0x4  }
0x101: {  	s9 =	sadd.s32 $0x1030, s7;
	v1 =	vshll.u32 v1, $0x12  }
0x102: {  	v1 =	vadd.s32 s9, v1  }
0x103: {  	v1 =	vor.u32 v0, v1  }
0x104: {  	[tilespmem:s5+$0xFFFFFFF0] =	vst v1  }
0x105: {  	v1 =	vld [tilespmem:s6+$0x0];
	_ =	sdelay $0x4  }
0x106: {  	s10 =	sadd.s32 $0x1040, s7;
	v1 =	vshll.u32 v1, $0x12  }
0x107: {  	v1 =	vadd.s32 s10, v1  }
0x108: {  	v1 =	vor.u32 v0, v1  }
0x109: {  	[tilespmem:s5+$0x0] =	vst v1  }
0x10a: {  	v1 =	vld [tilespmem:s6+$0x10];
	_ =	sdelay $0x4  }
0x10b: {  	s9 =	sadd.s32 $0x1050, s7;
	v1 =	vshll.u32 v1, $0x12  }
0x10c: {  	v1 =	vadd.s32 s9, v1  }
0x10d: {  	v1 =	vor.u32 v0, v1  }
0x10e: {  	[tilespmem:s5+$0x10] =	vst v1  }
0x10f: {  	v1 =	vld [tilespmem:s6+$0x20];
	_ =	sdelay $0x4  }
0x110: {  	s10 =	sadd.s32 $0x1060, s7;
	v1 =	vshll.u32 v1, $0x12  }
0x111: {  	v1 =	vadd.s32 s10, v1  }
0x112: {  	v1 =	vor.u32 v0, v1  }
0x113: {  	[tilespmem:s5+$0x20] =	vst v1  }
0x114: {  	v1 =	vld [tilespmem:s6+$0x30];
	_ =	sdelay $0x4  }
0x115: {  	s9 =	sadd.s32 $0x1070, s7;
	v1 =	vshll.u32 v1, $0x12  }
0x116: {  	v1 =	vadd.s32 s9, v1  }
0x117: {  	v1 =	vor.u32 v0, v1  }
0x118: {  	[tilespmem:s5+$0x30] =	vst v1  }
0x119: {  	[tilespmem:s24], [sflag:$0x3] =	stream.indirect.gather [hbm4b:s1+s17], $0x1, s23, s17, $0xb8;
	[tilespmem:$0x6080] =	vst v63  }
0x11a: {  	_ = 	snop  }
0x11b: {  	[tilespmem:s26], [sflag:$0x4] =	stream.indirect.gather [hbm4b:s1+s17], $0x1, s25, s17, $0xb8;
	[tilespmem:$0x6080] =	vst v63  }
0x11c: {  	_ =	swait.ge [sflag:s28], $0x800  }
0x11d: {  	[sflag:s28] =	ssyncset.done $0x0  }
0x11e: {  	[sflag:s28] =	ssyncadd.s32 $0xFFFFF800  }
0x11f: {  	_ =	swait.ge [sflag:s29], $0x800  }
0x120: {  	[sflag:s29] =	ssyncset.done $0x0  }
0x121: {  	s10 =	simm.s32 $0x0;
	[sflag:s29] =	ssyncadd.s32 $0xFFFFF800  }
0x122: {  	v1 =	vld [tilespmem:s10+$0x4000];
	_ =	sdelay $0x1  }
0x123: {  	v2 =	vld [tilespmem:s10+$0x4010];
	_ =	sdelay $0x1  }
0x124: {  	v3 =	vimm.f32 $0.0e+00;
	v4 =	vld [tilespmem:s10+$0x4020]  }
0x125: {  	v1 =	vadd.f32 v1, v3  }
0x126: {  	v3 =	vld [tilespmem:s10+$0x4030]  }
0x127: {  	v1 =	vadd.f32 v2, v1  }
0x128: {  	v2 =	vld [tilespmem:s10+$0x4040]  }
0x129: {  	v1 =	vadd.f32 v4, v1;
	_ =	sdelay $0x1  }
0x12a: {  	v4 =	vld [tilespmem:s10+$0x4050];
	v1 =	vadd.f32 v3, v1;
	_ =	sdelay $0x1  }
0x12b: {  	v3 =	vadd.f32 v2, v1;
	v2 =	vld [tilespmem:s10+$0x4060];
	_ =	sdelay $0x1  }
0x12c: {  	v1 =	vld [tilespmem:s10+$0x4070]  }
0x12d: {  	s6 =	simm.s32 $0x400;
	s5 =	simm.s32 $0x80;
	v3 =	vadd.f32 v4, v3  }
.LBB2_6:
0x12e: {  	p0 =	sne.s32 s6, $0x3E00;
	v4 =	vld [tilespmem:s5+$0x4000]  }
0x12f: {  	v2 =	vadd.f32 v2, v3  }
0x130: {  	v3 =	vld [tilespmem:s5+$0x4010]  }
0x131: {  	v1 =	vadd.f32 v1, v2  }
0x132: {  	v2 =	vld [tilespmem:s5+$0x4020]  }
0x133: {  	v1 =	vadd.f32 v4, v1  }
0x134: {  	v4 =	vld [tilespmem:s5+$0x4030]  }
0x135: {  	v1 =	vadd.f32 v3, v1  }
0x136: {  	v3 =	vld [tilespmem:s5+$0x4040]  }
0x137: {  	v1 =	vadd.f32 v2, v1  }
0x138: {  	v5 =	vld [tilespmem:s5+$0x4050]  }
.Ltmp2:
0x139: {  	v1 =	vadd.f32 v4, v1;
	(pc) =	sbr.rel @p0 .LBB2_6-.Ltmp2, $4  }
0x13a: {  	v2 =	vld [tilespmem:s5+$0x4060]  }
0x13b: {  	v3 =	vadd.f32 v3, v1  }
0x13c: {  	v1 =	vld [tilespmem:s5+$0x4070]  }
0x13d: {  	s5 =	sshra.s32 s6, $0x2;
	s6 =	sadd.s32 $0x200, s6;
	v3 =	vadd.f32 v5, v3  }
0x13e: {  	v4 =	vld [tilespmem:s5+$0x4000]  }
0x13f: {  	v5 =	vld [tilespmem:s5+$0x4010]  }
0x140: {  	v6 =	vld [tilespmem:s5+$0x4020]  }
0x141: {  	v7 =	vld [tilespmem:s5+$0x4030]  }
0x142: {  	v8 =	vld [tilespmem:s5+$0x4040]  }
0x143: {  	v9 =	vld [tilespmem:s5+$0x4050]  }
0x144: {  	v10 =	vld [tilespmem:s5+$0x4060]  }
0x145: {  	v11 =	vld [tilespmem:s5+$0x4070];
	_ =	swait.ge [sflag:s16], $0x1000  }
0x146: {  	[sflag:s16] =	ssyncset.done $0x0  }
0x147: {  	s7 =	simm.s32 $0x0;
	s6 =	rddreg [dreg:$0x6];
	[sflag:s16] =	ssyncadd.s32 $0xFFFFF000  }
0x148: {  	[tilespmem:s15], [sflag:$0x6] =	stream.linear.gather [hbm4b:s6+s7], $0x1000, $0x38;
	[tilespmem:$0x6080] =	vst v63  }
0x149: {  	s6 =	simm.s32 $0x40  }
0x14a: {  	v12 =	vld [tilespmem:s6+$0xFFFFFFC0];
	_ =	sdelay $0x3  }
0x14b: {  	s7 =	sadd.s32 $0x0, s14  }
0x14c: {  	s8 =	sadd.s32 $0x2000, s7;
	v12 =	vshll.u32 v12, $0x12  }
0x14d: {  	v12 =	vadd.s32 s8, v12  }
0x14e: {  	s5 =	simm.s32 $0x2040;
	v12 =	vor.u32 v0, v12  }
0x14f: {  	[tilespmem:s5+$0xFFFFFFC0] =	vst v12  }
0x150: {  	v12 =	vld [tilespmem:s6+$0xFFFFFFD0];
	_ =	sdelay $0x4  }
0x151: {  	s8 =	sadd.s32 $0x2010, s7;
	v12 =	vshll.u32 v12, $0x12  }
0x152: {  	v12 =	vadd.s32 s8, v12  }
0x153: {  	v12 =	vor.u32 v0, v12  }
0x154: {  	[tilespmem:s5+$0xFFFFFFD0] =	vst v12  }
0x155: {  	v12 =	vld [tilespmem:s6+$0xFFFFFFE0];
	_ =	sdelay $0x4  }
0x156: {  	s9 =	sadd.s32 $0x2020, s7;
	v12 =	vshll.u32 v12, $0x12  }
0x157: {  	v12 =	vadd.s32 s9, v12  }
0x158: {  	v12 =	vor.u32 v0, v12  }
0x159: {  	[tilespmem:s5+$0xFFFFFFE0] =	vst v12  }
0x15a: {  	v12 =	vld [tilespmem:s6+$0xFFFFFFF0];
	_ =	sdelay $0x4  }
0x15b: {  	s10 =	sadd.s32 $0x2030, s7;
	v12 =	vshll.u32 v12, $0x12  }
0x15c: {  	v12 =	vadd.s32 s10, v12  }
0x15d: {  	v12 =	vor.u32 v0, v12  }
0x15e: {  	[tilespmem:s5+$0xFFFFFFF0] =	vst v12  }
0x15f: {  	v12 =	vld [tilespmem:s6+$0x0];
	_ =	sdelay $0x4  }
0x160: {  	s9 =	sadd.s32 $0x2040, s7;
	v12 =	vshll.u32 v12, $0x12  }
0x161: {  	v12 =	vadd.s32 s9, v12  }
0x162: {  	v12 =	vor.u32 v0, v12  }
0x163: {  	[tilespmem:s5+$0x0] =	vst v12  }
0x164: {  	v12 =	vld [tilespmem:s6+$0x10];
	_ =	sdelay $0x4  }
0x165: {  	s10 =	sadd.s32 $0x2050, s7;
	v12 =	vshll.u32 v12, $0x12  }
0x166: {  	v12 =	vadd.s32 s10, v12  }
0x167: {  	v12 =	vor.u32 v0, v12  }
0x168: {  	[tilespmem:s5+$0x10] =	vst v12  }
0x169: {  	v2 =	vadd.f32 v2, v3;
	v3 =	vld [tilespmem:s6+$0x20];
	_ =	sdelay $0x1  }
0x16a: {  	v1 =	vadd.f32 v1, v2;
	_ =	sdelay $0x1  }
0x16b: {  	v1 =	vadd.f32 v4, v1  }
0x16c: {  	s9 =	sadd.s32 $0x2060, s7;
	v2 =	vshll.u32 v3, $0x12  }
0x16d: {  	v1 =	vadd.f32 v5, v1;
	v2 =	vadd.s32 s9, v2  }
0x16e: {  	v2 =	vor.u32 v0, v2  }
0x16f: {  	v1 =	vadd.f32 v6, v1;
	[tilespmem:s5+$0x20] =	vst v2  }
0x170: {  	v2 =	vld [tilespmem:s6+$0x30]  }
0x171: {  	v1 =	vadd.f32 v7, v1;
	_ =	sdelay $0x1  }
0x172: {  	v1 =	vadd.f32 v8, v1;
	_ =	sdelay $0x1  }
0x173: {  	v1 =	vadd.f32 v9, v1;
	s10 =	sadd.s32 $0x2070, s7;
	v2 =	vshll.u32 v2, $0x12  }
0x174: {  	v2 =	vadd.s32 s10, v2  }
0x175: {  	v1 =	vadd.f32 v10, v1;
	v2 =	vor.u32 v0, v2  }
0x176: {  	s6 =	simm.s32 $0xC0;
	[tilespmem:s5+$0x30] =	vst v2  }
0x177: {  	v1 =	vadd.f32 v11, v1;
	s8 =	simm.s32 $0x100;
	s7 =	simm.s32 $0x80;
	v2 =	vld [tilespmem:s6+$0xFFFFFFC0]  }
.LBB2_8:
0x178: {  	p0 =	sne.s32 s8, $0xF80;
	_ =	sdelay $0x2  }
0x179: {  	s9 =	sadd.s32 s7, s14;
	s7 =	smov.u32 s8  }
0x17a: {  	s10 =	sadd.s32 $0x2000, s9;
	v2 =	vshll.u32 v2, $0x12  }
0x17b: {  	v2 =	vadd.s32 s10, v2  }
0x17c: {  	s5 =	sadd.s32 $0x80, s5;
	v2 =	vor.u32 v0, v2  }
0x17d: {  	[tilespmem:s5+$0xFFFFFFC0] =	vst v2  }
0x17e: {  	v2 =	vld [tilespmem:s6+$0xFFFFFFD0];
	_ =	sdelay $0x4  }
0x17f: {  	s10 =	sadd.s32 $0x2010, s9;
	v2 =	vshll.u32 v2, $0x12  }
0x180: {  	v2 =	vadd.s32 s10, v2  }
0x181: {  	v2 =	vor.u32 v0, v2  }
0x182: {  	[tilespmem:s5+$0xFFFFFFD0] =	vst v2  }
0x183: {  	v2 =	vld [tilespmem:s6+$0xFFFFFFE0];
	_ =	sdelay $0x4  }
0x184: {  	s10 =	sadd.s32 $0x2020, s9;
	v2 =	vshll.u32 v2, $0x12  }
0x185: {  	v2 =	vadd.s32 s10, v2  }
0x186: {  	v2 =	vor.u32 v0, v2  }
0x187: {  	[tilespmem:s5+$0xFFFFFFE0] =	vst v2  }
0x188: {  	v2 =	vld [tilespmem:s6+$0xFFFFFFF0];
	_ =	sdelay $0x4  }
0x189: {  	s10 =	sadd.s32 $0x2030, s9;
	v2 =	vshll.u32 v2, $0x12  }
0x18a: {  	v2 =	vadd.s32 s10, v2  }
0x18b: {  	v2 =	vor.u32 v0, v2  }
0x18c: {  	[tilespmem:s5+$0xFFFFFFF0] =	vst v2  }
0x18d: {  	v2 =	vld [tilespmem:s6+$0x0];
	_ =	sdelay $0x4  }
0x18e: {  	s10 =	sadd.s32 $0x2040, s9;
	v2 =	vshll.u32 v2, $0x12  }
0x18f: {  	v2 =	vadd.s32 s10, v2  }
0x190: {  	v2 =	vor.u32 v0, v2  }
0x191: {  	[tilespmem:s5+$0x0] =	vst v2  }
0x192: {  	v2 =	vld [tilespmem:s6+$0x10];
	_ =	sdelay $0x4  }
0x193: {  	s10 =	sadd.s32 $0x2050, s9;
	v2 =	vshll.u32 v2, $0x12  }
0x194: {  	v2 =	vadd.s32 s10, v2  }
0x195: {  	v2 =	vor.u32 v0, v2  }
0x196: {  	[tilespmem:s5+$0x10] =	vst v2  }
0x197: {  	v2 =	vld [tilespmem:s6+$0x20];
	_ =	sdelay $0x4  }
0x198: {  	s10 =	sadd.s32 $0x2060, s9;
	v2 =	vshll.u32 v2, $0x12  }
0x199: {  	v2 =	vadd.s32 s10, v2  }
0x19a: {  	v2 =	vor.u32 v0, v2  }
0x19b: {  	[tilespmem:s5+$0x20] =	vst v2  }
0x19c: {  	v2 =	vld [tilespmem:s6+$0x30];
	_ =	sdelay $0x4  }
.Ltmp3:
0x19d: {  	s9 =	sadd.s32 $0x2070, s9;
	v2 =	vshll.u32 v2, $0x12;
	(pc) =	sbr.rel @p0 .LBB2_8-.Ltmp3, $4  }
0x19e: {  	v2 =	vadd.s32 s9, v2  }
0x19f: {  	v2 =	vor.u32 v0, v2  }
0x1a0: {  	s6 =	sadd.s32 $0x80, s6;
	[tilespmem:s5+$0x30] =	vst v2  }
0x1a1: {  	s8 =	sadd.s32 $0x80, s8;
	v2 =	vld [tilespmem:s6+$0xFFFFFFC0]  }
0x1a2: {  	_ =	sdelay $0x2  }
0x1a3: {  	s7 =	sadd.s32 s7, s14  }
0x1a4: {  	s8 =	sadd.s32 $0x2000, s7;
	v2 =	vshll.u32 v2, $0x12  }
0x1a5: {  	v2 =	vadd.s32 s8, v2  }
0x1a6: {  	s5 =	sadd.s32 $0x80, s5;
	v2 =	vor.u32 v0, v2  }
0x1a7: {  	[tilespmem:s5+$0xFFFFFFC0] =	vst v2  }
0x1a8: {  	v2 =	vld [tilespmem:s6+$0xFFFFFFD0];
	_ =	sdelay $0x4  }
0x1a9: {  	s9 =	sadd.s32 $0x2010, s7;
	v2 =	vshll.u32 v2, $0x12  }
0x1aa: {  	v2 =	vadd.s32 s9, v2  }
0x1ab: {  	v2 =	vor.u32 v0, v2  }
0x1ac: {  	[tilespmem:s5+$0xFFFFFFD0] =	vst v2  }
0x1ad: {  	v2 =	vld [tilespmem:s6+$0xFFFFFFE0];
	_ =	sdelay $0x4  }
0x1ae: {  	s10 =	sadd.s32 $0x2020, s7;
	v2 =	vshll.u32 v2, $0x12  }
0x1af: {  	v2 =	vadd.s32 s10, v2  }
0x1b0: {  	v2 =	vor.u32 v0, v2  }
0x1b1: {  	[tilespmem:s5+$0xFFFFFFE0] =	vst v2  }
0x1b2: {  	v2 =	vld [tilespmem:s6+$0xFFFFFFF0];
	_ =	sdelay $0x4  }
0x1b3: {  	s9 =	sadd.s32 $0x2030, s7;
	v2 =	vshll.u32 v2, $0x12  }
0x1b4: {  	v2 =	vadd.s32 s9, v2  }
0x1b5: {  	v2 =	vor.u32 v0, v2  }
0x1b6: {  	[tilespmem:s5+$0xFFFFFFF0] =	vst v2  }
0x1b7: {  	v2 =	vld [tilespmem:s6+$0x0];
	_ =	sdelay $0x4  }
0x1b8: {  	s10 =	sadd.s32 $0x2040, s7;
	v2 =	vshll.u32 v2, $0x12  }
0x1b9: {  	v2 =	vadd.s32 s10, v2  }
0x1ba: {  	v2 =	vor.u32 v0, v2  }
0x1bb: {  	[tilespmem:s5+$0x0] =	vst v2  }
0x1bc: {  	v2 =	vld [tilespmem:s6+$0x10];
	_ =	sdelay $0x4  }
0x1bd: {  	s9 =	sadd.s32 $0x2050, s7;
	v2 =	vshll.u32 v2, $0x12  }
0x1be: {  	v2 =	vadd.s32 s9, v2  }
0x1bf: {  	v2 =	vor.u32 v0, v2  }
0x1c0: {  	[tilespmem:s5+$0x10] =	vst v2  }
0x1c1: {  	v2 =	vld [tilespmem:s6+$0x20];
	_ =	sdelay $0x4  }
0x1c2: {  	s10 =	sadd.s32 $0x2060, s7;
	v2 =	vshll.u32 v2, $0x12  }
0x1c3: {  	v2 =	vadd.s32 s10, v2  }
0x1c4: {  	v2 =	vor.u32 v0, v2  }
0x1c5: {  	[tilespmem:s5+$0x20] =	vst v2  }
0x1c6: {  	v2 =	vld [tilespmem:s6+$0x30];
	_ =	sdelay $0x4  }
0x1c7: {  	s9 =	sadd.s32 $0x2070, s7;
	v2 =	vshll.u32 v2, $0x12  }
0x1c8: {  	v2 =	vadd.s32 s9, v2  }
0x1c9: {  	v2 =	vor.u32 v0, v2  }
0x1ca: {  	[tilespmem:s5+$0x30] =	vst v2  }
0x1cb: {  	[tilespmem:s19], [sflag:$0x1] =	stream.indirect.gather [hbm4b:s1+s17], $0x1, s18, s17, $0xb8;
	[tilespmem:$0x6080] =	vst v63  }
0x1cc: {  	_ = 	snop  }
0x1cd: {  	[tilespmem:s21], [sflag:$0x2] =	stream.indirect.gather [hbm4b:s1+s17], $0x1, s20, s17, $0xb8;
	[tilespmem:$0x6080] =	vst v63  }
0x1ce: {  	_ =	swait.ge [sflag:s30], $0x800  }
0x1cf: {  	[sflag:s30] =	ssyncset.done $0x0  }
0x1d0: {  	[sflag:s30] =	ssyncadd.s32 $0xFFFFF800  }
0x1d1: {  	_ =	swait.ge [sflag:s31], $0x800  }
0x1d2: {  	[sflag:s31] =	ssyncset.done $0x0  }
0x1d3: {  	s10 =	simm.s32 $0x0;
	[sflag:s31] =	ssyncadd.s32 $0xFFFFF800  }
0x1d4: {  	v2 =	vld [tilespmem:s10+$0x5000];
	_ =	sdelay $0x1  }
0x1d5: {  	v3 =	vld [tilespmem:s10+$0x5010];
	_ =	sdelay $0x1  }
0x1d6: {  	v4 =	vld [tilespmem:s10+$0x5020]  }
0x1d7: {  	v1 =	vadd.f32 v2, v1  }
0x1d8: {  	v2 =	vld [tilespmem:s10+$0x5030]  }
0x1d9: {  	v1 =	vadd.f32 v3, v1  }
0x1da: {  	v3 =	vld [tilespmem:s10+$0x5040]  }
0x1db: {  	v1 =	vadd.f32 v4, v1  }
0x1dc: {  	v4 =	vld [tilespmem:s10+$0x5050]  }
0x1dd: {  	v1 =	vadd.f32 v2, v1  }
0x1de: {  	v2 =	vld [tilespmem:s10+$0x5060]  }
0x1df: {  	v3 =	vadd.f32 v3, v1  }
0x1e0: {  	v1 =	vld [tilespmem:s10+$0x5070]  }
0x1e1: {  	s6 =	simm.s32 $0x400;
	s5 =	simm.s32 $0x80;
	v3 =	vadd.f32 v4, v3  }
.LBB2_10:
0x1e2: {  	p0 =	sne.s32 s6, $0x3E00;
	v4 =	vld [tilespmem:s5+$0x5000]  }
0x1e3: {  	v2 =	vadd.f32 v2, v3  }
0x1e4: {  	v3 =	vld [tilespmem:s5+$0x5010]  }
0x1e5: {  	v1 =	vadd.f32 v1, v2  }
0x1e6: {  	v2 =	vld [tilespmem:s5+$0x5020]  }
0x1e7: {  	v1 =	vadd.f32 v4, v1  }
0x1e8: {  	v4 =	vld [tilespmem:s5+$0x5030]  }
0x1e9: {  	v1 =	vadd.f32 v3, v1  }
0x1ea: {  	v3 =	vld [tilespmem:s5+$0x5040]  }
0x1eb: {  	v1 =	vadd.f32 v2, v1  }
0x1ec: {  	v5 =	vld [tilespmem:s5+$0x5050]  }
.Ltmp4:
0x1ed: {  	v1 =	vadd.f32 v4, v1;
	(pc) =	sbr.rel @p0 .LBB2_10-.Ltmp4, $4  }
0x1ee: {  	v2 =	vld [tilespmem:s5+$0x5060]  }
0x1ef: {  	v3 =	vadd.f32 v3, v1  }
0x1f0: {  	v1 =	vld [tilespmem:s5+$0x5070]  }
0x1f1: {  	s5 =	sshra.s32 s6, $0x2;
	s6 =	sadd.s32 $0x200, s6;
	v3 =	vadd.f32 v5, v3  }
0x1f2: {  	v4 =	vld [tilespmem:s5+$0x5000]  }
0x1f3: {  	v5 =	vld [tilespmem:s5+$0x5010]  }
0x1f4: {  	v6 =	vld [tilespmem:s5+$0x5020]  }
0x1f5: {  	v7 =	vld [tilespmem:s5+$0x5030]  }
0x1f6: {  	v8 =	vld [tilespmem:s5+$0x5040]  }
0x1f7: {  	v9 =	vld [tilespmem:s5+$0x5050]  }
0x1f8: {  	v10 =	vld [tilespmem:s5+$0x5060]  }
0x1f9: {  	v11 =	vld [tilespmem:s5+$0x5070];
	_ =	swait.ge [sflag:s22], $0x1000  }
0x1fa: {  	[sflag:s22] =	ssyncset.done $0x0  }
0x1fb: {  	s7 =	simm.s32 $0x0;
	s6 =	rddreg [dreg:$0x7];
	[sflag:s22] =	ssyncadd.s32 $0xFFFFF000  }
0x1fc: {  	[tilespmem:s7], [sflag:$0x5] =	stream.linear.gather [hbm4b:s6+s7], $0x1000, $0x38;
	[tilespmem:$0x6080] =	vst v63  }
0x1fd: {  	s6 =	simm.s32 $0x1040  }
0x1fe: {  	v12 =	vld [tilespmem:s6+$0xFFFFFFC0];
	_ =	sdelay $0x3  }
0x1ff: {  	s7 =	sadd.s32 $0x0, s14  }
0x200: {  	s8 =	sadd.s32 $0x3000, s7;
	v12 =	vshll.u32 v12, $0x12  }
0x201: {  	v12 =	vadd.s32 s8, v12  }
0x202: {  	s5 =	simm.s32 $0x3040;
	v12 =	vor.u32 v0, v12  }
0x203: {  	[tilespmem:s5+$0xFFFFFFC0] =	vst v12  }
0x204: {  	v12 =	vld [tilespmem:s6+$0xFFFFFFD0];
	_ =	sdelay $0x4  }
0x205: {  	s8 =	sadd.s32 $0x3010, s7;
	v12 =	vshll.u32 v12, $0x12  }
0x206: {  	v12 =	vadd.s32 s8, v12  }
0x207: {  	v12 =	vor.u32 v0, v12  }
0x208: {  	[tilespmem:s5+$0xFFFFFFD0] =	vst v12  }
0x209: {  	v12 =	vld [tilespmem:s6+$0xFFFFFFE0];
	_ =	sdelay $0x4  }
0x20a: {  	s9 =	sadd.s32 $0x3020, s7;
	v12 =	vshll.u32 v12, $0x12  }
0x20b: {  	v12 =	vadd.s32 s9, v12  }
0x20c: {  	v12 =	vor.u32 v0, v12  }
0x20d: {  	[tilespmem:s5+$0xFFFFFFE0] =	vst v12  }
0x20e: {  	v12 =	vld [tilespmem:s6+$0xFFFFFFF0];
	_ =	sdelay $0x4  }
0x20f: {  	s10 =	sadd.s32 $0x3030, s7;
	v12 =	vshll.u32 v12, $0x12  }
0x210: {  	v12 =	vadd.s32 s10, v12  }
0x211: {  	v12 =	vor.u32 v0, v12  }
0x212: {  	[tilespmem:s5+$0xFFFFFFF0] =	vst v12  }
0x213: {  	v12 =	vld [tilespmem:s6+$0x0];
	_ =	sdelay $0x4  }
0x214: {  	s9 =	sadd.s32 $0x3040, s7;
	v12 =	vshll.u32 v12, $0x12  }
0x215: {  	v12 =	vadd.s32 s9, v12  }
0x216: {  	v12 =	vor.u32 v0, v12  }
0x217: {  	[tilespmem:s5+$0x0] =	vst v12  }
0x218: {  	v12 =	vld [tilespmem:s6+$0x10];
	_ =	sdelay $0x4  }
0x219: {  	s10 =	sadd.s32 $0x3050, s7;
	v12 =	vshll.u32 v12, $0x12  }
0x21a: {  	v12 =	vadd.s32 s10, v12  }
0x21b: {  	v12 =	vor.u32 v0, v12  }
0x21c: {  	[tilespmem:s5+$0x10] =	vst v12  }
0x21d: {  	v2 =	vadd.f32 v2, v3;
	v3 =	vld [tilespmem:s6+$0x20];
	_ =	sdelay $0x1  }
0x21e: {  	v1 =	vadd.f32 v1, v2;
	_ =	sdelay $0x1  }
0x21f: {  	v1 =	vadd.f32 v4, v1  }
0x220: {  	s9 =	sadd.s32 $0x3060, s7;
	v2 =	vshll.u32 v3, $0x12  }
0x221: {  	v1 =	vadd.f32 v5, v1;
	v2 =	vadd.s32 s9, v2  }
0x222: {  	v2 =	vor.u32 v0, v2  }
0x223: {  	v1 =	vadd.f32 v6, v1;
	[tilespmem:s5+$0x20] =	vst v2  }
0x224: {  	v2 =	vld [tilespmem:s6+$0x30]  }
0x225: {  	v1 =	vadd.f32 v7, v1;
	_ =	sdelay $0x1  }
0x226: {  	v1 =	vadd.f32 v8, v1;
	_ =	sdelay $0x1  }
0x227: {  	v1 =	vadd.f32 v9, v1;
	s10 =	sadd.s32 $0x3070, s7;
	v2 =	vshll.u32 v2, $0x12  }
0x228: {  	v2 =	vadd.s32 s10, v2  }
0x229: {  	v1 =	vadd.f32 v10, v1;
	v2 =	vor.u32 v0, v2  }
0x22a: {  	s6 =	simm.s32 $0x10C0;
	[tilespmem:s5+$0x30] =	vst v2  }
0x22b: {  	v1 =	vadd.f32 v11, v1;
	s8 =	simm.s32 $0x100;
	s7 =	simm.s32 $0x80;
	v2 =	vld [tilespmem:s6+$0xFFFFFFC0]  }
.LBB2_12:
0x22c: {  	p0 =	sne.s32 s8, $0xF80;
	_ =	sdelay $0x2  }
0x22d: {  	s9 =	sadd.s32 s7, s14;
	s7 =	smov.u32 s8  }
0x22e: {  	s10 =	sadd.s32 $0x3000, s9;
	v2 =	vshll.u32 v2, $0x12  }
0x22f: {  	v2 =	vadd.s32 s10, v2  }
0x230: {  	s5 =	sadd.s32 $0x80, s5;
	v2 =	vor.u32 v0, v2  }
0x231: {  	[tilespmem:s5+$0xFFFFFFC0] =	vst v2  }
0x232: {  	v2 =	vld [tilespmem:s6+$0xFFFFFFD0];
	_ =	sdelay $0x4  }
0x233: {  	s10 =	sadd.s32 $0x3010, s9;
	v2 =	vshll.u32 v2, $0x12  }
0x234: {  	v2 =	vadd.s32 s10, v2  }
0x235: {  	v2 =	vor.u32 v0, v2  }
0x236: {  	[tilespmem:s5+$0xFFFFFFD0] =	vst v2  }
0x237: {  	v2 =	vld [tilespmem:s6+$0xFFFFFFE0];
	_ =	sdelay $0x4  }
0x238: {  	s10 =	sadd.s32 $0x3020, s9;
	v2 =	vshll.u32 v2, $0x12  }
0x239: {  	v2 =	vadd.s32 s10, v2  }
0x23a: {  	v2 =	vor.u32 v0, v2  }
0x23b: {  	[tilespmem:s5+$0xFFFFFFE0] =	vst v2  }
0x23c: {  	v2 =	vld [tilespmem:s6+$0xFFFFFFF0];
	_ =	sdelay $0x4  }
0x23d: {  	s10 =	sadd.s32 $0x3030, s9;
	v2 =	vshll.u32 v2, $0x12  }
0x23e: {  	v2 =	vadd.s32 s10, v2  }
0x23f: {  	v2 =	vor.u32 v0, v2  }
0x240: {  	[tilespmem:s5+$0xFFFFFFF0] =	vst v2  }
0x241: {  	v2 =	vld [tilespmem:s6+$0x0];
	_ =	sdelay $0x4  }
0x242: {  	s10 =	sadd.s32 $0x3040, s9;
	v2 =	vshll.u32 v2, $0x12  }
0x243: {  	v2 =	vadd.s32 s10, v2  }
0x244: {  	v2 =	vor.u32 v0, v2  }
0x245: {  	[tilespmem:s5+$0x0] =	vst v2  }
0x246: {  	v2 =	vld [tilespmem:s6+$0x10];
	_ =	sdelay $0x4  }
0x247: {  	s10 =	sadd.s32 $0x3050, s9;
	v2 =	vshll.u32 v2, $0x12  }
0x248: {  	v2 =	vadd.s32 s10, v2  }
0x249: {  	v2 =	vor.u32 v0, v2  }
0x24a: {  	[tilespmem:s5+$0x10] =	vst v2  }
0x24b: {  	v2 =	vld [tilespmem:s6+$0x20];
	_ =	sdelay $0x4  }
0x24c: {  	s10 =	sadd.s32 $0x3060, s9;
	v2 =	vshll.u32 v2, $0x12  }
0x24d: {  	v2 =	vadd.s32 s10, v2  }
0x24e: {  	v2 =	vor.u32 v0, v2  }
0x24f: {  	[tilespmem:s5+$0x20] =	vst v2  }
0x250: {  	v2 =	vld [tilespmem:s6+$0x30];
	_ =	sdelay $0x4  }
.Ltmp5:
0x251: {  	s9 =	sadd.s32 $0x3070, s9;
	v2 =	vshll.u32 v2, $0x12;
	(pc) =	sbr.rel @p0 .LBB2_12-.Ltmp5, $4  }
0x252: {  	v2 =	vadd.s32 s9, v2  }
0x253: {  	v2 =	vor.u32 v0, v2  }
0x254: {  	s6 =	sadd.s32 $0x80, s6;
	[tilespmem:s5+$0x30] =	vst v2  }
0x255: {  	s8 =	sadd.s32 $0x80, s8;
	v2 =	vld [tilespmem:s6+$0xFFFFFFC0]  }
0x256: {  	_ =	sdelay $0x2  }
0x257: {  	s7 =	sadd.s32 s7, s14  }
0x258: {  	s8 =	sadd.s32 $0x3000, s7;
	v2 =	vshll.u32 v2, $0x12  }
0x259: {  	v2 =	vadd.s32 s8, v2  }
0x25a: {  	s5 =	sadd.s32 $0x80, s5;
	v2 =	vor.u32 v0, v2  }
0x25b: {  	[tilespmem:s5+$0xFFFFFFC0] =	vst v2  }
0x25c: {  	v2 =	vld [tilespmem:s6+$0xFFFFFFD0];
	_ =	sdelay $0x4  }
0x25d: {  	s9 =	sadd.s32 $0x3010, s7;
	v2 =	vshll.u32 v2, $0x12  }
0x25e: {  	v2 =	vadd.s32 s9, v2  }
0x25f: {  	v2 =	vor.u32 v0, v2  }
0x260: {  	[tilespmem:s5+$0xFFFFFFD0] =	vst v2  }
0x261: {  	v2 =	vld [tilespmem:s6+$0xFFFFFFE0];
	_ =	sdelay $0x4  }
0x262: {  	s10 =	sadd.s32 $0x3020, s7;
	v2 =	vshll.u32 v2, $0x12  }
0x263: {  	v2 =	vadd.s32 s10, v2  }
0x264: {  	v2 =	vor.u32 v0, v2  }
0x265: {  	[tilespmem:s5+$0xFFFFFFE0] =	vst v2  }
0x266: {  	v2 =	vld [tilespmem:s6+$0xFFFFFFF0];
	_ =	sdelay $0x4  }
0x267: {  	s9 =	sadd.s32 $0x3030, s7;
	v2 =	vshll.u32 v2, $0x12  }
0x268: {  	v2 =	vadd.s32 s9, v2  }
0x269: {  	v2 =	vor.u32 v0, v2  }
0x26a: {  	[tilespmem:s5+$0xFFFFFFF0] =	vst v2  }
0x26b: {  	v2 =	vld [tilespmem:s6+$0x0];
	_ =	sdelay $0x4  }
0x26c: {  	s10 =	sadd.s32 $0x3040, s7;
	v2 =	vshll.u32 v2, $0x12  }
0x26d: {  	v2 =	vadd.s32 s10, v2  }
0x26e: {  	v2 =	vor.u32 v0, v2  }
0x26f: {  	[tilespmem:s5+$0x0] =	vst v2  }
0x270: {  	v2 =	vld [tilespmem:s6+$0x10];
	_ =	sdelay $0x4  }
0x271: {  	s9 =	sadd.s32 $0x3050, s7;
	v2 =	vshll.u32 v2, $0x12  }
0x272: {  	v2 =	vadd.s32 s9, v2  }
0x273: {  	v2 =	vor.u32 v0, v2  }
0x274: {  	[tilespmem:s5+$0x10] =	vst v2  }
0x275: {  	v2 =	vld [tilespmem:s6+$0x20];
	_ =	sdelay $0x4  }
0x276: {  	s10 =	sadd.s32 $0x3060, s7;
	v2 =	vshll.u32 v2, $0x12  }
0x277: {  	v2 =	vadd.s32 s10, v2  }
0x278: {  	v2 =	vor.u32 v0, v2  }
0x279: {  	[tilespmem:s5+$0x20] =	vst v2  }
0x27a: {  	v2 =	vld [tilespmem:s6+$0x30];
	_ =	sdelay $0x4  }
0x27b: {  	s9 =	sadd.s32 $0x3070, s7;
	v2 =	vshll.u32 v2, $0x12  }
0x27c: {  	v2 =	vadd.s32 s9, v2  }
0x27d: {  	v2 =	vor.u32 v0, v2  }
0x27e: {  	[tilespmem:s5+$0x30] =	vst v2  }
0x27f: {  	[tilespmem:s24], [sflag:$0x3] =	stream.indirect.gather [hbm4b:s1+s17], $0x1, s23, s17, $0xb8;
	[tilespmem:$0x6080] =	vst v63  }
0x280: {  	_ = 	snop  }
0x281: {  	[tilespmem:s26], [sflag:$0x4] =	stream.indirect.gather [hbm4b:s1+s17], $0x1, s25, s17, $0xb8;
	[tilespmem:$0x6080] =	vst v63  }
0x282: {  	_ =	swait.ge [sflag:s28], $0x800  }
0x283: {  	[sflag:s28] =	ssyncset.done $0x0  }
0x284: {  	[sflag:s28] =	ssyncadd.s32 $0xFFFFF800  }
0x285: {  	_ =	swait.ge [sflag:s29], $0x800  }
0x286: {  	[sflag:s29] =	ssyncset.done $0x0  }
0x287: {  	s10 =	simm.s32 $0x0;
	[sflag:s29] =	ssyncadd.s32 $0xFFFFF800  }
0x288: {  	v2 =	vld [tilespmem:s10+$0x4000];
	_ =	sdelay $0x1  }
0x289: {  	v3 =	vld [tilespmem:s10+$0x4010];
	_ =	sdelay $0x1  }
0x28a: {  	v4 =	vld [tilespmem:s10+$0x4020]  }
0x28b: {  	v1 =	vadd.f32 v2, v1  }
0x28c: {  	v2 =	vld [tilespmem:s10+$0x4030]  }
0x28d: {  	v1 =	vadd.f32 v3, v1  }
0x28e: {  	v3 =	vld [tilespmem:s10+$0x4040]  }
0x28f: {  	v1 =	vadd.f32 v4, v1  }
0x290: {  	v4 =	vld [tilespmem:s10+$0x4050]  }
0x291: {  	v1 =	vadd.f32 v2, v1  }
0x292: {  	v2 =	vld [tilespmem:s10+$0x4060]  }
0x293: {  	v3 =	vadd.f32 v3, v1  }
0x294: {  	v1 =	vld [tilespmem:s10+$0x4070]  }
0x295: {  	s6 =	simm.s32 $0x400;
	s5 =	simm.s32 $0x80;
	v3 =	vadd.f32 v4, v3  }
.LBB2_14:
0x296: {  	p0 =	sne.s32 s6, $0x3E00;
	v4 =	vld [tilespmem:s5+$0x4000]  }
0x297: {  	v2 =	vadd.f32 v2, v3  }
0x298: {  	v3 =	vld [tilespmem:s5+$0x4010]  }
0x299: {  	v1 =	vadd.f32 v1, v2  }
0x29a: {  	v2 =	vld [tilespmem:s5+$0x4020]  }
0x29b: {  	v1 =	vadd.f32 v4, v1  }
0x29c: {  	v4 =	vld [tilespmem:s5+$0x4030]  }
0x29d: {  	v1 =	vadd.f32 v3, v1  }
0x29e: {  	v3 =	vld [tilespmem:s5+$0x4040]  }
0x29f: {  	v1 =	vadd.f32 v2, v1  }
0x2a0: {  	v5 =	vld [tilespmem:s5+$0x4050]  }
.Ltmp6:
0x2a1: {  	v1 =	vadd.f32 v4, v1;
	(pc) =	sbr.rel @p0 .LBB2_14-.Ltmp6, $4  }
0x2a2: {  	v2 =	vld [tilespmem:s5+$0x4060]  }
0x2a3: {  	v3 =	vadd.f32 v3, v1  }
0x2a4: {  	v1 =	vld [tilespmem:s5+$0x4070]  }
0x2a5: {  	s5 =	sshra.s32 s6, $0x2;
	s6 =	sadd.s32 $0x200, s6;
	v3 =	vadd.f32 v5, v3  }
0x2a6: {  	v4 =	vld [tilespmem:s5+$0x4000]  }
0x2a7: {  	v5 =	vld [tilespmem:s5+$0x4010]  }
0x2a8: {  	v6 =	vld [tilespmem:s5+$0x4020]  }
0x2a9: {  	v7 =	vld [tilespmem:s5+$0x4030]  }
0x2aa: {  	v8 =	vld [tilespmem:s5+$0x4040]  }
0x2ab: {  	v9 =	vld [tilespmem:s5+$0x4050]  }
0x2ac: {  	v10 =	vld [tilespmem:s5+$0x4060]  }
0x2ad: {  	v11 =	vld [tilespmem:s5+$0x4070];
	_ =	swait.ge [sflag:s16], $0x1000  }
0x2ae: {  	[sflag:s16] =	ssyncset.done $0x0  }
0x2af: {  	s7 =	simm.s32 $0x0;
	s6 =	rddreg [dreg:$0x8];
	[sflag:s16] =	ssyncadd.s32 $0xFFFFF000  }
0x2b0: {  	[tilespmem:s15], [sflag:$0x6] =	stream.linear.gather [hbm4b:s6+s7], $0x1000, $0x38;
	[tilespmem:$0x6080] =	vst v63  }
0x2b1: {  	s6 =	simm.s32 $0x40  }
0x2b2: {  	v12 =	vld [tilespmem:s6+$0xFFFFFFC0];
	_ =	sdelay $0x3  }
0x2b3: {  	s7 =	sadd.s32 $0x0, s14  }
0x2b4: {  	s8 =	sadd.s32 $0x4000, s7;
	v12 =	vshll.u32 v12, $0x12  }
0x2b5: {  	v12 =	vadd.s32 s8, v12  }
0x2b6: {  	s5 =	simm.s32 $0x2040;
	v12 =	vor.u32 v0, v12  }
0x2b7: {  	[tilespmem:s5+$0xFFFFFFC0] =	vst v12  }
0x2b8: {  	v12 =	vld [tilespmem:s6+$0xFFFFFFD0];
	_ =	sdelay $0x4  }
0x2b9: {  	s8 =	sadd.s32 $0x4010, s7;
	v12 =	vshll.u32 v12, $0x12  }
0x2ba: {  	v12 =	vadd.s32 s8, v12  }
0x2bb: {  	v12 =	vor.u32 v0, v12  }
0x2bc: {  	[tilespmem:s5+$0xFFFFFFD0] =	vst v12  }
0x2bd: {  	v12 =	vld [tilespmem:s6+$0xFFFFFFE0];
	_ =	sdelay $0x4  }
0x2be: {  	s9 =	sadd.s32 $0x4020, s7;
	v12 =	vshll.u32 v12, $0x12  }
0x2bf: {  	v12 =	vadd.s32 s9, v12  }
0x2c0: {  	v12 =	vor.u32 v0, v12  }
0x2c1: {  	[tilespmem:s5+$0xFFFFFFE0] =	vst v12  }
0x2c2: {  	v12 =	vld [tilespmem:s6+$0xFFFFFFF0];
	_ =	sdelay $0x4  }
0x2c3: {  	s10 =	sadd.s32 $0x4030, s7;
	v12 =	vshll.u32 v12, $0x12  }
0x2c4: {  	v12 =	vadd.s32 s10, v12  }
0x2c5: {  	v12 =	vor.u32 v0, v12  }
0x2c6: {  	[tilespmem:s5+$0xFFFFFFF0] =	vst v12  }
0x2c7: {  	v12 =	vld [tilespmem:s6+$0x0];
	_ =	sdelay $0x4  }
0x2c8: {  	s9 =	sadd.s32 $0x4040, s7;
	v12 =	vshll.u32 v12, $0x12  }
0x2c9: {  	v12 =	vadd.s32 s9, v12  }
0x2ca: {  	v12 =	vor.u32 v0, v12  }
0x2cb: {  	[tilespmem:s5+$0x0] =	vst v12  }
0x2cc: {  	v12 =	vld [tilespmem:s6+$0x10];
	_ =	sdelay $0x4  }
0x2cd: {  	s10 =	sadd.s32 $0x4050, s7;
	v12 =	vshll.u32 v12, $0x12  }
0x2ce: {  	v12 =	vadd.s32 s10, v12  }
0x2cf: {  	v12 =	vor.u32 v0, v12  }
0x2d0: {  	[tilespmem:s5+$0x10] =	vst v12  }
0x2d1: {  	v2 =	vadd.f32 v2, v3;
	v3 =	vld [tilespmem:s6+$0x20];
	_ =	sdelay $0x1  }
0x2d2: {  	v1 =	vadd.f32 v1, v2;
	_ =	sdelay $0x1  }
0x2d3: {  	v1 =	vadd.f32 v4, v1  }
0x2d4: {  	s9 =	sadd.s32 $0x4060, s7;
	v2 =	vshll.u32 v3, $0x12  }
0x2d5: {  	v1 =	vadd.f32 v5, v1;
	v2 =	vadd.s32 s9, v2  }
0x2d6: {  	v2 =	vor.u32 v0, v2  }
0x2d7: {  	v1 =	vadd.f32 v6, v1;
	[tilespmem:s5+$0x20] =	vst v2  }
0x2d8: {  	v2 =	vld [tilespmem:s6+$0x30]  }
0x2d9: {  	v1 =	vadd.f32 v7, v1;
	_ =	sdelay $0x1  }
0x2da: {  	v1 =	vadd.f32 v8, v1;
	_ =	sdelay $0x1  }
0x2db: {  	v1 =	vadd.f32 v9, v1;
	s10 =	sadd.s32 $0x4070, s7;
	v2 =	vshll.u32 v2, $0x12  }
0x2dc: {  	v2 =	vadd.s32 s10, v2  }
0x2dd: {  	v1 =	vadd.f32 v10, v1;
	v2 =	vor.u32 v0, v2  }
0x2de: {  	s6 =	simm.s32 $0xC0;
	[tilespmem:s5+$0x30] =	vst v2  }
0x2df: {  	v1 =	vadd.f32 v11, v1;
	s8 =	simm.s32 $0x100;
	s7 =	simm.s32 $0x80;
	v2 =	vld [tilespmem:s6+$0xFFFFFFC0]  }
.LBB2_16:
0x2e0: {  	p0 =	sne.s32 s8, $0xF80;
	_ =	sdelay $0x2  }
0x2e1: {  	s9 =	sadd.s32 s7, s14;
	s7 =	smov.u32 s8  }
0x2e2: {  	s10 =	sadd.s32 $0x4000, s9;
	v2 =	vshll.u32 v2, $0x12  }
0x2e3: {  	v2 =	vadd.s32 s10, v2  }
0x2e4: {  	s5 =	sadd.s32 $0x80, s5;
	v2 =	vor.u32 v0, v2  }
0x2e5: {  	[tilespmem:s5+$0xFFFFFFC0] =	vst v2  }
0x2e6: {  	v2 =	vld [tilespmem:s6+$0xFFFFFFD0];
	_ =	sdelay $0x4  }
0x2e7: {  	s10 =	sadd.s32 $0x4010, s9;
	v2 =	vshll.u32 v2, $0x12  }
0x2e8: {  	v2 =	vadd.s32 s10, v2  }
0x2e9: {  	v2 =	vor.u32 v0, v2  }
0x2ea: {  	[tilespmem:s5+$0xFFFFFFD0] =	vst v2  }
0x2eb: {  	v2 =	vld [tilespmem:s6+$0xFFFFFFE0];
	_ =	sdelay $0x4  }
0x2ec: {  	s10 =	sadd.s32 $0x4020, s9;
	v2 =	vshll.u32 v2, $0x12  }
0x2ed: {  	v2 =	vadd.s32 s10, v2  }
0x2ee: {  	v2 =	vor.u32 v0, v2  }
0x2ef: {  	[tilespmem:s5+$0xFFFFFFE0] =	vst v2  }
0x2f0: {  	v2 =	vld [tilespmem:s6+$0xFFFFFFF0];
	_ =	sdelay $0x4  }
0x2f1: {  	s10 =	sadd.s32 $0x4030, s9;
	v2 =	vshll.u32 v2, $0x12  }
0x2f2: {  	v2 =	vadd.s32 s10, v2  }
0x2f3: {  	v2 =	vor.u32 v0, v2  }
0x2f4: {  	[tilespmem:s5+$0xFFFFFFF0] =	vst v2  }
0x2f5: {  	v2 =	vld [tilespmem:s6+$0x0];
	_ =	sdelay $0x4  }
0x2f6: {  	s10 =	sadd.s32 $0x4040, s9;
	v2 =	vshll.u32 v2, $0x12  }
0x2f7: {  	v2 =	vadd.s32 s10, v2  }
0x2f8: {  	v2 =	vor.u32 v0, v2  }
0x2f9: {  	[tilespmem:s5+$0x0] =	vst v2  }
0x2fa: {  	v2 =	vld [tilespmem:s6+$0x10];
	_ =	sdelay $0x4  }
0x2fb: {  	s10 =	sadd.s32 $0x4050, s9;
	v2 =	vshll.u32 v2, $0x12  }
0x2fc: {  	v2 =	vadd.s32 s10, v2  }
0x2fd: {  	v2 =	vor.u32 v0, v2  }
0x2fe: {  	[tilespmem:s5+$0x10] =	vst v2  }
0x2ff: {  	v2 =	vld [tilespmem:s6+$0x20];
	_ =	sdelay $0x4  }
0x300: {  	s10 =	sadd.s32 $0x4060, s9;
	v2 =	vshll.u32 v2, $0x12  }
0x301: {  	v2 =	vadd.s32 s10, v2  }
0x302: {  	v2 =	vor.u32 v0, v2  }
0x303: {  	[tilespmem:s5+$0x20] =	vst v2  }
0x304: {  	v2 =	vld [tilespmem:s6+$0x30];
	_ =	sdelay $0x4  }
.Ltmp7:
0x305: {  	s9 =	sadd.s32 $0x4070, s9;
	v2 =	vshll.u32 v2, $0x12;
	(pc) =	sbr.rel @p0 .LBB2_16-.Ltmp7, $4  }
0x306: {  	v2 =	vadd.s32 s9, v2  }
0x307: {  	v2 =	vor.u32 v0, v2  }
0x308: {  	s6 =	sadd.s32 $0x80, s6;
	[tilespmem:s5+$0x30] =	vst v2  }
0x309: {  	s8 =	sadd.s32 $0x80, s8;
	v2 =	vld [tilespmem:s6+$0xFFFFFFC0]  }
0x30a: {  	_ =	sdelay $0x2  }
0x30b: {  	s7 =	sadd.s32 s7, s14  }
0x30c: {  	s8 =	sadd.s32 $0x4000, s7;
	v2 =	vshll.u32 v2, $0x12  }
0x30d: {  	v2 =	vadd.s32 s8, v2  }
0x30e: {  	s5 =	sadd.s32 $0x80, s5;
	v2 =	vor.u32 v0, v2  }
0x30f: {  	[tilespmem:s5+$0xFFFFFFC0] =	vst v2  }
0x310: {  	v2 =	vld [tilespmem:s6+$0xFFFFFFD0];
	_ =	sdelay $0x4  }
0x311: {  	s9 =	sadd.s32 $0x4010, s7;
	v2 =	vshll.u32 v2, $0x12  }
0x312: {  	v2 =	vadd.s32 s9, v2  }
0x313: {  	v2 =	vor.u32 v0, v2  }
0x314: {  	[tilespmem:s5+$0xFFFFFFD0] =	vst v2  }
0x315: {  	v2 =	vld [tilespmem:s6+$0xFFFFFFE0];
	_ =	sdelay $0x4  }
0x316: {  	s10 =	sadd.s32 $0x4020, s7;
	v2 =	vshll.u32 v2, $0x12  }
0x317: {  	v2 =	vadd.s32 s10, v2  }
0x318: {  	v2 =	vor.u32 v0, v2  }
0x319: {  	[tilespmem:s5+$0xFFFFFFE0] =	vst v2  }
0x31a: {  	v2 =	vld [tilespmem:s6+$0xFFFFFFF0];
	_ =	sdelay $0x4  }
0x31b: {  	s9 =	sadd.s32 $0x4030, s7;
	v2 =	vshll.u32 v2, $0x12  }
0x31c: {  	v2 =	vadd.s32 s9, v2  }
0x31d: {  	v2 =	vor.u32 v0, v2  }
0x31e: {  	[tilespmem:s5+$0xFFFFFFF0] =	vst v2  }
0x31f: {  	v2 =	vld [tilespmem:s6+$0x0];
	_ =	sdelay $0x4  }
0x320: {  	s10 =	sadd.s32 $0x4040, s7;
	v2 =	vshll.u32 v2, $0x12  }
0x321: {  	v2 =	vadd.s32 s10, v2  }
0x322: {  	v2 =	vor.u32 v0, v2  }
0x323: {  	[tilespmem:s5+$0x0] =	vst v2  }
0x324: {  	v2 =	vld [tilespmem:s6+$0x10];
	_ =	sdelay $0x4  }
0x325: {  	s9 =	sadd.s32 $0x4050, s7;
	v2 =	vshll.u32 v2, $0x12  }
0x326: {  	v2 =	vadd.s32 s9, v2  }
0x327: {  	v2 =	vor.u32 v0, v2  }
0x328: {  	[tilespmem:s5+$0x10] =	vst v2  }
0x329: {  	v2 =	vld [tilespmem:s6+$0x20];
	_ =	sdelay $0x4  }
0x32a: {  	s10 =	sadd.s32 $0x4060, s7;
	v2 =	vshll.u32 v2, $0x12  }
0x32b: {  	v2 =	vadd.s32 s10, v2  }
0x32c: {  	v2 =	vor.u32 v0, v2  }
0x32d: {  	[tilespmem:s5+$0x20] =	vst v2  }
0x32e: {  	v2 =	vld [tilespmem:s6+$0x30];
	_ =	sdelay $0x4  }
0x32f: {  	s9 =	sadd.s32 $0x4070, s7;
	v2 =	vshll.u32 v2, $0x12  }
0x330: {  	v2 =	vadd.s32 s9, v2  }
0x331: {  	v2 =	vor.u32 v0, v2  }
0x332: {  	[tilespmem:s5+$0x30] =	vst v2  }
0x333: {  	[tilespmem:s19], [sflag:$0x1] =	stream.indirect.gather [hbm4b:s1+s17], $0x1, s18, s17, $0xb8;
	[tilespmem:$0x6080] =	vst v63  }
0x334: {  	_ = 	snop  }
0x335: {  	[tilespmem:s21], [sflag:$0x2] =	stream.indirect.gather [hbm4b:s1+s17], $0x1, s20, s17, $0xb8;
	[tilespmem:$0x6080] =	vst v63  }
0x336: {  	_ =	swait.ge [sflag:s30], $0x800  }
0x337: {  	[sflag:s30] =	ssyncset.done $0x0  }
0x338: {  	[sflag:s30] =	ssyncadd.s32 $0xFFFFF800  }
0x339: {  	_ =	swait.ge [sflag:s31], $0x800  }
0x33a: {  	[sflag:s31] =	ssyncset.done $0x0  }
0x33b: {  	s10 =	simm.s32 $0x0;
	[sflag:s31] =	ssyncadd.s32 $0xFFFFF800  }
0x33c: {  	v2 =	vld [tilespmem:s10+$0x5000];
	_ =	sdelay $0x1  }
0x33d: {  	v3 =	vld [tilespmem:s10+$0x5010];
	_ =	sdelay $0x1  }
0x33e: {  	v4 =	vld [tilespmem:s10+$0x5020]  }
0x33f: {  	v1 =	vadd.f32 v2, v1  }
0x340: {  	v2 =	vld [tilespmem:s10+$0x5030]  }
0x341: {  	v1 =	vadd.f32 v3, v1  }
0x342: {  	v3 =	vld [tilespmem:s10+$0x5040]  }
0x343: {  	v1 =	vadd.f32 v4, v1  }
0x344: {  	v4 =	vld [tilespmem:s10+$0x5050]  }
0x345: {  	v1 =	vadd.f32 v2, v1  }
0x346: {  	v2 =	vld [tilespmem:s10+$0x5060]  }
0x347: {  	v3 =	vadd.f32 v3, v1  }
0x348: {  	v1 =	vld [tilespmem:s10+$0x5070]  }
0x349: {  	s6 =	simm.s32 $0x400;
	s5 =	simm.s32 $0x80;
	v3 =	vadd.f32 v4, v3  }
.LBB2_18:
0x34a: {  	p0 =	sne.s32 s6, $0x3E00;
	v4 =	vld [tilespmem:s5+$0x5000]  }
0x34b: {  	v2 =	vadd.f32 v2, v3  }
0x34c: {  	v3 =	vld [tilespmem:s5+$0x5010]  }
0x34d: {  	v1 =	vadd.f32 v1, v2  }
0x34e: {  	v2 =	vld [tilespmem:s5+$0x5020]  }
0x34f: {  	v1 =	vadd.f32 v4, v1  }
0x350: {  	v4 =	vld [tilespmem:s5+$0x5030]  }
0x351: {  	v1 =	vadd.f32 v3, v1  }
0x352: {  	v3 =	vld [tilespmem:s5+$0x5040]  }
0x353: {  	v1 =	vadd.f32 v2, v1  }
0x354: {  	v5 =	vld [tilespmem:s5+$0x5050]  }
.Ltmp8:
0x355: {  	v1 =	vadd.f32 v4, v1;
	(pc) =	sbr.rel @p0 .LBB2_18-.Ltmp8, $4  }
0x356: {  	v2 =	vld [tilespmem:s5+$0x5060]  }
0x357: {  	v3 =	vadd.f32 v3, v1  }
0x358: {  	v1 =	vld [tilespmem:s5+$0x5070]  }
0x359: {  	s5 =	sshra.s32 s6, $0x2;
	s6 =	sadd.s32 $0x200, s6;
	v3 =	vadd.f32 v5, v3  }
0x35a: {  	v4 =	vld [tilespmem:s5+$0x5000]  }
0x35b: {  	v5 =	vld [tilespmem:s5+$0x5010]  }
0x35c: {  	v6 =	vld [tilespmem:s5+$0x5020]  }
0x35d: {  	v7 =	vld [tilespmem:s5+$0x5030]  }
0x35e: {  	v8 =	vld [tilespmem:s5+$0x5040]  }
0x35f: {  	v9 =	vld [tilespmem:s5+$0x5050]  }
0x360: {  	v10 =	vld [tilespmem:s5+$0x5060]  }
0x361: {  	v11 =	vld [tilespmem:s5+$0x5070];
	_ =	swait.ge [sflag:s22], $0x1000  }
0x362: {  	[sflag:s22] =	ssyncset.done $0x0  }
0x363: {  	s7 =	simm.s32 $0x0;
	s6 =	rddreg [dreg:$0x9];
	[sflag:s22] =	ssyncadd.s32 $0xFFFFF000  }
0x364: {  	[tilespmem:s7], [sflag:$0x5] =	stream.linear.gather [hbm4b:s6+s7], $0x1000, $0x38;
	[tilespmem:$0x6080] =	vst v63  }
0x365: {  	s6 =	simm.s32 $0x1040  }
0x366: {  	v12 =	vld [tilespmem:s6+$0xFFFFFFC0];
	_ =	sdelay $0x3  }
0x367: {  	s7 =	sadd.s32 $0x0, s14  }
0x368: {  	s8 =	sadd.s32 $0x5000, s7;
	v12 =	vshll.u32 v12, $0x12  }
0x369: {  	v12 =	vadd.s32 s8, v12  }
0x36a: {  	s5 =	simm.s32 $0x3040;
	v12 =	vor.u32 v0, v12  }
0x36b: {  	[tilespmem:s5+$0xFFFFFFC0] =	vst v12  }
0x36c: {  	v12 =	vld [tilespmem:s6+$0xFFFFFFD0];
	_ =	sdelay $0x4  }
0x36d: {  	s8 =	sadd.s32 $0x5010, s7;
	v12 =	vshll.u32 v12, $0x12  }
0x36e: {  	v12 =	vadd.s32 s8, v12  }
0x36f: {  	v12 =	vor.u32 v0, v12  }
0x370: {  	[tilespmem:s5+$0xFFFFFFD0] =	vst v12  }
0x371: {  	v12 =	vld [tilespmem:s6+$0xFFFFFFE0];
	_ =	sdelay $0x4  }
0x372: {  	s9 =	sadd.s32 $0x5020, s7;
	v12 =	vshll.u32 v12, $0x12  }
0x373: {  	v12 =	vadd.s32 s9, v12  }
0x374: {  	v12 =	vor.u32 v0, v12  }
0x375: {  	[tilespmem:s5+$0xFFFFFFE0] =	vst v12  }
0x376: {  	v12 =	vld [tilespmem:s6+$0xFFFFFFF0];
	_ =	sdelay $0x4  }
0x377: {  	s10 =	sadd.s32 $0x5030, s7;
	v12 =	vshll.u32 v12, $0x12  }
0x378: {  	v12 =	vadd.s32 s10, v12  }
0x379: {  	v12 =	vor.u32 v0, v12  }
0x37a: {  	[tilespmem:s5+$0xFFFFFFF0] =	vst v12  }
0x37b: {  	v12 =	vld [tilespmem:s6+$0x0];
	_ =	sdelay $0x4  }
0x37c: {  	s9 =	sadd.s32 $0x5040, s7;
	v12 =	vshll.u32 v12, $0x12  }
0x37d: {  	v12 =	vadd.s32 s9, v12  }
0x37e: {  	v12 =	vor.u32 v0, v12  }
0x37f: {  	[tilespmem:s5+$0x0] =	vst v12  }
0x380: {  	v12 =	vld [tilespmem:s6+$0x10];
	_ =	sdelay $0x4  }
0x381: {  	s10 =	sadd.s32 $0x5050, s7;
	v12 =	vshll.u32 v12, $0x12  }
0x382: {  	v12 =	vadd.s32 s10, v12  }
0x383: {  	v12 =	vor.u32 v0, v12  }
0x384: {  	[tilespmem:s5+$0x10] =	vst v12  }
0x385: {  	v2 =	vadd.f32 v2, v3;
	v3 =	vld [tilespmem:s6+$0x20];
	_ =	sdelay $0x1  }
0x386: {  	v1 =	vadd.f32 v1, v2;
	_ =	sdelay $0x1  }
0x387: {  	v1 =	vadd.f32 v4, v1  }
0x388: {  	s9 =	sadd.s32 $0x5060, s7;
	v2 =	vshll.u32 v3, $0x12  }
0x389: {  	v1 =	vadd.f32 v5, v1;
	v2 =	vadd.s32 s9, v2  }
0x38a: {  	v2 =	vor.u32 v0, v2  }
0x38b: {  	v1 =	vadd.f32 v6, v1;
	[tilespmem:s5+$0x20] =	vst v2  }
0x38c: {  	v2 =	vld [tilespmem:s6+$0x30]  }
0x38d: {  	v1 =	vadd.f32 v7, v1;
	_ =	sdelay $0x1  }
0x38e: {  	v1 =	vadd.f32 v8, v1;
	_ =	sdelay $0x1  }
0x38f: {  	v1 =	vadd.f32 v9, v1;
	s10 =	sadd.s32 $0x5070, s7;
	v2 =	vshll.u32 v2, $0x12  }
0x390: {  	v2 =	vadd.s32 s10, v2  }
0x391: {  	v1 =	vadd.f32 v10, v1;
	v2 =	vor.u32 v0, v2  }
0x392: {  	s6 =	simm.s32 $0x10C0;
	[tilespmem:s5+$0x30] =	vst v2  }
0x393: {  	v1 =	vadd.f32 v11, v1;
	s8 =	simm.s32 $0x100;
	s7 =	simm.s32 $0x80;
	v2 =	vld [tilespmem:s6+$0xFFFFFFC0]  }
.LBB2_20:
0x394: {  	p0 =	sne.s32 s8, $0xF80;
	_ =	sdelay $0x2  }
0x395: {  	s9 =	sadd.s32 s7, s14;
	s7 =	smov.u32 s8  }
0x396: {  	s10 =	sadd.s32 $0x5000, s9;
	v2 =	vshll.u32 v2, $0x12  }
0x397: {  	v2 =	vadd.s32 s10, v2  }
0x398: {  	s5 =	sadd.s32 $0x80, s5;
	v2 =	vor.u32 v0, v2  }
0x399: {  	[tilespmem:s5+$0xFFFFFFC0] =	vst v2  }
0x39a: {  	v2 =	vld [tilespmem:s6+$0xFFFFFFD0];
	_ =	sdelay $0x4  }
0x39b: {  	s10 =	sadd.s32 $0x5010, s9;
	v2 =	vshll.u32 v2, $0x12  }
0x39c: {  	v2 =	vadd.s32 s10, v2  }
0x39d: {  	v2 =	vor.u32 v0, v2  }
0x39e: {  	[tilespmem:s5+$0xFFFFFFD0] =	vst v2  }
0x39f: {  	v2 =	vld [tilespmem:s6+$0xFFFFFFE0];
	_ =	sdelay $0x4  }
0x3a0: {  	s10 =	sadd.s32 $0x5020, s9;
	v2 =	vshll.u32 v2, $0x12  }
0x3a1: {  	v2 =	vadd.s32 s10, v2  }
0x3a2: {  	v2 =	vor.u32 v0, v2  }
0x3a3: {  	[tilespmem:s5+$0xFFFFFFE0] =	vst v2  }
0x3a4: {  	v2 =	vld [tilespmem:s6+$0xFFFFFFF0];
	_ =	sdelay $0x4  }
0x3a5: {  	s10 =	sadd.s32 $0x5030, s9;
	v2 =	vshll.u32 v2, $0x12  }
0x3a6: {  	v2 =	vadd.s32 s10, v2  }
0x3a7: {  	v2 =	vor.u32 v0, v2  }
0x3a8: {  	[tilespmem:s5+$0xFFFFFFF0] =	vst v2  }
0x3a9: {  	v2 =	vld [tilespmem:s6+$0x0];
	_ =	sdelay $0x4  }
0x3aa: {  	s10 =	sadd.s32 $0x5040, s9;
	v2 =	vshll.u32 v2, $0x12  }
0x3ab: {  	v2 =	vadd.s32 s10, v2  }
0x3ac: {  	v2 =	vor.u32 v0, v2  }
0x3ad: {  	[tilespmem:s5+$0x0] =	vst v2  }
0x3ae: {  	v2 =	vld [tilespmem:s6+$0x10];
	_ =	sdelay $0x4  }
0x3af: {  	s10 =	sadd.s32 $0x5050, s9;
	v2 =	vshll.u32 v2, $0x12  }
0x3b0: {  	v2 =	vadd.s32 s10, v2  }
0x3b1: {  	v2 =	vor.u32 v0, v2  }
0x3b2: {  	[tilespmem:s5+$0x10] =	vst v2  }
0x3b3: {  	v2 =	vld [tilespmem:s6+$0x20];
	_ =	sdelay $0x4  }
0x3b4: {  	s10 =	sadd.s32 $0x5060, s9;
	v2 =	vshll.u32 v2, $0x12  }
0x3b5: {  	v2 =	vadd.s32 s10, v2  }
0x3b6: {  	v2 =	vor.u32 v0, v2  }
0x3b7: {  	[tilespmem:s5+$0x20] =	vst v2  }
0x3b8: {  	v2 =	vld [tilespmem:s6+$0x30];
	_ =	sdelay $0x4  }
.Ltmp9:
0x3b9: {  	s9 =	sadd.s32 $0x5070, s9;
	v2 =	vshll.u32 v2, $0x12;
	(pc) =	sbr.rel @p0 .LBB2_20-.Ltmp9, $4  }
0x3ba: {  	v2 =	vadd.s32 s9, v2  }
0x3bb: {  	v2 =	vor.u32 v0, v2  }
0x3bc: {  	s6 =	sadd.s32 $0x80, s6;
	[tilespmem:s5+$0x30] =	vst v2  }
0x3bd: {  	s8 =	sadd.s32 $0x80, s8;
	v2 =	vld [tilespmem:s6+$0xFFFFFFC0]  }
0x3be: {  	_ =	sdelay $0x2  }
0x3bf: {  	s7 =	sadd.s32 s7, s14  }
0x3c0: {  	s8 =	sadd.s32 $0x5000, s7;
	v2 =	vshll.u32 v2, $0x12  }
0x3c1: {  	v2 =	vadd.s32 s8, v2  }
0x3c2: {  	s5 =	sadd.s32 $0x80, s5;
	v2 =	vor.u32 v0, v2  }
0x3c3: {  	[tilespmem:s5+$0xFFFFFFC0] =	vst v2  }
0x3c4: {  	v2 =	vld [tilespmem:s6+$0xFFFFFFD0];
	_ =	sdelay $0x4  }
0x3c5: {  	s9 =	sadd.s32 $0x5010, s7;
	v2 =	vshll.u32 v2, $0x12  }
0x3c6: {  	v2 =	vadd.s32 s9, v2  }
0x3c7: {  	v2 =	vor.u32 v0, v2  }
0x3c8: {  	[tilespmem:s5+$0xFFFFFFD0] =	vst v2  }
0x3c9: {  	v2 =	vld [tilespmem:s6+$0xFFFFFFE0];
	_ =	sdelay $0x4  }
0x3ca: {  	s10 =	sadd.s32 $0x5020, s7;
	v2 =	vshll.u32 v2, $0x12  }
0x3cb: {  	v2 =	vadd.s32 s10, v2  }
0x3cc: {  	v2 =	vor.u32 v0, v2  }
0x3cd: {  	[tilespmem:s5+$0xFFFFFFE0] =	vst v2  }
0x3ce: {  	v2 =	vld [tilespmem:s6+$0xFFFFFFF0];
	_ =	sdelay $0x4  }
0x3cf: {  	s9 =	sadd.s32 $0x5030, s7;
	v2 =	vshll.u32 v2, $0x12  }
0x3d0: {  	v2 =	vadd.s32 s9, v2  }
0x3d1: {  	v2 =	vor.u32 v0, v2  }
0x3d2: {  	[tilespmem:s5+$0xFFFFFFF0] =	vst v2  }
0x3d3: {  	v2 =	vld [tilespmem:s6+$0x0];
	_ =	sdelay $0x4  }
0x3d4: {  	s10 =	sadd.s32 $0x5040, s7;
	v2 =	vshll.u32 v2, $0x12  }
0x3d5: {  	v2 =	vadd.s32 s10, v2  }
0x3d6: {  	v2 =	vor.u32 v0, v2  }
0x3d7: {  	[tilespmem:s5+$0x0] =	vst v2  }
0x3d8: {  	v2 =	vld [tilespmem:s6+$0x10];
	_ =	sdelay $0x4  }
0x3d9: {  	s9 =	sadd.s32 $0x5050, s7;
	v2 =	vshll.u32 v2, $0x12  }
0x3da: {  	v2 =	vadd.s32 s9, v2  }
0x3db: {  	v2 =	vor.u32 v0, v2  }
0x3dc: {  	[tilespmem:s5+$0x10] =	vst v2  }
0x3dd: {  	v2 =	vld [tilespmem:s6+$0x20];
	_ =	sdelay $0x4  }
0x3de: {  	s10 =	sadd.s32 $0x5060, s7;
	v2 =	vshll.u32 v2, $0x12  }
0x3df: {  	v2 =	vadd.s32 s10, v2  }
0x3e0: {  	v2 =	vor.u32 v0, v2  }
0x3e1: {  	[tilespmem:s5+$0x20] =	vst v2  }
0x3e2: {  	v2 =	vld [tilespmem:s6+$0x30];
	_ =	sdelay $0x4  }
0x3e3: {  	s9 =	sadd.s32 $0x5070, s7;
	v2 =	vshll.u32 v2, $0x12  }
0x3e4: {  	v2 =	vadd.s32 s9, v2  }
0x3e5: {  	v2 =	vor.u32 v0, v2  }
0x3e6: {  	[tilespmem:s5+$0x30] =	vst v2  }
0x3e7: {  	[tilespmem:s24], [sflag:$0x3] =	stream.indirect.gather [hbm4b:s1+s17], $0x1, s23, s17, $0xb8;
	[tilespmem:$0x6080] =	vst v63  }
0x3e8: {  	_ = 	snop  }
0x3e9: {  	[tilespmem:s26], [sflag:$0x4] =	stream.indirect.gather [hbm4b:s1+s17], $0x1, s25, s17, $0xb8;
	[tilespmem:$0x6080] =	vst v63  }
0x3ea: {  	_ =	swait.ge [sflag:s28], $0x800  }
0x3eb: {  	[sflag:s28] =	ssyncset.done $0x0  }
0x3ec: {  	[sflag:s28] =	ssyncadd.s32 $0xFFFFF800  }
0x3ed: {  	_ =	swait.ge [sflag:s29], $0x800  }
0x3ee: {  	[sflag:s29] =	ssyncset.done $0x0  }
0x3ef: {  	s10 =	simm.s32 $0x0;
	[sflag:s29] =	ssyncadd.s32 $0xFFFFF800  }
0x3f0: {  	v2 =	vld [tilespmem:s10+$0x4000];
	_ =	sdelay $0x1  }
0x3f1: {  	v3 =	vld [tilespmem:s10+$0x4010];
	_ =	sdelay $0x1  }
0x3f2: {  	v4 =	vld [tilespmem:s10+$0x4020]  }
0x3f3: {  	v1 =	vadd.f32 v2, v1  }
0x3f4: {  	v2 =	vld [tilespmem:s10+$0x4030]  }
0x3f5: {  	v1 =	vadd.f32 v3, v1  }
0x3f6: {  	v3 =	vld [tilespmem:s10+$0x4040]  }
0x3f7: {  	v1 =	vadd.f32 v4, v1  }
0x3f8: {  	v4 =	vld [tilespmem:s10+$0x4050]  }
0x3f9: {  	v1 =	vadd.f32 v2, v1  }
0x3fa: {  	v2 =	vld [tilespmem:s10+$0x4060]  }
0x3fb: {  	v3 =	vadd.f32 v3, v1  }
0x3fc: {  	v1 =	vld [tilespmem:s10+$0x4070]  }
0x3fd: {  	s6 =	simm.s32 $0x400;
	s5 =	simm.s32 $0x80;
	v3 =	vadd.f32 v4, v3  }
.LBB2_22:
0x3fe: {  	p0 =	sne.s32 s6, $0x3E00;
	v4 =	vld [tilespmem:s5+$0x4000]  }
0x3ff: {  	v2 =	vadd.f32 v2, v3  }
0x400: {  	v3 =	vld [tilespmem:s5+$0x4010]  }
0x401: {  	v1 =	vadd.f32 v1, v2  }
0x402: {  	v2 =	vld [tilespmem:s5+$0x4020]  }
0x403: {  	v1 =	vadd.f32 v4, v1  }
0x404: {  	v4 =	vld [tilespmem:s5+$0x4030]  }
0x405: {  	v1 =	vadd.f32 v3, v1  }
0x406: {  	v3 =	vld [tilespmem:s5+$0x4040]  }
0x407: {  	v1 =	vadd.f32 v2, v1  }
0x408: {  	v5 =	vld [tilespmem:s5+$0x4050]  }
.Ltmp10:
0x409: {  	v1 =	vadd.f32 v4, v1;
	(pc) =	sbr.rel @p0 .LBB2_22-.Ltmp10, $4  }
0x40a: {  	v2 =	vld [tilespmem:s5+$0x4060]  }
0x40b: {  	v3 =	vadd.f32 v3, v1  }
0x40c: {  	v1 =	vld [tilespmem:s5+$0x4070]  }
0x40d: {  	s5 =	sshra.s32 s6, $0x2;
	s6 =	sadd.s32 $0x200, s6;
	v3 =	vadd.f32 v5, v3  }
0x40e: {  	v4 =	vld [tilespmem:s5+$0x4000]  }
0x40f: {  	v5 =	vld [tilespmem:s5+$0x4010]  }
0x410: {  	v6 =	vld [tilespmem:s5+$0x4020]  }
0x411: {  	v7 =	vld [tilespmem:s5+$0x4030]  }
0x412: {  	v8 =	vld [tilespmem:s5+$0x4040]  }
0x413: {  	v9 =	vld [tilespmem:s5+$0x4050]  }
0x414: {  	v10 =	vld [tilespmem:s5+$0x4060]  }
0x415: {  	v11 =	vld [tilespmem:s5+$0x4070];
	_ =	swait.ge [sflag:s16], $0x1000  }
0x416: {  	[sflag:s16] =	ssyncset.done $0x0  }
0x417: {  	s7 =	simm.s32 $0x0;
	s6 =	simm.s32 $0x40;
	[sflag:s16] =	ssyncadd.s32 $0xFFFFF000  }
0x418: {  	[tilespmem:s15], [sflag:$0x6] =	stream.linear.gather [hbm4b:s11+s7], $0x1000, $0x38;
	[tilespmem:$0x6080] =	vst v63  }
0x419: {  	v12 =	vld [tilespmem:s6+$0xFFFFFFC0];
	_ =	sdelay $0x3  }
0x41a: {  	s7 =	sadd.s32 $0x0, s14  }
0x41b: {  	s8 =	sadd.s32 $0x6000, s7;
	v12 =	vshll.u32 v12, $0x12  }
0x41c: {  	v12 =	vadd.s32 s8, v12  }
0x41d: {  	s5 =	simm.s32 $0x2040;
	v12 =	vor.u32 v0, v12  }
0x41e: {  	[tilespmem:s5+$0xFFFFFFC0] =	vst v12  }
0x41f: {  	v12 =	vld [tilespmem:s6+$0xFFFFFFD0];
	_ =	sdelay $0x4  }
0x420: {  	s8 =	sadd.s32 $0x6010, s7;
	v12 =	vshll.u32 v12, $0x12  }
0x421: {  	v12 =	vadd.s32 s8, v12  }
0x422: {  	v12 =	vor.u32 v0, v12  }
0x423: {  	[tilespmem:s5+$0xFFFFFFD0] =	vst v12  }
0x424: {  	v12 =	vld [tilespmem:s6+$0xFFFFFFE0];
	_ =	sdelay $0x4  }
0x425: {  	s9 =	sadd.s32 $0x6020, s7;
	v12 =	vshll.u32 v12, $0x12  }
0x426: {  	v12 =	vadd.s32 s9, v12  }
0x427: {  	v12 =	vor.u32 v0, v12  }
0x428: {  	[tilespmem:s5+$0xFFFFFFE0] =	vst v12  }
0x429: {  	v12 =	vld [tilespmem:s6+$0xFFFFFFF0];
	_ =	sdelay $0x4  }
0x42a: {  	s10 =	sadd.s32 $0x6030, s7;
	v12 =	vshll.u32 v12, $0x12  }
0x42b: {  	v12 =	vadd.s32 s10, v12  }
0x42c: {  	v12 =	vor.u32 v0, v12  }
0x42d: {  	[tilespmem:s5+$0xFFFFFFF0] =	vst v12  }
0x42e: {  	v12 =	vld [tilespmem:s6+$0x0];
	_ =	sdelay $0x4  }
0x42f: {  	s9 =	sadd.s32 $0x6040, s7;
	v12 =	vshll.u32 v12, $0x12  }
0x430: {  	v12 =	vadd.s32 s9, v12  }
0x431: {  	v12 =	vor.u32 v0, v12  }
0x432: {  	[tilespmem:s5+$0x0] =	vst v12  }
0x433: {  	v12 =	vld [tilespmem:s6+$0x10];
	_ =	sdelay $0x4  }
0x434: {  	s10 =	sadd.s32 $0x6050, s7;
	v12 =	vshll.u32 v12, $0x12  }
0x435: {  	v12 =	vadd.s32 s10, v12  }
0x436: {  	v12 =	vor.u32 v0, v12  }
0x437: {  	[tilespmem:s5+$0x10] =	vst v12  }
0x438: {  	v2 =	vadd.f32 v2, v3;
	v3 =	vld [tilespmem:s6+$0x20];
	_ =	sdelay $0x1  }
0x439: {  	v1 =	vadd.f32 v1, v2;
	_ =	sdelay $0x1  }
0x43a: {  	v1 =	vadd.f32 v4, v1  }
0x43b: {  	s9 =	sadd.s32 $0x6060, s7;
	v2 =	vshll.u32 v3, $0x12  }
0x43c: {  	v1 =	vadd.f32 v5, v1;
	v2 =	vadd.s32 s9, v2  }
0x43d: {  	v2 =	vor.u32 v0, v2  }
0x43e: {  	v1 =	vadd.f32 v6, v1;
	[tilespmem:s5+$0x20] =	vst v2  }
0x43f: {  	v2 =	vld [tilespmem:s6+$0x30]  }
0x440: {  	v1 =	vadd.f32 v7, v1;
	_ =	sdelay $0x1  }
0x441: {  	v1 =	vadd.f32 v8, v1;
	_ =	sdelay $0x1  }
0x442: {  	v1 =	vadd.f32 v9, v1;
	s10 =	sadd.s32 $0x6070, s7;
	v2 =	vshll.u32 v2, $0x12  }
0x443: {  	v2 =	vadd.s32 s10, v2  }
0x444: {  	v1 =	vadd.f32 v10, v1;
	v2 =	vor.u32 v0, v2  }
0x445: {  	s6 =	simm.s32 $0xC0;
	[tilespmem:s5+$0x30] =	vst v2  }
0x446: {  	v1 =	vadd.f32 v11, v1;
	s8 =	simm.s32 $0x100;
	s7 =	simm.s32 $0x80;
	v2 =	vld [tilespmem:s6+$0xFFFFFFC0]  }
.LBB2_24:
0x447: {  	p0 =	sne.s32 s8, $0xF80;
	_ =	sdelay $0x2  }
0x448: {  	s9 =	sadd.s32 s7, s14;
	s7 =	smov.u32 s8  }
0x449: {  	s10 =	sadd.s32 $0x6000, s9;
	v2 =	vshll.u32 v2, $0x12  }
0x44a: {  	v2 =	vadd.s32 s10, v2  }
0x44b: {  	s5 =	sadd.s32 $0x80, s5;
	v2 =	vor.u32 v0, v2  }
0x44c: {  	[tilespmem:s5+$0xFFFFFFC0] =	vst v2  }
0x44d: {  	v2 =	vld [tilespmem:s6+$0xFFFFFFD0];
	_ =	sdelay $0x4  }
0x44e: {  	s10 =	sadd.s32 $0x6010, s9;
	v2 =	vshll.u32 v2, $0x12  }
0x44f: {  	v2 =	vadd.s32 s10, v2  }
0x450: {  	v2 =	vor.u32 v0, v2  }
0x451: {  	[tilespmem:s5+$0xFFFFFFD0] =	vst v2  }
0x452: {  	v2 =	vld [tilespmem:s6+$0xFFFFFFE0];
	_ =	sdelay $0x4  }
0x453: {  	s10 =	sadd.s32 $0x6020, s9;
	v2 =	vshll.u32 v2, $0x12  }
0x454: {  	v2 =	vadd.s32 s10, v2  }
0x455: {  	v2 =	vor.u32 v0, v2  }
0x456: {  	[tilespmem:s5+$0xFFFFFFE0] =	vst v2  }
0x457: {  	v2 =	vld [tilespmem:s6+$0xFFFFFFF0];
	_ =	sdelay $0x4  }
0x458: {  	s10 =	sadd.s32 $0x6030, s9;
	v2 =	vshll.u32 v2, $0x12  }
0x459: {  	v2 =	vadd.s32 s10, v2  }
0x45a: {  	v2 =	vor.u32 v0, v2  }
0x45b: {  	[tilespmem:s5+$0xFFFFFFF0] =	vst v2  }
0x45c: {  	v2 =	vld [tilespmem:s6+$0x0];
	_ =	sdelay $0x4  }
0x45d: {  	s10 =	sadd.s32 $0x6040, s9;
	v2 =	vshll.u32 v2, $0x12  }
0x45e: {  	v2 =	vadd.s32 s10, v2  }
0x45f: {  	v2 =	vor.u32 v0, v2  }
0x460: {  	[tilespmem:s5+$0x0] =	vst v2  }
0x461: {  	v2 =	vld [tilespmem:s6+$0x10];
	_ =	sdelay $0x4  }
0x462: {  	s10 =	sadd.s32 $0x6050, s9;
	v2 =	vshll.u32 v2, $0x12  }
0x463: {  	v2 =	vadd.s32 s10, v2  }
0x464: {  	v2 =	vor.u32 v0, v2  }
0x465: {  	[tilespmem:s5+$0x10] =	vst v2  }
0x466: {  	v2 =	vld [tilespmem:s6+$0x20];
	_ =	sdelay $0x4  }
0x467: {  	s10 =	sadd.s32 $0x6060, s9;
	v2 =	vshll.u32 v2, $0x12  }
0x468: {  	v2 =	vadd.s32 s10, v2  }
0x469: {  	v2 =	vor.u32 v0, v2  }
0x46a: {  	[tilespmem:s5+$0x20] =	vst v2  }
0x46b: {  	v2 =	vld [tilespmem:s6+$0x30];
	_ =	sdelay $0x4  }
.Ltmp11:
0x46c: {  	s9 =	sadd.s32 $0x6070, s9;
	v2 =	vshll.u32 v2, $0x12;
	(pc) =	sbr.rel @p0 .LBB2_24-.Ltmp11, $4  }
0x46d: {  	v2 =	vadd.s32 s9, v2  }
0x46e: {  	v2 =	vor.u32 v0, v2  }
0x46f: {  	s6 =	sadd.s32 $0x80, s6;
	[tilespmem:s5+$0x30] =	vst v2  }
0x470: {  	s8 =	sadd.s32 $0x80, s8;
	v2 =	vld [tilespmem:s6+$0xFFFFFFC0]  }
0x471: {  	_ =	sdelay $0x2  }
0x472: {  	s7 =	sadd.s32 s7, s14  }
0x473: {  	s8 =	sadd.s32 $0x6000, s7;
	v2 =	vshll.u32 v2, $0x12  }
0x474: {  	v2 =	vadd.s32 s8, v2  }
0x475: {  	s5 =	sadd.s32 $0x80, s5;
	v2 =	vor.u32 v0, v2  }
0x476: {  	[tilespmem:s5+$0xFFFFFFC0] =	vst v2  }
0x477: {  	v2 =	vld [tilespmem:s6+$0xFFFFFFD0];
	_ =	sdelay $0x4  }
0x478: {  	s9 =	sadd.s32 $0x6010, s7;
	v2 =	vshll.u32 v2, $0x12  }
0x479: {  	v2 =	vadd.s32 s9, v2  }
0x47a: {  	v2 =	vor.u32 v0, v2  }
0x47b: {  	[tilespmem:s5+$0xFFFFFFD0] =	vst v2  }
0x47c: {  	v2 =	vld [tilespmem:s6+$0xFFFFFFE0];
	_ =	sdelay $0x4  }
0x47d: {  	s10 =	sadd.s32 $0x6020, s7;
	v2 =	vshll.u32 v2, $0x12  }
0x47e: {  	v2 =	vadd.s32 s10, v2  }
0x47f: {  	v2 =	vor.u32 v0, v2  }
0x480: {  	[tilespmem:s5+$0xFFFFFFE0] =	vst v2  }
0x481: {  	v2 =	vld [tilespmem:s6+$0xFFFFFFF0];
	_ =	sdelay $0x4  }
0x482: {  	s9 =	sadd.s32 $0x6030, s7;
	v2 =	vshll.u32 v2, $0x12  }
0x483: {  	v2 =	vadd.s32 s9, v2  }
0x484: {  	v2 =	vor.u32 v0, v2  }
0x485: {  	[tilespmem:s5+$0xFFFFFFF0] =	vst v2  }
0x486: {  	v2 =	vld [tilespmem:s6+$0x0];
	_ =	sdelay $0x4  }
0x487: {  	s10 =	sadd.s32 $0x6040, s7;
	v2 =	vshll.u32 v2, $0x12  }
0x488: {  	v2 =	vadd.s32 s10, v2  }
0x489: {  	v2 =	vor.u32 v0, v2  }
0x48a: {  	[tilespmem:s5+$0x0] =	vst v2  }
0x48b: {  	v2 =	vld [tilespmem:s6+$0x10];
	_ =	sdelay $0x4  }
0x48c: {  	s9 =	sadd.s32 $0x6050, s7;
	v2 =	vshll.u32 v2, $0x12  }
0x48d: {  	v2 =	vadd.s32 s9, v2  }
0x48e: {  	v2 =	vor.u32 v0, v2  }
0x48f: {  	[tilespmem:s5+$0x10] =	vst v2  }
0x490: {  	v2 =	vld [tilespmem:s6+$0x20];
	_ =	sdelay $0x4  }
0x491: {  	s10 =	sadd.s32 $0x6060, s7;
	v2 =	vshll.u32 v2, $0x12  }
0x492: {  	v2 =	vadd.s32 s10, v2  }
0x493: {  	v2 =	vor.u32 v0, v2  }
0x494: {  	[tilespmem:s5+$0x20] =	vst v2  }
0x495: {  	v2 =	vld [tilespmem:s6+$0x30];
	_ =	sdelay $0x4  }
0x496: {  	s9 =	sadd.s32 $0x6070, s7;
	v2 =	vshll.u32 v2, $0x12  }
0x497: {  	v2 =	vadd.s32 s9, v2  }
0x498: {  	v2 =	vor.u32 v0, v2  }
0x499: {  	[tilespmem:s5+$0x30] =	vst v2  }
0x49a: {  	[tilespmem:s19], [sflag:$0x1] =	stream.indirect.gather [hbm4b:s1+s17], $0x1, s18, s17, $0xb8;
	[tilespmem:$0x6080] =	vst v63  }
0x49b: {  	_ = 	snop  }
0x49c: {  	[tilespmem:s21], [sflag:$0x2] =	stream.indirect.gather [hbm4b:s1+s17], $0x1, s20, s17, $0xb8;
	[tilespmem:$0x6080] =	vst v63  }
0x49d: {  	_ =	swait.ge [sflag:s30], $0x800  }
0x49e: {  	[sflag:s30] =	ssyncset.done $0x0  }
0x49f: {  	[sflag:s30] =	ssyncadd.s32 $0xFFFFF800  }
0x4a0: {  	_ =	swait.ge [sflag:s31], $0x800  }
0x4a1: {  	[sflag:s31] =	ssyncset.done $0x0  }
0x4a2: {  	s10 =	simm.s32 $0x0;
	[sflag:s31] =	ssyncadd.s32 $0xFFFFF800  }
0x4a3: {  	v2 =	vld [tilespmem:s10+$0x5000];
	_ =	sdelay $0x1  }
0x4a4: {  	v3 =	vld [tilespmem:s10+$0x5010];
	_ =	sdelay $0x1  }
0x4a5: {  	v4 =	vld [tilespmem:s10+$0x5020]  }
0x4a6: {  	v1 =	vadd.f32 v2, v1  }
0x4a7: {  	v2 =	vld [tilespmem:s10+$0x5030]  }
0x4a8: {  	v1 =	vadd.f32 v3, v1  }
0x4a9: {  	v3 =	vld [tilespmem:s10+$0x5040]  }
0x4aa: {  	v1 =	vadd.f32 v4, v1  }
0x4ab: {  	v4 =	vld [tilespmem:s10+$0x5050]  }
0x4ac: {  	v1 =	vadd.f32 v2, v1  }
0x4ad: {  	v2 =	vld [tilespmem:s10+$0x5060]  }
0x4ae: {  	v3 =	vadd.f32 v3, v1  }
0x4af: {  	v1 =	vld [tilespmem:s10+$0x5070]  }
0x4b0: {  	s6 =	simm.s32 $0x400;
	s5 =	simm.s32 $0x80;
	v3 =	vadd.f32 v4, v3  }
.LBB2_26:
0x4b1: {  	p0 =	sne.s32 s6, $0x3E00;
	v4 =	vld [tilespmem:s5+$0x5000]  }
0x4b2: {  	v2 =	vadd.f32 v2, v3  }
0x4b3: {  	v3 =	vld [tilespmem:s5+$0x5010]  }
0x4b4: {  	v1 =	vadd.f32 v1, v2  }
0x4b5: {  	v2 =	vld [tilespmem:s5+$0x5020]  }
0x4b6: {  	v1 =	vadd.f32 v4, v1  }
0x4b7: {  	v4 =	vld [tilespmem:s5+$0x5030]  }
0x4b8: {  	v1 =	vadd.f32 v3, v1  }
0x4b9: {  	v3 =	vld [tilespmem:s5+$0x5040]  }
0x4ba: {  	v1 =	vadd.f32 v2, v1  }
0x4bb: {  	v5 =	vld [tilespmem:s5+$0x5050]  }
.Ltmp12:
0x4bc: {  	v1 =	vadd.f32 v4, v1;
	(pc) =	sbr.rel @p0 .LBB2_26-.Ltmp12, $4  }
0x4bd: {  	v2 =	vld [tilespmem:s5+$0x5060]  }
0x4be: {  	v3 =	vadd.f32 v3, v1  }
0x4bf: {  	v1 =	vld [tilespmem:s5+$0x5070]  }
0x4c0: {  	s5 =	sshra.s32 s6, $0x2;
	s6 =	sadd.s32 $0x200, s6;
	v3 =	vadd.f32 v5, v3  }
0x4c1: {  	v4 =	vld [tilespmem:s5+$0x5000]  }
0x4c2: {  	v5 =	vld [tilespmem:s5+$0x5010]  }
0x4c3: {  	v6 =	vld [tilespmem:s5+$0x5020]  }
0x4c4: {  	v7 =	vld [tilespmem:s5+$0x5030]  }
0x4c5: {  	v8 =	vld [tilespmem:s5+$0x5040]  }
0x4c6: {  	v9 =	vld [tilespmem:s5+$0x5050]  }
0x4c7: {  	v10 =	vld [tilespmem:s5+$0x5060]  }
0x4c8: {  	v11 =	vld [tilespmem:s5+$0x5070];
	_ =	swait.ge [sflag:s22], $0x1000  }
0x4c9: {  	[sflag:s22] =	ssyncset.done $0x0  }
0x4ca: {  	s6 =	simm.s32 $0x1040;
	[sflag:s22] =	ssyncadd.s32 $0xFFFFF000  }
0x4cb: {  	v12 =	vld [tilespmem:s6+$0xFFFFFFC0];
	_ =	sdelay $0x3  }
0x4cc: {  	s7 =	sadd.s32 $0x0, s14  }
0x4cd: {  	s8 =	sadd.s32 $0x7000, s7;
	v12 =	vshll.u32 v12, $0x12  }
0x4ce: {  	v12 =	vadd.s32 s8, v12  }
0x4cf: {  	s5 =	simm.s32 $0x3040;
	v12 =	vor.u32 v0, v12  }
0x4d0: {  	[tilespmem:s5+$0xFFFFFFC0] =	vst v12  }
0x4d1: {  	v12 =	vld [tilespmem:s6+$0xFFFFFFD0];
	_ =	sdelay $0x4  }
0x4d2: {  	s8 =	sadd.s32 $0x7010, s7;
	v12 =	vshll.u32 v12, $0x12  }
0x4d3: {  	v12 =	vadd.s32 s8, v12  }
0x4d4: {  	v12 =	vor.u32 v0, v12  }
0x4d5: {  	[tilespmem:s5+$0xFFFFFFD0] =	vst v12  }
0x4d6: {  	v12 =	vld [tilespmem:s6+$0xFFFFFFE0];
	_ =	sdelay $0x4  }
0x4d7: {  	s9 =	sadd.s32 $0x7020, s7;
	v12 =	vshll.u32 v12, $0x12  }
0x4d8: {  	v12 =	vadd.s32 s9, v12  }
0x4d9: {  	v12 =	vor.u32 v0, v12  }
0x4da: {  	[tilespmem:s5+$0xFFFFFFE0] =	vst v12  }
0x4db: {  	v12 =	vld [tilespmem:s6+$0xFFFFFFF0];
	_ =	sdelay $0x4  }
0x4dc: {  	s10 =	sadd.s32 $0x7030, s7;
	v12 =	vshll.u32 v12, $0x12  }
0x4dd: {  	v12 =	vadd.s32 s10, v12  }
0x4de: {  	v12 =	vor.u32 v0, v12  }
0x4df: {  	[tilespmem:s5+$0xFFFFFFF0] =	vst v12  }
0x4e0: {  	v12 =	vld [tilespmem:s6+$0x0];
	_ =	sdelay $0x4  }
0x4e1: {  	s9 =	sadd.s32 $0x7040, s7;
	v12 =	vshll.u32 v12, $0x12  }
0x4e2: {  	v12 =	vadd.s32 s9, v12  }
0x4e3: {  	v12 =	vor.u32 v0, v12  }
0x4e4: {  	[tilespmem:s5+$0x0] =	vst v12  }
0x4e5: {  	v12 =	vld [tilespmem:s6+$0x10];
	_ =	sdelay $0x4  }
0x4e6: {  	s10 =	sadd.s32 $0x7050, s7;
	v12 =	vshll.u32 v12, $0x12  }
0x4e7: {  	v12 =	vadd.s32 s10, v12  }
0x4e8: {  	v12 =	vor.u32 v0, v12  }
0x4e9: {  	[tilespmem:s5+$0x10] =	vst v12  }
0x4ea: {  	v2 =	vadd.f32 v2, v3;
	v3 =	vld [tilespmem:s6+$0x20];
	_ =	sdelay $0x1  }
0x4eb: {  	v1 =	vadd.f32 v1, v2;
	_ =	sdelay $0x1  }
0x4ec: {  	v1 =	vadd.f32 v4, v1  }
0x4ed: {  	s9 =	sadd.s32 $0x7060, s7;
	v2 =	vshll.u32 v3, $0x12  }
0x4ee: {  	v1 =	vadd.f32 v5, v1;
	v2 =	vadd.s32 s9, v2  }
0x4ef: {  	v2 =	vor.u32 v0, v2  }
0x4f0: {  	v1 =	vadd.f32 v6, v1;
	[tilespmem:s5+$0x20] =	vst v2  }
0x4f1: {  	v2 =	vld [tilespmem:s6+$0x30]  }
0x4f2: {  	v1 =	vadd.f32 v7, v1;
	_ =	sdelay $0x1  }
0x4f3: {  	v1 =	vadd.f32 v8, v1;
	_ =	sdelay $0x1  }
0x4f4: {  	v1 =	vadd.f32 v9, v1;
	s10 =	sadd.s32 $0x7070, s7;
	v2 =	vshll.u32 v2, $0x12  }
0x4f5: {  	v2 =	vadd.s32 s10, v2  }
0x4f6: {  	v1 =	vadd.f32 v10, v1;
	v2 =	vor.u32 v0, v2  }
0x4f7: {  	s6 =	simm.s32 $0x10C0;
	[tilespmem:s5+$0x30] =	vst v2  }
0x4f8: {  	s8 =	simm.s32 $0x100;
	v1 =	vadd.f32 v11, v1;
	s7 =	simm.s32 $0x80;
	v2 =	vld [tilespmem:s6+$0xFFFFFFC0]  }
.LBB2_28:
0x4f9: {  	p0 =	sne.s32 s8, $0xF80;
	_ =	sdelay $0x2  }
0x4fa: {  	s9 =	sadd.s32 s7, s14;
	s7 =	smov.u32 s8  }
0x4fb: {  	s10 =	sadd.s32 $0x7000, s9;
	v2 =	vshll.u32 v2, $0x12  }
0x4fc: {  	v2 =	vadd.s32 s10, v2  }
0x4fd: {  	s5 =	sadd.s32 $0x80, s5;
	v2 =	vor.u32 v0, v2  }
0x4fe: {  	[tilespmem:s5+$0xFFFFFFC0] =	vst v2  }
0x4ff: {  	v2 =	vld [tilespmem:s6+$0xFFFFFFD0];
	_ =	sdelay $0x4  }
0x500: {  	s10 =	sadd.s32 $0x7010, s9;
	v2 =	vshll.u32 v2, $0x12  }
0x501: {  	v2 =	vadd.s32 s10, v2  }
0x502: {  	v2 =	vor.u32 v0, v2  }
0x503: {  	[tilespmem:s5+$0xFFFFFFD0] =	vst v2  }
0x504: {  	v2 =	vld [tilespmem:s6+$0xFFFFFFE0];
	_ =	sdelay $0x4  }
0x505: {  	s10 =	sadd.s32 $0x7020, s9;
	v2 =	vshll.u32 v2, $0x12  }
0x506: {  	v2 =	vadd.s32 s10, v2  }
0x507: {  	v2 =	vor.u32 v0, v2  }
0x508: {  	[tilespmem:s5+$0xFFFFFFE0] =	vst v2  }
0x509: {  	v2 =	vld [tilespmem:s6+$0xFFFFFFF0];
	_ =	sdelay $0x4  }
0x50a: {  	s10 =	sadd.s32 $0x7030, s9;
	v2 =	vshll.u32 v2, $0x12  }
0x50b: {  	v2 =	vadd.s32 s10, v2  }
0x50c: {  	v2 =	vor.u32 v0, v2  }
0x50d: {  	[tilespmem:s5+$0xFFFFFFF0] =	vst v2  }
0x50e: {  	v2 =	vld [tilespmem:s6+$0x0];
	_ =	sdelay $0x4  }
0x50f: {  	s10 =	sadd.s32 $0x7040, s9;
	v2 =	vshll.u32 v2, $0x12  }
0x510: {  	v2 =	vadd.s32 s10, v2  }
0x511: {  	v2 =	vor.u32 v0, v2  }
0x512: {  	[tilespmem:s5+$0x0] =	vst v2  }
0x513: {  	v2 =	vld [tilespmem:s6+$0x10];
	_ =	sdelay $0x4  }
0x514: {  	s10 =	sadd.s32 $0x7050, s9;
	v2 =	vshll.u32 v2, $0x12  }
0x515: {  	v2 =	vadd.s32 s10, v2  }
0x516: {  	v2 =	vor.u32 v0, v2  }
0x517: {  	[tilespmem:s5+$0x10] =	vst v2  }
0x518: {  	v2 =	vld [tilespmem:s6+$0x20];
	_ =	sdelay $0x4  }
0x519: {  	s10 =	sadd.s32 $0x7060, s9;
	v2 =	vshll.u32 v2, $0x12  }
0x51a: {  	v2 =	vadd.s32 s10, v2  }
0x51b: {  	v2 =	vor.u32 v0, v2  }
0x51c: {  	[tilespmem:s5+$0x20] =	vst v2  }
0x51d: {  	v2 =	vld [tilespmem:s6+$0x30];
	_ =	sdelay $0x4  }
.Ltmp13:
0x51e: {  	s9 =	sadd.s32 $0x7070, s9;
	v2 =	vshll.u32 v2, $0x12;
	(pc) =	sbr.rel @p0 .LBB2_28-.Ltmp13, $4  }
0x51f: {  	v2 =	vadd.s32 s9, v2  }
0x520: {  	v2 =	vor.u32 v0, v2  }
0x521: {  	s6 =	sadd.s32 $0x80, s6;
	[tilespmem:s5+$0x30] =	vst v2  }
0x522: {  	s8 =	sadd.s32 $0x80, s8;
	v2 =	vld [tilespmem:s6+$0xFFFFFFC0]  }
0x523: {  	_ =	sdelay $0x2  }
0x524: {  	s7 =	sadd.s32 s7, s14  }
0x525: {  	s8 =	sadd.s32 $0x7000, s7;
	v2 =	vshll.u32 v2, $0x12  }
0x526: {  	v2 =	vadd.s32 s8, v2  }
0x527: {  	s5 =	sadd.s32 $0x80, s5;
	v2 =	vor.u32 v0, v2  }
0x528: {  	[tilespmem:s5+$0xFFFFFFC0] =	vst v2  }
0x529: {  	v2 =	vld [tilespmem:s6+$0xFFFFFFD0];
	_ =	sdelay $0x4  }
0x52a: {  	s9 =	sadd.s32 $0x7010, s7;
	v2 =	vshll.u32 v2, $0x12  }
0x52b: {  	v2 =	vadd.s32 s9, v2  }
0x52c: {  	v2 =	vor.u32 v0, v2  }
0x52d: {  	[tilespmem:s5+$0xFFFFFFD0] =	vst v2  }
0x52e: {  	v2 =	vld [tilespmem:s6+$0xFFFFFFE0];
	_ =	sdelay $0x4  }
0x52f: {  	s10 =	sadd.s32 $0x7020, s7;
	v2 =	vshll.u32 v2, $0x12  }
0x530: {  	v2 =	vadd.s32 s10, v2  }
0x531: {  	v2 =	vor.u32 v0, v2  }
0x532: {  	[tilespmem:s5+$0xFFFFFFE0] =	vst v2  }
0x533: {  	v2 =	vld [tilespmem:s6+$0xFFFFFFF0];
	_ =	sdelay $0x4  }
0x534: {  	s9 =	sadd.s32 $0x7030, s7;
	v2 =	vshll.u32 v2, $0x12  }
0x535: {  	v2 =	vadd.s32 s9, v2  }
0x536: {  	v2 =	vor.u32 v0, v2  }
0x537: {  	[tilespmem:s5+$0xFFFFFFF0] =	vst v2  }
0x538: {  	v2 =	vld [tilespmem:s6+$0x0];
	_ =	sdelay $0x4  }
0x539: {  	s10 =	sadd.s32 $0x7040, s7;
	v2 =	vshll.u32 v2, $0x12  }
0x53a: {  	v2 =	vadd.s32 s10, v2  }
0x53b: {  	v2 =	vor.u32 v0, v2  }
0x53c: {  	[tilespmem:s5+$0x0] =	vst v2  }
0x53d: {  	v2 =	vld [tilespmem:s6+$0x10];
	_ =	sdelay $0x4  }
0x53e: {  	s9 =	sadd.s32 $0x7050, s7;
	v2 =	vshll.u32 v2, $0x12  }
0x53f: {  	v2 =	vadd.s32 s9, v2  }
0x540: {  	v2 =	vor.u32 v0, v2  }
0x541: {  	[tilespmem:s5+$0x10] =	vst v2  }
0x542: {  	v2 =	vld [tilespmem:s6+$0x20];
	_ =	sdelay $0x4  }
0x543: {  	s10 =	sadd.s32 $0x7060, s7;
	v2 =	vshll.u32 v2, $0x12  }
0x544: {  	v2 =	vadd.s32 s10, v2  }
0x545: {  	v2 =	vor.u32 v0, v2  }
0x546: {  	[tilespmem:s5+$0x20] =	vst v2  }
0x547: {  	v2 =	vld [tilespmem:s6+$0x30];
	_ =	sdelay $0x4  }
0x548: {  	s9 =	sadd.s32 $0x7070, s7;
	v2 =	vshll.u32 v2, $0x12  }
0x549: {  	v2 =	vadd.s32 s9, v2  }
0x54a: {  	v2 =	vor.u32 v0, v2  }
0x54b: {  	[tilespmem:s5+$0x30] =	vst v2  }
0x54c: {  	[tilespmem:s24], [sflag:$0x3] =	stream.indirect.gather [hbm4b:s1+s17], $0x1, s23, s17, $0xb8;
	[tilespmem:$0x6080] =	vst v63  }
0x54d: {  	_ = 	snop  }
0x54e: {  	[tilespmem:s26], [sflag:$0x4] =	stream.indirect.gather [hbm4b:s1+s17], $0x1, s25, s17, $0xb8;
	[tilespmem:$0x6080] =	vst v63  }
0x54f: {  	_ =	swait.ge [sflag:s28], $0x800  }
0x550: {  	[sflag:s28] =	ssyncset.done $0x0  }
0x551: {  	[sflag:s28] =	ssyncadd.s32 $0xFFFFF800  }
0x552: {  	_ =	swait.ge [sflag:s29], $0x800  }
0x553: {  	[sflag:s29] =	ssyncset.done $0x0  }
0x554: {  	s10 =	simm.s32 $0x0;
	[sflag:s29] =	ssyncadd.s32 $0xFFFFF800  }
0x555: {  	v2 =	vld [tilespmem:s10+$0x4000];
	_ =	sdelay $0x1  }
0x556: {  	v3 =	vld [tilespmem:s10+$0x4010];
	_ =	sdelay $0x1  }
0x557: {  	v4 =	vld [tilespmem:s10+$0x4020]  }
0x558: {  	v1 =	vadd.f32 v2, v1  }
0x559: {  	v2 =	vld [tilespmem:s10+$0x4030]  }
0x55a: {  	v1 =	vadd.f32 v3, v1  }
0x55b: {  	v3 =	vld [tilespmem:s10+$0x4040]  }
0x55c: {  	v1 =	vadd.f32 v4, v1  }
0x55d: {  	v4 =	vld [tilespmem:s10+$0x4050]  }
0x55e: {  	v1 =	vadd.f32 v2, v1  }
0x55f: {  	v2 =	vld [tilespmem:s10+$0x4060]  }
0x560: {  	v3 =	vadd.f32 v3, v1  }
0x561: {  	v1 =	vld [tilespmem:s10+$0x4070]  }
0x562: {  	s6 =	simm.s32 $0x400;
	s5 =	simm.s32 $0x80;
	v3 =	vadd.f32 v4, v3  }
.LBB2_30:
0x563: {  	p0 =	sne.s32 s6, $0x3E00;
	v4 =	vld [tilespmem:s5+$0x4000]  }
0x564: {  	v2 =	vadd.f32 v2, v3  }
0x565: {  	v3 =	vld [tilespmem:s5+$0x4010]  }
0x566: {  	v1 =	vadd.f32 v1, v2  }
0x567: {  	v2 =	vld [tilespmem:s5+$0x4020]  }
0x568: {  	v1 =	vadd.f32 v4, v1  }
0x569: {  	v4 =	vld [tilespmem:s5+$0x4030]  }
0x56a: {  	v1 =	vadd.f32 v3, v1  }
0x56b: {  	v3 =	vld [tilespmem:s5+$0x4040]  }
0x56c: {  	v1 =	vadd.f32 v2, v1  }
0x56d: {  	v5 =	vld [tilespmem:s5+$0x4050]  }
.Ltmp14:
0x56e: {  	v1 =	vadd.f32 v4, v1;
	(pc) =	sbr.rel @p0 .LBB2_30-.Ltmp14, $4  }
0x56f: {  	v2 =	vld [tilespmem:s5+$0x4060]  }
0x570: {  	v3 =	vadd.f32 v3, v1  }
0x571: {  	v1 =	vld [tilespmem:s5+$0x4070]  }
0x572: {  	s5 =	sshra.s32 s6, $0x2;
	s6 =	sadd.s32 $0x200, s6;
	v3 =	vadd.f32 v5, v3  }
0x573: {  	v4 =	vld [tilespmem:s5+$0x4000]  }
0x574: {  	v2 =	vadd.f32 v2, v3  }
0x575: {  	v3 =	vld [tilespmem:s5+$0x4010]  }
0x576: {  	v1 =	vadd.f32 v1, v2  }
0x577: {  	v2 =	vld [tilespmem:s5+$0x4020]  }
0x578: {  	v1 =	vadd.f32 v4, v1  }
0x579: {  	v4 =	vld [tilespmem:s5+$0x4030]  }
0x57a: {  	v5 =	vld [tilespmem:s5+$0x4040];
	v1 =	vadd.f32 v3, v1  }
0x57b: {  	v6 =	vld [tilespmem:s5+$0x4060]  }
0x57c: {  	v3 =	vld [tilespmem:s5+$0x4050];
	v1 =	vadd.f32 v2, v1  }
0x57d: {  	v2 =	vld [tilespmem:s5+$0x4070];
	_ =	swait.ge [sflag:s30], $0x800  }
0x57e: {  	[sflag:s30] =	ssyncset.done $0x0;
	v1 =	vadd.f32 v4, v1  }
0x57f: {  	[sflag:s30] =	ssyncadd.s32 $0xFFFFF800  }
0x580: {  	_ =	swait.ge [sflag:s31], $0x800;
	v1 =	vadd.f32 v5, v1  }
0x581: {  	[sflag:s31] =	ssyncset.done $0x0  }
0x582: {  	s10 =	simm.s32 $0x0;
	[sflag:s31] =	ssyncadd.s32 $0xFFFFF800;
	v1 =	vadd.f32 v3, v1  }
0x583: {  	v3 =	vld [tilespmem:s10+$0x5000]  }
0x584: {  	v1 =	vadd.f32 v6, v1  }
0x585: {  	v4 =	vld [tilespmem:s10+$0x5010]  }
0x586: {  	v1 =	vadd.f32 v2, v1  }
0x587: {  	v2 =	vld [tilespmem:s10+$0x5020]  }
0x588: {  	v1 =	vadd.f32 v3, v1  }
0x589: {  	v3 =	vld [tilespmem:s10+$0x5030]  }
0x58a: {  	v1 =	vadd.f32 v4, v1  }
0x58b: {  	v4 =	vld [tilespmem:s10+$0x5040]  }
0x58c: {  	v1 =	vadd.f32 v2, v1  }
0x58d: {  	v5 =	vld [tilespmem:s10+$0x5050]  }
0x58e: {  	v1 =	vadd.f32 v3, v1  }
0x58f: {  	v2 =	vld [tilespmem:s10+$0x5060]  }
0x590: {  	v3 =	vadd.f32 v4, v1  }
0x591: {  	v1 =	vld [tilespmem:s10+$0x5070]  }
0x592: {  	s6 =	simm.s32 $0x400;
	s5 =	simm.s32 $0x80;
	v3 =	vadd.f32 v5, v3  }
.LBB2_32:
0x593: {  	p0 =	sne.s32 s6, $0x3E00;
	v4 =	vld [tilespmem:s5+$0x5000]  }
0x594: {  	v2 =	vadd.f32 v2, v3  }
0x595: {  	v3 =	vld [tilespmem:s5+$0x5010]  }
0x596: {  	v1 =	vadd.f32 v1, v2  }
0x597: {  	v2 =	vld [tilespmem:s5+$0x5020]  }
0x598: {  	v1 =	vadd.f32 v4, v1  }
0x599: {  	v4 =	vld [tilespmem:s5+$0x5030]  }
0x59a: {  	v1 =	vadd.f32 v3, v1  }
0x59b: {  	v3 =	vld [tilespmem:s5+$0x5040]  }
0x59c: {  	v1 =	vadd.f32 v2, v1  }
0x59d: {  	v5 =	vld [tilespmem:s5+$0x5050]  }
.Ltmp15:
0x59e: {  	v1 =	vadd.f32 v4, v1;
	(pc) =	sbr.rel @p0 .LBB2_32-.Ltmp15, $4  }
0x59f: {  	v2 =	vld [tilespmem:s5+$0x5060]  }
0x5a0: {  	v3 =	vadd.f32 v3, v1  }
0x5a1: {  	v1 =	vld [tilespmem:s5+$0x5070]  }
0x5a2: {  	s5 =	sshra.s32 s6, $0x2;
	s6 =	sadd.s32 $0x200, s6;
	v3 =	vadd.f32 v5, v3  }
0x5a3: {  	v4 =	vld [tilespmem:s5+$0x5000]  }
0x5a4: {  	v2 =	vadd.f32 v2, v3  }
0x5a5: {  	v3 =	vld [tilespmem:s5+$0x5010]  }
0x5a6: {  	v1 =	vadd.f32 v1, v2  }
0x5a7: {  	v2 =	vld [tilespmem:s5+$0x5020]  }
0x5a8: {  	v1 =	vadd.f32 v4, v1  }
0x5a9: {  	v62 =	vld [tilespmem:s5+$0x5030]  }
0x5aa: {  	v1 =	vadd.f32 v3, v1  }
0x5ab: {  	v3 =	vld [tilespmem:s5+$0x5040]  }
0x5ac: {  	v1 =	vadd.f32 v2, v1  }
0x5ad: {  	v2 =	vld [tilespmem:s5+$0x5050]  }
0x5ae: {  	v1 =	vadd.f32 v62, v1  }
0x5af: {  	v63 =	vld [tilespmem:s5+$0x5060]  }
0x5b0: {  	v1 =	vadd.f32 v3, v1  }
0x5b1: {  	v3 =	vld [tilespmem:s5+$0x5070]  }
0x5b2: {  	v1 =	vadd.f32 v2, v1;
	_ =	sdelay $0x1  }
0x5b3: {  	v1 =	vadd.f32 v63, v1;
	_ =	sdelay $0x1  }
0x5b4: {  	s0 =	sadd.s32 $0x1, s0;
	v1 =	vadd.f32 v3, v1  }
0x5b5: {  	p0 =	sne.s32 s0, s13  }
.Ltmp16:
0x5b6: {  	s10 =	simm.s32 $0x6000;
	[tilespmem:$0x6000] =	vst v1;
	(pc) =	sbr.rel @p0 .LBB2_1-.Ltmp16, $4  }
0x5b7: {  	[hbm4b:s12+s3] =	stream.linear.scatter [tilespmem:s10], [sflag:$0x7], $0x10, $0x38;
	[tilespmem:$0x6080] =	vst v63  }
0x5b8: {  	_ =	swait.ge [sflag:s2], $0x10  }
0x5b9: {  	[sflag:s2] =	ssyncset.done $0x0  }
0x5ba: {  	[sflag:s2] =	ssyncadd.s32 $0xFFFFFFF0  }
0x5bb: {  	_ =	sfence.sel $0x180000  }
0x5bc: {  	[bflag:$0x0] =	sbarrier.arrive $0xFFFF  }
0x5bd: {  	_ =	strace $0x90000047  }
0x5be: {  	s0 =	stileid.u32;
	[bflag:$0x2] =	sbarrier.arrive $0xFFFF  }
0x5bf: {  	p0 =	sne.s32 s0, $0x0;
	s0 =	rddreg [dreg:$0x3]  }
0x5c0: {  	s0 =	sadd.s32 @!p0 $0x100000, s0  }
0x5c1: {  	[sflag:s0] =	ssyncadd.tile.s32 @!p0 $0x1;
	_ =	shalt  }
.Lfunc_end2:
_tile_overlayer_lowered:
.L_overlay_start_2:
0x5c2: {  	(tag) =	ssettag $0x2  }
0x5c3: {  	s0 =	rddreg [dreg:$0x0];
	s2 =	stileid.u32  }
0x5c4: {  	s1 =	rddreg [dreg:$0x1];
	p0 =	sne.s32 s2, $0x0  }
0x5c5: {  	s3 =	rddreg [dreg:$0x2];
	[bflag:$0x3] =	sbarrier.arrive $0xFFFF;
	s2 =	simm.s32 @!p0 $0x1C07  }
0x5c6: {  	[timem:s3], [sflag:s2] =	dma.local @!p0 [hbm:s0], s1  }
0x5c7: {  	s0 =	simm.s32 @!p0 $0x7  }
0x5c8: {  	_ =	swait.ge @!p0 [sflag:s0], s1  }
0x5c9: {  	s1 =	ssub.s32 @!p0 $0x0, s1;
	[sflag:s0] =	ssyncset.done @!p0 $0x0  }
0x5ca: {  	[sflag:s0] =	ssyncadd.s32 @!p0 s1  }
0x5cb: {  	[bflag:$0x3] =	sbarrier.arrive $0xFFFF  }
0x5cc: {  	_ =	shalt  }

</sc_bundles>
